<compile_context>
chip_gen: v7x
topology: tpu7x:2x2x1
jax: 0.10.2.dev20260603
libtpu: 0.0.44.dev20260713+nightly
codegen_flags: <defaults>
</compile_context>

<pallas_src>
import functools

import jax
import jax.numpy as jnp
from jax import lax
from jax.experimental import pallas as pl
from jax.experimental.pallas import tpu as pltpu
from jax.experimental.pallas import tpu_sc as plsc

EMBED_DIM = 64
SEQ_LEN = 200
BATCH = 1024
NUM_CORES = 2
NUM_SUBCORES = 16
NUM_WORKERS = NUM_CORES * NUM_SUBCORES
CHUNK = 128
TC_PER_L = BATCH // CHUNK
NBUF = 5
LEAD = 2
LANES = 16
LTILES = SEQ_LEN // 8


def _sc_body(n_chunks, x_hbm, table_hbm, pe_hbm, out_hbm,
             idx_v, pe_v, rows_v, gsems, wsems):
    wid = lax.axis_index("s") * NUM_CORES + lax.axis_index("c")
    ci0 = wid * n_chunks
    l0 = ci0 // TC_PER_L
    tl_base = lax.min(l0 // 8, LTILES - 2)

    pltpu.sync_copy(x_hbm.at[pl.ds(tl_base, 2)], idx_v)
    pltpu.sync_copy(pe_hbm.at[pl.ds(0, SEQ_LEN)], pe_v)

    def chunk_idx(j):
        ci = ci0 + j
        l = ci // TC_PER_L
        tc = lax.rem(ci, TC_PER_L)
        return idx_v.at[l // 8 - tl_base, tc, lax.rem(l, 8)]

    def start_gather(j, b):
        pltpu.async_copy(table_hbm.at[chunk_idx(j)], rows_v.at[b], gsems.at[b])

    def wait_gather(j, b):
        pltpu.make_async_copy(
            table_hbm.at[chunk_idx(j)], rows_v.at[b], gsems.at[b]).wait()

    def start_write(j, b):
        ci = ci0 + j
        l = ci // TC_PER_L
        tc = lax.rem(ci, TC_PER_L)
        pltpu.async_copy(
            rows_v.at[b],
            out_hbm.at[pl.ds(tc * CHUNK, CHUNK),
                       pl.ds(l * EMBED_DIM, EMBED_DIM)],
            wsems.at[b])

    def wait_write(b):
        pltpu.make_async_copy(
            rows_v.at[b],
            out_hbm.at[pl.ds(0, CHUNK), pl.ds(0, EMBED_DIM)],
            wsems.at[b]).wait()

    def compute(j, b):
        ci = ci0 + j
        l = ci // TC_PER_L
        pe_q = [pe_v[l, pl.ds(q * LANES, LANES)]
                for q in range(EMBED_DIM // LANES)]

        def add_row(i, carry2):
            for q in range(EMBED_DIM // LANES):
                sl = pl.ds(q * LANES, LANES)
                rows_v[b, i, sl] = rows_v[b, i, sl] + pe_q[q]
            return carry2

        lax.fori_loop(0, CHUNK, add_row, 0, unroll=4)

    for j in range(LEAD):
        start_gather(j, j % NBUF)

    def outer(j5, carry):
        for b in range(NBUF):
            j = j5 * NBUF + b
            bn = (b + LEAD) % NBUF

            @pl.when(j + LEAD < n_chunks)
            def _():
                @pl.when(j >= NBUF - LEAD)
                def _():
                    wait_write(bn)
                start_gather(j + LEAD, bn)

            wait_gather(j, b)
            compute(j, b)
            start_write(j, b)
        return carry

    lax.fori_loop(0, n_chunks // NBUF, outer, 0)

    for b in range(NBUF):
        wait_write(b)


def kernel(x, token_table, pe_table):
    B, L = x.shape
    total = B * L
    n_chunks = total // (NUM_WORKERS * CHUNK)
    assert n_chunks * NUM_WORKERS * CHUNK == total
    assert n_chunks % NBUF == 0 and NBUF > LEAD
    assert B % CHUNK == 0 and L == SEQ_LEN and L % 8 == 0

    xn = (x.astype(jnp.int32)
          .reshape(TC_PER_L, CHUNK, LTILES, 8)
          .transpose(2, 0, 3, 1))
    pe_s = pe_table[:SEQ_LEN]

    mesh = plsc.VectorSubcoreMesh(core_axis_name="c", subcore_axis_name="s")
    run = pl.kernel(
        functools.partial(_sc_body, n_chunks),
        out_type=jax.ShapeDtypeStruct((B, L * EMBED_DIM), jnp.float32),
        mesh=mesh,
        compiler_params=pltpu.CompilerParams(use_tc_tiling_on_sc=False),
        scratch_types=[
            pltpu.VMEM((2, TC_PER_L, 8, CHUNK), jnp.int32),
            pltpu.VMEM((SEQ_LEN, EMBED_DIM), jnp.float32),
            pltpu.VMEM((NBUF, CHUNK, EMBED_DIM), jnp.float32),
            pltpu.SemaphoreType.DMA((NBUF,)),
            pltpu.SemaphoreType.DMA((NBUF,)),
        ],
    )
    out = run(xn, token_table, pe_s)
    return out.reshape(B, L, EMBED_DIM)

# --- scband reference (transcript-rebuilt; emitter-appended) ---
"""Pipeline reference for scband-text-embedding-84739704750448 (READ-ONLY COPY).

The authoritative reference and input builder live on the scoring server;
editing this copy changes nothing except your own understanding.
"""

import jax, jax.numpy as jnp
import numpy as np

VOCAB = 1000000
EMBED_DIM = 64
MAX_LEN = 2048
B, L = 1024, 200
EMBED_SCALE = 1.0

def setup_inputs(seed: int = 0) -> dict:
    key = jax.random.key(seed)
    k1, k2, k3 = jax.random.split(key, 3)
    x = jax.random.randint(k1, (B, L), 0, VOCAB, dtype=jnp.int64 if jax.config.jax_enable_x64 else jnp.int32)
    token_table = jax.random.normal(k2, (VOCAB, EMBED_DIM), dtype=jnp.float32) * 0.02
    pe_table = jax.random.normal(k3, (MAX_LEN, EMBED_DIM), dtype=jnp.float32) * 0.02
    return {"x": x, "token_table": token_table, "pe_table": pe_table}

def reference(x, token_table, pe_table):
    # embed = self.token_embed(x) * self.embed_scale
    embed = jnp.take(token_table, x, axis=0) * EMBED_SCALE
    # embed += self.pe(x.shape)  -> positional embedding broadcast over batch
    embed = embed + pe_table[: x.shape[1]][None, :, :]
    return embed

if __name__ == "__main__":
    import jax
    _d = setup_inputs()
    print(jax.jit(kernel)(*tuple(_d.values())))

</pallas_src>

<mosaic_0001>
#map = affine_map<(d0, d1) -> (0, 0, 0, 0)>
#map1 = affine_map<(d0, d1) -> (0, 0)>
module attributes {stable_mosaic.version = 14 : i64} {
  func.func @_sc_body(%arg0: i32, %arg1: i32, %arg2: memref<25x8x8x128xi32, #tpu.memory_space<hbm>>, %arg3: memref<1000000x64xf32, #tpu.memory_space<hbm>>, %arg4: memref<200x64xf32, #tpu.memory_space<hbm>>, %arg5: memref<1024x12800xf32, #tpu.memory_space<hbm>>, %arg6: memref<2x8x8x128xi32, #tpu.memory_space<vmem>>, %arg7: memref<200x64xf32, #tpu.memory_space<vmem>>, %arg8: memref<5x128x64xf32, #tpu.memory_space<vmem>>, %arg9: memref<5x!tpu.dma_semaphore, #tpu.memory_space<semaphore_mem>>, %arg10: memref<5x!tpu.dma_semaphore, #tpu.memory_space<semaphore_mem>>) attributes {dimension_semantics = [#tpu.dimension_semantics<core_parallel>, #tpu.dimension_semantics<subcore_parallel>], iteration_bounds = array<i64: 2, 16>, scalar_prefetch = 0 : i64, scratch_operands = 5 : i64, tpu.core_type = #tpu.core_type<sc_vector_subcore>, window_params = [{transform_indices = #map}, {transform_indices = #map1}, {transform_indices = #map1}, {transform_indices = #map1}]} {
    %mul3A = arith.constant 2 : i32
    %mul3A_0 = arith.muli %arg1, %mul3A : i32
    %add3A = arith.addi %mul3A_0, %arg0 : i32
    %mul3A_1 = arith.constant 50 : i32
    %mul3A_2 = arith.muli %add3A, %mul3A_1 : i32
    %jit3A = arith.constant 8 : i32
    %div3A = arith.divsi %mul3A_2, %jit3A : i32
    %sign3A = arith.constant 0 : i32
    %sign3A_3 = arith.cmpi sgt, %mul3A_2, %sign3A : i32
    %sign3A_4 = arith.extui %sign3A_3 : i1 to i32
    %sign3A_5 = arith.constant 0 : i32
    %sign3A_6 = arith.cmpi slt, %mul3A_2, %sign3A_5 : i32
    %sign3A_7 = arith.extui %sign3A_6 : i1 to i32
    %sign3A_8 = arith.subi %sign3A_4, %sign3A_7 : i32
    %sign3A_9 = arith.constant 0 : i32
    %sign3A_10 = arith.cmpi sgt, %jit3A, %sign3A_9 : i32
    %sign3A_11 = arith.extui %sign3A_10 : i1 to i32
    %sign3A_12 = arith.constant 0 : i32
    %sign3A_13 = arith.cmpi slt, %jit3A, %sign3A_12 : i32
    %sign3A_14 = arith.extui %sign3A_13 : i1 to i32
    %sign3A_15 = arith.subi %sign3A_11, %sign3A_14 : i32
    %ne3A = arith.cmpi ne, %sign3A_8, %sign3A_15 : i32
    %rem3A = arith.remsi %mul3A_2, %jit3A : i32
    %ne3A_16 = arith.constant 0 : i32
    %ne3A_17 = arith.cmpi ne, %rem3A, %ne3A_16 : i32
    %and3A = arith.andi %ne3A, %ne3A_17 : i1
    %sub3A = arith.constant 1 : i32
    %sub3A_18 = arith.subi %div3A, %sub3A : i32
    %select_n3A = arith.select %and3A, %sub3A_18, %div3A : i32
    %jit3A_19 = arith.constant 8 : i32
    %div3A_20 = arith.divsi %select_n3A, %jit3A_19 : i32
    %sign3A_21 = arith.constant 0 : i32
    %sign3A_22 = arith.cmpi sgt, %select_n3A, %sign3A_21 : i32
    %sign3A_23 = arith.extui %sign3A_22 : i1 to i32
    %sign3A_24 = arith.constant 0 : i32
    %sign3A_25 = arith.cmpi slt, %select_n3A, %sign3A_24 : i32
    %sign3A_26 = arith.extui %sign3A_25 : i1 to i32
    %sign3A_27 = arith.subi %sign3A_23, %sign3A_26 : i32
    %sign3A_28 = arith.constant 0 : i32
    %sign3A_29 = arith.cmpi sgt, %jit3A_19, %sign3A_28 : i32
    %sign3A_30 = arith.extui %sign3A_29 : i1 to i32
    %sign3A_31 = arith.constant 0 : i32
    %sign3A_32 = arith.cmpi slt, %jit3A_19, %sign3A_31 : i32
    %sign3A_33 = arith.extui %sign3A_32 : i1 to i32
    %sign3A_34 = arith.subi %sign3A_30, %sign3A_33 : i32
    %ne3A_35 = arith.cmpi ne, %sign3A_27, %sign3A_34 : i32
    %rem3A_36 = arith.remsi %select_n3A, %jit3A_19 : i32
    %ne3A_37 = arith.constant 0 : i32
    %ne3A_38 = arith.cmpi ne, %rem3A_36, %ne3A_37 : i32
    %and3A_39 = arith.andi %ne3A_35, %ne3A_38 : i1
    %sub3A_40 = arith.constant 1 : i32
    %sub3A_41 = arith.subi %div3A_20, %sub3A_40 : i32
    %select_n3A_42 = arith.select %and3A_39, %sub3A_41, %div3A_20 : i32
    %min3A = arith.constant 23 : i32
    %min3A_43 = arith.minsi %select_n3A_42, %min3A : i32
    "tpu.region"() ({
      %run_scoped3A = tpu.sem_alloc : memref<!tpu.dma_semaphore, #tpu.memory_space<semaphore_mem>>
      %dma_start3A_275 = arith.constant 0 : i32
      %dma_start3A_276 = arith.constant 0 : i32
      %dma_start3A_277 = arith.constant 0 : i32
      %dma_start3A_278 = tpu.memref_slice %arg2[%min3A_43, %dma_start3A_275, %dma_start3A_276, %dma_start3A_277] : memref<25x8x8x128xi32, #tpu.memory_space<hbm>> -> memref<2x8x8x128xi32, #tpu.memory_space<hbm>>
      %dma_start3A_279 = arith.constant 0 : i32
      %dma_start3A_280 = arith.constant 0 : i32
      %dma_start3A_281 = arith.constant 0 : i32
      %dma_start3A_282 = tpu.memref_slice %arg2[%min3A_43, %dma_start3A_279, %dma_start3A_280, %dma_start3A_281] : memref<25x8x8x128xi32, #tpu.memory_space<hbm>> -> memref<2x8x8x128xi32, #tpu.memory_space<hbm>>
      tpu.enqueue_dma source(%dma_start3A_282 : memref<2x8x8x128xi32, #tpu.memory_space<hbm>>) target(%arg6 : memref<2x8x8x128xi32, #tpu.memory_space<vmem>>) target_semaphore(%run_scoped3A : memref<!tpu.dma_semaphore, #tpu.memory_space<semaphore_mem>>)
      %dma_wait3A_283 = arith.constant 0 : i32
      %dma_wait3A_284 = arith.constant 0 : i32
      %dma_wait3A_285 = arith.constant 0 : i32
      %dma_wait3A_286 = tpu.memref_slice %arg2[%min3A_43, %dma_wait3A_283, %dma_wait3A_284, %dma_wait3A_285] : memref<25x8x8x128xi32, #tpu.memory_space<hbm>> -> memref<2x8x8x128xi32, #tpu.memory_space<hbm>>
      %dma_wait3A_287 = arith.constant 0 : i32
      %dma_wait3A_288 = arith.constant 0 : i32
      %dma_wait3A_289 = arith.constant 0 : i32
      %dma_wait3A_290 = tpu.memref_slice %arg2[%min3A_43, %dma_wait3A_287, %dma_wait3A_288, %dma_wait3A_289] : memref<25x8x8x128xi32, #tpu.memory_space<hbm>> -> memref<2x8x8x128xi32, #tpu.memory_space<hbm>>
      tpu.wait_dma2 semaphore(%run_scoped3A : memref<!tpu.dma_semaphore, #tpu.memory_space<semaphore_mem>>) src(%dma_wait3A_290 : memref<2x8x8x128xi32, #tpu.memory_space<hbm>>) dst(%arg6 : memref<2x8x8x128xi32, #tpu.memory_space<vmem>>)
      tpu.yield
    }) : () -> ()
    "tpu.region"() ({
      %run_scoped3A = tpu.sem_alloc : memref<!tpu.dma_semaphore, #tpu.memory_space<semaphore_mem>>
      %dma_start3A_275 = arith.constant 0 : i32
      %dma_start3A_276 = arith.constant 0 : i32
      %dma_start3A_277 = tpu.memref_slice %arg4[%dma_start3A_275, %dma_start3A_276] : memref<200x64xf32, #tpu.memory_space<hbm>> -> memref<200x64xf32, #tpu.memory_space<hbm>>
      %dma_start3A_278 = arith.constant 0 : i32
      %dma_start3A_279 = arith.constant 0 : i32
      %dma_start3A_280 = tpu.memref_slice %arg4[%dma_start3A_278, %dma_start3A_279] : memref<200x64xf32, #tpu.memory_space<hbm>> -> memref<200x64xf32, #tpu.memory_space<hbm>>
      tpu.enqueue_dma source(%dma_start3A_280 : memref<200x64xf32, #tpu.memory_space<hbm>>) target(%arg7 : memref<200x64xf32, #tpu.memory_space<vmem>>) target_semaphore(%run_scoped3A : memref<!tpu.dma_semaphore, #tpu.memory_space<semaphore_mem>>)
      %dma_wait3A_281 = arith.constant 0 : i32
      %dma_wait3A_282 = arith.constant 0 : i32
      %dma_wait3A_283 = tpu.memref_slice %arg4[%dma_wait3A_281, %dma_wait3A_282] : memref<200x64xf32, #tpu.memory_space<hbm>> -> memref<200x64xf32, #tpu.memory_space<hbm>>
      %dma_wait3A_284 = arith.constant 0 : i32
      %dma_wait3A_285 = arith.constant 0 : i32
      %dma_wait3A_286 = tpu.memref_slice %arg4[%dma_wait3A_284, %dma_wait3A_285] : memref<200x64xf32, #tpu.memory_space<hbm>> -> memref<200x64xf32, #tpu.memory_space<hbm>>
      tpu.wait_dma2 semaphore(%run_scoped3A : memref<!tpu.dma_semaphore, #tpu.memory_space<semaphore_mem>>) src(%dma_wait3A_286 : memref<200x64xf32, #tpu.memory_space<hbm>>) dst(%arg7 : memref<200x64xf32, #tpu.memory_space<vmem>>)
      tpu.yield
    }) : () -> ()
    %add3A_44 = arith.constant 0 : i32
    %add3A_45 = arith.addi %mul3A_2, %add3A_44 : i32
    %jit3A_46 = arith.constant 8 : i32
    %div3A_47 = arith.divsi %add3A_45, %jit3A_46 : i32
    %sign3A_48 = arith.constant 0 : i32
    %sign3A_49 = arith.cmpi sgt, %add3A_45, %sign3A_48 : i32
    %sign3A_50 = arith.extui %sign3A_49 : i1 to i32
    %sign3A_51 = arith.constant 0 : i32
    %sign3A_52 = arith.cmpi slt, %add3A_45, %sign3A_51 : i32
    %sign3A_53 = arith.extui %sign3A_52 : i1 to i32
    %sign3A_54 = arith.subi %sign3A_50, %sign3A_53 : i32
    %sign3A_55 = arith.constant 0 : i32
    %sign3A_56 = arith.cmpi sgt, %jit3A_46, %sign3A_55 : i32
    %sign3A_57 = arith.extui %sign3A_56 : i1 to i32
    %sign3A_58 = arith.constant 0 : i32
    %sign3A_59 = arith.cmpi slt, %jit3A_46, %sign3A_58 : i32
    %sign3A_60 = arith.extui %sign3A_59 : i1 to i32
    %sign3A_61 = arith.subi %sign3A_57, %sign3A_60 : i32
    %ne3A_62 = arith.cmpi ne, %sign3A_54, %sign3A_61 : i32
    %rem3A_63 = arith.remsi %add3A_45, %jit3A_46 : i32
    %ne3A_64 = arith.constant 0 : i32
    %ne3A_65 = arith.cmpi ne, %rem3A_63, %ne3A_64 : i32
    %and3A_66 = arith.andi %ne3A_62, %ne3A_65 : i1
    %sub3A_67 = arith.constant 1 : i32
    %sub3A_68 = arith.subi %div3A_47, %sub3A_67 : i32
    %select_n3A_69 = arith.select %and3A_66, %sub3A_68, %div3A_47 : i32
    %rem3A_70 = arith.constant 8 : i32
    %rem3A_71 = arith.remsi %add3A_45, %rem3A_70 : i32
    %jit3A_72 = arith.constant 8 : i32
    %div3A_73 = arith.divsi %select_n3A_69, %jit3A_72 : i32
    %sign3A_74 = arith.constant 0 : i32
    %sign3A_75 = arith.cmpi sgt, %select_n3A_69, %sign3A_74 : i32
    %sign3A_76 = arith.extui %sign3A_75 : i1 to i32
    %sign3A_77 = arith.constant 0 : i32
    %sign3A_78 = arith.cmpi slt, %select_n3A_69, %sign3A_77 : i32
    %sign3A_79 = arith.extui %sign3A_78 : i1 to i32
    %sign3A_80 = arith.subi %sign3A_76, %sign3A_79 : i32
    %sign3A_81 = arith.constant 0 : i32
    %sign3A_82 = arith.cmpi sgt, %jit3A_72, %sign3A_81 : i32
    %sign3A_83 = arith.extui %sign3A_82 : i1 to i32
    %sign3A_84 = arith.constant 0 : i32
    %sign3A_85 = arith.cmpi slt, %jit3A_72, %sign3A_84 : i32
    %sign3A_86 = arith.extui %sign3A_85 : i1 to i32
    %sign3A_87 = arith.subi %sign3A_83, %sign3A_86 : i32
    %ne3A_88 = arith.cmpi ne, %sign3A_80, %sign3A_87 : i32
    %rem3A_89 = arith.remsi %select_n3A_69, %jit3A_72 : i32
    %ne3A_90 = arith.constant 0 : i32
    %ne3A_91 = arith.cmpi ne, %rem3A_89, %ne3A_90 : i32
    %and3A_92 = arith.andi %ne3A_88, %ne3A_91 : i1
    %sub3A_93 = arith.constant 1 : i32
    %sub3A_94 = arith.subi %div3A_73, %sub3A_93 : i32
    %select_n3A_95 = arith.select %and3A_92, %sub3A_94, %div3A_73 : i32
    %sub3A_96 = arith.subi %select_n3A_95, %min3A_43 : i32
    %rem3A_97 = arith.constant 8 : i32
    %rem3A_98 = arith.remsi %select_n3A_69, %rem3A_97 : i32
    %dma_start3A = arith.constant 0 : i32
    %dma_start3A_99 = arith.constant 0 : i32
    %dma_start3A_100 = arith.constant 0 : i32
    %dma_start3A_101 = arith.constant 0 : i32
    %dma_start3A_102 = tpu.memref_slice %arg8[%dma_start3A, %dma_start3A_100, %dma_start3A_101] : memref<5x128x64xf32, #tpu.memory_space<vmem>> -> memref<1x128x64xf32, #tpu.memory_space<vmem>>
    %dma_start3A_103 = tpu.memref_squeeze %dma_start3A_102 : memref<1x128x64xf32, #tpu.memory_space<vmem>> -> memref<128x64xf32, #tpu.memory_space<vmem>>
    %dma_start3A_104 = arith.constant 0 : i32
    %dma_start3A_105 = tpu.memref_slice %arg6[%sub3A_96, %rem3A_71, %rem3A_98, %dma_start3A_104] : memref<2x8x8x128xi32, #tpu.memory_space<vmem>> -> memref<1x1x1x128xi32, #tpu.memory_space<vmem>>
    %dma_start3A_106 = tpu.memref_squeeze %dma_start3A_105 : memref<1x1x1x128xi32, #tpu.memory_space<vmem>> -> memref<128xi32, #tpu.memory_space<vmem>>
    %dma_start3A_107 = arith.constant 0 : i32
    %dma_start3A_108 = arith.constant 0 : i32
    %dma_start3A_109 = tpu.memref_slice %arg3[%dma_start3A_107, %dma_start3A_108] : memref<1000000x64xf32, #tpu.memory_space<hbm>> -> memref<1000000x64xf32, #tpu.memory_space<hbm>>
    %dma_start3A_110 = tpu.memref_slice %arg9[%dma_start3A_99] : memref<5x!tpu.dma_semaphore, #tpu.memory_space<semaphore_mem>> -> memref<1x!tpu.dma_semaphore, #tpu.memory_space<semaphore_mem>>
    %dma_start3A_111 = tpu.memref_squeeze %dma_start3A_110 : memref<1x!tpu.dma_semaphore, #tpu.memory_space<semaphore_mem>> -> memref<!tpu.dma_semaphore, #tpu.memory_space<semaphore_mem>>
    tpu.enqueue_indirect_dma source(%dma_start3A_109 : memref<1000000x64xf32, #tpu.memory_space<hbm>>) target(%dma_start3A_103 : memref<128x64xf32, #tpu.memory_space<vmem>>) offsets(%dma_start3A_106 : memref<128xi32, #tpu.memory_space<vmem>>) semaphore(%dma_start3A_111 : memref<!tpu.dma_semaphore, #tpu.memory_space<semaphore_mem>>)
    %add3A_112 = arith.constant 1 : i32
    %add3A_113 = arith.addi %mul3A_2, %add3A_112 : i32
    %jit3A_114 = arith.constant 8 : i32
    %div3A_115 = arith.divsi %add3A_113, %jit3A_114 : i32
    %sign3A_116 = arith.constant 0 : i32
    %sign3A_117 = arith.cmpi sgt, %add3A_113, %sign3A_116 : i32
    %sign3A_118 = arith.extui %sign3A_117 : i1 to i32
    %sign3A_119 = arith.constant 0 : i32
    %sign3A_120 = arith.cmpi slt, %add3A_113, %sign3A_119 : i32
    %sign3A_121 = arith.extui %sign3A_120 : i1 to i32
    %sign3A_122 = arith.subi %sign3A_118, %sign3A_121 : i32
    %sign3A_123 = arith.constant 0 : i32
    %sign3A_124 = arith.cmpi sgt, %jit3A_114, %sign3A_123 : i32
    %sign3A_125 = arith.extui %sign3A_124 : i1 to i32
    %sign3A_126 = arith.constant 0 : i32
    %sign3A_127 = arith.cmpi slt, %jit3A_114, %sign3A_126 : i32
    %sign3A_128 = arith.extui %sign3A_127 : i1 to i32
    %sign3A_129 = arith.subi %sign3A_125, %sign3A_128 : i32
    %ne3A_130 = arith.cmpi ne, %sign3A_122, %sign3A_129 : i32
    %rem3A_131 = arith.remsi %add3A_113, %jit3A_114 : i32
    %ne3A_132 = arith.constant 0 : i32
    %ne3A_133 = arith.cmpi ne, %rem3A_131, %ne3A_132 : i32
    %and3A_134 = arith.andi %ne3A_130, %ne3A_133 : i1
    %sub3A_135 = arith.constant 1 : i32
    %sub3A_136 = arith.subi %div3A_115, %sub3A_135 : i32
    %select_n3A_137 = arith.select %and3A_134, %sub3A_136, %div3A_115 : i32
    %rem3A_138 = arith.constant 8 : i32
    %rem3A_139 = arith.remsi %add3A_113, %rem3A_138 : i32
    %jit3A_140 = arith.constant 8 : i32
    %div3A_141 = arith.divsi %select_n3A_137, %jit3A_140 : i32
    %sign3A_142 = arith.constant 0 : i32
    %sign3A_143 = arith.cmpi sgt, %select_n3A_137, %sign3A_142 : i32
    %sign3A_144 = arith.extui %sign3A_143 : i1 to i32
    %sign3A_145 = arith.constant 0 : i32
    %sign3A_146 = arith.cmpi slt, %select_n3A_137, %sign3A_145 : i32
    %sign3A_147 = arith.extui %sign3A_146 : i1 to i32
    %sign3A_148 = arith.subi %sign3A_144, %sign3A_147 : i32
    %sign3A_149 = arith.constant 0 : i32
    %sign3A_150 = arith.cmpi sgt, %jit3A_140, %sign3A_149 : i32
    %sign3A_151 = arith.extui %sign3A_150 : i1 to i32
    %sign3A_152 = arith.constant 0 : i32
    %sign3A_153 = arith.cmpi slt, %jit3A_140, %sign3A_152 : i32
    %sign3A_154 = arith.extui %sign3A_153 : i1 to i32
    %sign3A_155 = arith.subi %sign3A_151, %sign3A_154 : i32
    %ne3A_156 = arith.cmpi ne, %sign3A_148, %sign3A_155 : i32
    %rem3A_157 = arith.remsi %select_n3A_137, %jit3A_140 : i32
    %ne3A_158 = arith.constant 0 : i32
    %ne3A_159 = arith.cmpi ne, %rem3A_157, %ne3A_158 : i32
    %and3A_160 = arith.andi %ne3A_156, %ne3A_159 : i1
    %sub3A_161 = arith.constant 1 : i32
    %sub3A_162 = arith.subi %div3A_141, %sub3A_161 : i32
    %select_n3A_163 = arith.select %and3A_160, %sub3A_162, %div3A_141 : i32
    %sub3A_164 = arith.subi %select_n3A_163, %min3A_43 : i32
    %rem3A_165 = arith.constant 8 : i32
    %rem3A_166 = arith.remsi %select_n3A_137, %rem3A_165 : i32
    %dma_start3A_167 = arith.constant 1 : i32
    %dma_start3A_168 = arith.constant 1 : i32
    %dma_start3A_169 = arith.constant 0 : i32
    %dma_start3A_170 = arith.constant 0 : i32
    %dma_start3A_171 = tpu.memref_slice %arg8[%dma_start3A_167, %dma_start3A_169, %dma_start3A_170] : memref<5x128x64xf32, #tpu.memory_space<vmem>> -> memref<1x128x64xf32, #tpu.memory_space<vmem>>
    %dma_start3A_172 = tpu.memref_squeeze %dma_start3A_171 : memref<1x128x64xf32, #tpu.memory_space<vmem>> -> memref<128x64xf32, #tpu.memory_space<vmem>>
    %dma_start3A_173 = arith.constant 0 : i32
    %dma_start3A_174 = tpu.memref_slice %arg6[%sub3A_164, %rem3A_139, %rem3A_166, %dma_start3A_173] : memref<2x8x8x128xi32, #tpu.memory_space<vmem>> -> memref<1x1x1x128xi32, #tpu.memory_space<vmem>>
    %dma_start3A_175 = tpu.memref_squeeze %dma_start3A_174 : memref<1x1x1x128xi32, #tpu.memory_space<vmem>> -> memref<128xi32, #tpu.memory_space<vmem>>
    %dma_start3A_176 = arith.constant 0 : i32
    %dma_start3A_177 = arith.constant 0 : i32
    %dma_start3A_178 = tpu.memref_slice %arg3[%dma_start3A_176, %dma_start3A_177] : memref<1000000x64xf32, #tpu.memory_space<hbm>> -> memref<1000000x64xf32, #tpu.memory_space<hbm>>
    %dma_start3A_179 = tpu.memref_slice %arg9[%dma_start3A_168] : memref<5x!tpu.dma_semaphore, #tpu.memory_space<semaphore_mem>> -> memref<1x!tpu.dma_semaphore, #tpu.memory_space<semaphore_mem>>
    %dma_start3A_180 = tpu.memref_squeeze %dma_start3A_179 : memref<1x!tpu.dma_semaphore, #tpu.memory_space<semaphore_mem>> -> memref<!tpu.dma_semaphore, #tpu.memory_space<semaphore_mem>>
    tpu.enqueue_indirect_dma source(%dma_start3A_178 : memref<1000000x64xf32, #tpu.memory_space<hbm>>) target(%dma_start3A_172 : memref<128x64xf32, #tpu.memory_space<vmem>>) offsets(%dma_start3A_175 : memref<128xi32, #tpu.memory_space<vmem>>) semaphore(%dma_start3A_180 : memref<!tpu.dma_semaphore, #tpu.memory_space<semaphore_mem>>)
    %scan3A = arith.constant 0 : i32
    %scan3A_181 = arith.constant 0 : i32
    %scan3A_182 = arith.constant 10 : i32
    %scan3A_183 = arith.addi %scan3A_181, %scan3A_182 : i32
    %scan3A_184 = arith.constant 1 : i32
    scf.for %scan3A_275 = %scan3A_181 to %scan3A_183 step %scan3A_184  : i32 {
      %mul3A_276 = arith.constant 5 : i32
      %mul3A_277 = arith.muli %scan3A_275, %mul3A_276 : i32
      %add3A_278 = arith.constant 0 : i32
      %add3A_279 = arith.addi %mul3A_277, %add3A_278 : i32
      %add3A_280 = arith.constant 2 : i32
      %add3A_281 = arith.addi %add3A_279, %add3A_280 : i32
      %lt3A = arith.constant 50 : i32
      %lt3A_282 = arith.cmpi slt, %add3A_281, %lt3A : i32
      %convert_element_type3A = arith.extui %lt3A_282 : i1 to i32
      %cond3A = arith.constant 0 : i32
      %cond3A_283 = arith.cmpi ne, %convert_element_type3A, %cond3A : i32
      scf.if %cond3A_283 {
        %ge3A = arith.constant 3 : i32
        %ge3A_1127 = arith.cmpi sge, %add3A_279, %ge3A : i32
        %convert_element_type3A_1128 = arith.extui %ge3A_1127 : i1 to i32
        %cond3A_1129 = arith.constant 0 : i32
        %cond3A_1130 = arith.cmpi ne, %convert_element_type3A_1128, %cond3A_1129 : i32
        scf.if %cond3A_1130 {
          %dma_wait3A_1201 = arith.constant 2 : i32
          %dma_wait3A_1202 = arith.constant 2 : i32
          %dma_wait3A_1203 = arith.constant 0 : i32
          %dma_wait3A_1204 = arith.constant 0 : i32
          %dma_wait3A_1205 = tpu.memref_slice %arg8[%dma_wait3A_1201, %dma_wait3A_1203, %dma_wait3A_1204] : memref<5x128x64xf32, #tpu.memory_space<vmem>> -> memref<1x128x64xf32, #tpu.memory_space<vmem>>
          %dma_wait3A_1206 = tpu.memref_squeeze %dma_wait3A_1205 : memref<1x128x64xf32, #tpu.memory_space<vmem>> -> memref<128x64xf32, #tpu.memory_space<vmem>>
          %dma_wait3A_1207 = arith.constant 0 : i32
          %dma_wait3A_1208 = arith.constant 0 : i32
          %dma_wait3A_1209 = tpu.memref_slice %arg5[%dma_wait3A_1207, %dma_wait3A_1208] : memref<1024x12800xf32, #tpu.memory_space<hbm>> -> memref<128x64xf32, #tpu.memory_space<hbm>>
          %dma_wait3A_1210 = tpu.memref_slice %arg10[%dma_wait3A_1202] : memref<5x!tpu.dma_semaphore, #tpu.memory_space<semaphore_mem>> -> memref<1x!tpu.dma_semaphore, #tpu.memory_space<semaphore_mem>>
          %dma_wait3A_1211 = tpu.memref_squeeze %dma_wait3A_1210 : memref<1x!tpu.dma_semaphore, #tpu.memory_space<semaphore_mem>> -> memref<!tpu.dma_semaphore, #tpu.memory_space<semaphore_mem>>
          %dma_wait3A_1212 = arith.constant 0 : i32
          %dma_wait3A_1213 = arith.constant 0 : i32
          %dma_wait3A_1214 = tpu.memref_slice %arg5[%dma_wait3A_1212, %dma_wait3A_1213] : memref<1024x12800xf32, #tpu.memory_space<hbm>> -> memref<128x64xf32, #tpu.memory_space<hbm>>
          %dma_wait3A_1215 = arith.constant 0 : i32
          %dma_wait3A_1216 = arith.constant 0 : i32
          %dma_wait3A_1217 = tpu.memref_slice %arg8[%dma_wait3A_1201, %dma_wait3A_1215, %dma_wait3A_1216] : memref<5x128x64xf32, #tpu.memory_space<vmem>> -> memref<1x128x64xf32, #tpu.memory_space<vmem>>
          %dma_wait3A_1218 = tpu.memref_squeeze %dma_wait3A_1217 : memref<1x128x64xf32, #tpu.memory_space<vmem>> -> memref<128x64xf32, #tpu.memory_space<vmem>>
          tpu.wait_dma2 semaphore(%dma_wait3A_1211 : memref<!tpu.dma_semaphore, #tpu.memory_space<semaphore_mem>>) src(%dma_wait3A_1218 : memref<128x64xf32, #tpu.memory_space<vmem>>) dst(%dma_wait3A_1214 : memref<128x64xf32, #tpu.memory_space<hbm>>)
        } else {
        }
        %add3A_1131 = arith.constant 2 : i32
        %add3A_1132 = arith.addi %add3A_279, %add3A_1131 : i32
        %add3A_1133 = arith.addi %mul3A_2, %add3A_1132 : i32
        %jit3A_1134 = arith.constant 8 : i32
        %div3A_1135 = arith.divsi %add3A_1133, %jit3A_1134 : i32
        %sign3A_1136 = arith.constant 0 : i32
        %sign3A_1137 = arith.cmpi sgt, %add3A_1133, %sign3A_1136 : i32
        %sign3A_1138 = arith.extui %sign3A_1137 : i1 to i32
        %sign3A_1139 = arith.constant 0 : i32
        %sign3A_1140 = arith.cmpi slt, %add3A_1133, %sign3A_1139 : i32
        %sign3A_1141 = arith.extui %sign3A_1140 : i1 to i32
        %sign3A_1142 = arith.subi %sign3A_1138, %sign3A_1141 : i32
        %sign3A_1143 = arith.constant 0 : i32
        %sign3A_1144 = arith.cmpi sgt, %jit3A_1134, %sign3A_1143 : i32
        %sign3A_1145 = arith.extui %sign3A_1144 : i1 to i32
        %sign3A_1146 = arith.constant 0 : i32
        %sign3A_1147 = arith.cmpi slt, %jit3A_1134, %sign3A_1146 : i32
        %sign3A_1148 = arith.extui %sign3A_1147 : i1 to i32
        %sign3A_1149 = arith.subi %sign3A_1145, %sign3A_1148 : i32
        %ne3A_1150 = arith.cmpi ne, %sign3A_1142, %sign3A_1149 : i32
        %rem3A_1151 = arith.remsi %add3A_1133, %jit3A_1134 : i32
        %ne3A_1152 = arith.constant 0 : i32
        %ne3A_1153 = arith.cmpi ne, %rem3A_1151, %ne3A_1152 : i32
        %and3A_1154 = arith.andi %ne3A_1150, %ne3A_1153 : i1
        %sub3A_1155 = arith.constant 1 : i32
        %sub3A_1156 = arith.subi %div3A_1135, %sub3A_1155 : i32
        %select_n3A_1157 = arith.select %and3A_1154, %sub3A_1156, %div3A_1135 : i32
        %rem3A_1158 = arith.constant 8 : i32
        %rem3A_1159 = arith.remsi %add3A_1133, %rem3A_1158 : i32
        %jit3A_1160 = arith.constant 8 : i32
        %div3A_1161 = arith.divsi %select_n3A_1157, %jit3A_1160 : i32
        %sign3A_1162 = arith.constant 0 : i32
        %sign3A_1163 = arith.cmpi sgt, %select_n3A_1157, %sign3A_1162 : i32
        %sign3A_1164 = arith.extui %sign3A_1163 : i1 to i32
        %sign3A_1165 = arith.constant 0 : i32
        %sign3A_1166 = arith.cmpi slt, %select_n3A_1157, %sign3A_1165 : i32
        %sign3A_1167 = arith.extui %sign3A_1166 : i1 to i32
        %sign3A_1168 = arith.subi %sign3A_1164, %sign3A_1167 : i32
        %sign3A_1169 = arith.constant 0 : i32
        %sign3A_1170 = arith.cmpi sgt, %jit3A_1160, %sign3A_1169 : i32
        %sign3A_1171 = arith.extui %sign3A_1170 : i1 to i32
        %sign3A_1172 = arith.constant 0 : i32
        %sign3A_1173 = arith.cmpi slt, %jit3A_1160, %sign3A_1172 : i32
        %sign3A_1174 = arith.extui %sign3A_1173 : i1 to i32
        %sign3A_1175 = arith.subi %sign3A_1171, %sign3A_1174 : i32
        %ne3A_1176 = arith.cmpi ne, %sign3A_1168, %sign3A_1175 : i32
        %rem3A_1177 = arith.remsi %select_n3A_1157, %jit3A_1160 : i32
        %ne3A_1178 = arith.constant 0 : i32
        %ne3A_1179 = arith.cmpi ne, %rem3A_1177, %ne3A_1178 : i32
        %and3A_1180 = arith.andi %ne3A_1176, %ne3A_1179 : i1
        %sub3A_1181 = arith.constant 1 : i32
        %sub3A_1182 = arith.subi %div3A_1161, %sub3A_1181 : i32
        %select_n3A_1183 = arith.select %and3A_1180, %sub3A_1182, %div3A_1161 : i32
        %sub3A_1184 = arith.subi %select_n3A_1183, %min3A_43 : i32
        %rem3A_1185 = arith.constant 8 : i32
        %rem3A_1186 = arith.remsi %select_n3A_1157, %rem3A_1185 : i32
        %dma_start3A_1187 = arith.constant 2 : i32
        %dma_start3A_1188 = arith.constant 2 : i32
        %dma_start3A_1189 = arith.constant 0 : i32
        %dma_start3A_1190 = arith.constant 0 : i32
        %dma_start3A_1191 = tpu.memref_slice %arg8[%dma_start3A_1187, %dma_start3A_1189, %dma_start3A_1190] : memref<5x128x64xf32, #tpu.memory_space<vmem>> -> memref<1x128x64xf32, #tpu.memory_space<vmem>>
        %dma_start3A_1192 = tpu.memref_squeeze %dma_start3A_1191 : memref<1x128x64xf32, #tpu.memory_space<vmem>> -> memref<128x64xf32, #tpu.memory_space<vmem>>
        %dma_start3A_1193 = arith.constant 0 : i32
        %dma_start3A_1194 = tpu.memref_slice %arg6[%sub3A_1184, %rem3A_1159, %rem3A_1186, %dma_start3A_1193] : memref<2x8x8x128xi32, #tpu.memory_space<vmem>> -> memref<1x1x1x128xi32, #tpu.memory_space<vmem>>
        %dma_start3A_1195 = tpu.memref_squeeze %dma_start3A_1194 : memref<1x1x1x128xi32, #tpu.memory_space<vmem>> -> memref<128xi32, #tpu.memory_space<vmem>>
        %dma_start3A_1196 = arith.constant 0 : i32
        %dma_start3A_1197 = arith.constant 0 : i32
        %dma_start3A_1198 = tpu.memref_slice %arg3[%dma_start3A_1196, %dma_start3A_1197] : memref<1000000x64xf32, #tpu.memory_space<hbm>> -> memref<1000000x64xf32, #tpu.memory_space<hbm>>
        %dma_start3A_1199 = tpu.memref_slice %arg9[%dma_start3A_1188] : memref<5x!tpu.dma_semaphore, #tpu.memory_space<semaphore_mem>> -> memref<1x!tpu.dma_semaphore, #tpu.memory_space<semaphore_mem>>
        %dma_start3A_1200 = tpu.memref_squeeze %dma_start3A_1199 : memref<1x!tpu.dma_semaphore, #tpu.memory_space<semaphore_mem>> -> memref<!tpu.dma_semaphore, #tpu.memory_space<semaphore_mem>>
        tpu.enqueue_indirect_dma source(%dma_start3A_1198 : memref<1000000x64xf32, #tpu.memory_space<hbm>>) target(%dma_start3A_1192 : memref<128x64xf32, #tpu.memory_space<vmem>>) offsets(%dma_start3A_1195 : memref<128xi32, #tpu.memory_space<vmem>>) semaphore(%dma_start3A_1200 : memref<!tpu.dma_semaphore, #tpu.memory_space<semaphore_mem>>)
      } else {
      }
      %add3A_284 = arith.addi %mul3A_2, %add3A_279 : i32
      %jit3A_285 = arith.constant 8 : i32
      %div3A_286 = arith.divsi %add3A_284, %jit3A_285 : i32
      %sign3A_287 = arith.constant 0 : i32
      %sign3A_288 = arith.cmpi sgt, %add3A_284, %sign3A_287 : i32
      %sign3A_289 = arith.extui %sign3A_288 : i1 to i32
      %sign3A_290 = arith.constant 0 : i32
      %sign3A_291 = arith.cmpi slt, %add3A_284, %sign3A_290 : i32
      %sign3A_292 = arith.extui %sign3A_291 : i1 to i32
      %sign3A_293 = arith.subi %sign3A_289, %sign3A_292 : i32
      %sign3A_294 = arith.constant 0 : i32
      %sign3A_295 = arith.cmpi sgt, %jit3A_285, %sign3A_294 : i32
      %sign3A_296 = arith.extui %sign3A_295 : i1 to i32
      %sign3A_297 = arith.constant 0 : i32
      %sign3A_298 = arith.cmpi slt, %jit3A_285, %sign3A_297 : i32
      %sign3A_299 = arith.extui %sign3A_298 : i1 to i32
      %sign3A_300 = arith.subi %sign3A_296, %sign3A_299 : i32
      %ne3A_301 = arith.cmpi ne, %sign3A_293, %sign3A_300 : i32
      %rem3A_302 = arith.remsi %add3A_284, %jit3A_285 : i32
      %ne3A_303 = arith.constant 0 : i32
      %ne3A_304 = arith.cmpi ne, %rem3A_302, %ne3A_303 : i32
      %and3A_305 = arith.andi %ne3A_301, %ne3A_304 : i1
      %sub3A_306 = arith.constant 1 : i32
      %sub3A_307 = arith.subi %div3A_286, %sub3A_306 : i32
      %select_n3A_308 = arith.select %and3A_305, %sub3A_307, %div3A_286 : i32
      %rem3A_309 = arith.constant 8 : i32
      %rem3A_310 = arith.remsi %add3A_284, %rem3A_309 : i32
      %jit3A_311 = arith.constant 8 : i32
      %div3A_312 = arith.divsi %select_n3A_308, %jit3A_311 : i32
      %sign3A_313 = arith.constant 0 : i32
      %sign3A_314 = arith.cmpi sgt, %select_n3A_308, %sign3A_313 : i32
      %sign3A_315 = arith.extui %sign3A_314 : i1 to i32
      %sign3A_316 = arith.constant 0 : i32
      %sign3A_317 = arith.cmpi slt, %select_n3A_308, %sign3A_316 : i32
      %sign3A_318 = arith.extui %sign3A_317 : i1 to i32
      %sign3A_319 = arith.subi %sign3A_315, %sign3A_318 : i32
      %sign3A_320 = arith.constant 0 : i32
      %sign3A_321 = arith.cmpi sgt, %jit3A_311, %sign3A_320 : i32
      %sign3A_322 = arith.extui %sign3A_321 : i1 to i32
      %sign3A_323 = arith.constant 0 : i32
      %sign3A_324 = arith.cmpi slt, %jit3A_311, %sign3A_323 : i32
      %sign3A_325 = arith.extui %sign3A_324 : i1 to i32
      %sign3A_326 = arith.subi %sign3A_322, %sign3A_325 : i32
      %ne3A_327 = arith.cmpi ne, %sign3A_319, %sign3A_326 : i32
      %rem3A_328 = arith.remsi %select_n3A_308, %jit3A_311 : i32
      %ne3A_329 = arith.constant 0 : i32
      %ne3A_330 = arith.cmpi ne, %rem3A_328, %ne3A_329 : i32
      %and3A_331 = arith.andi %ne3A_327, %ne3A_330 : i1
      %sub3A_332 = arith.constant 1 : i32
      %sub3A_333 = arith.subi %div3A_312, %sub3A_332 : i32
      %select_n3A_334 = arith.select %and3A_331, %sub3A_333, %div3A_312 : i32
      %sub3A_335 = arith.subi %select_n3A_334, %min3A_43 : i32
      %rem3A_336 = arith.constant 8 : i32
      %rem3A_337 = arith.remsi %select_n3A_308, %rem3A_336 : i32
      %dma_wait3A_338 = arith.constant 0 : i32
      %dma_wait3A_339 = arith.constant 0 : i32
      %dma_wait3A_340 = arith.constant 0 : i32
      %dma_wait3A_341 = arith.constant 0 : i32
      %dma_wait3A_342 = tpu.memref_slice %arg8[%dma_wait3A_338, %dma_wait3A_340, %dma_wait3A_341] : memref<5x128x64xf32, #tpu.memory_space<vmem>> -> memref<1x128x64xf32, #tpu.memory_space<vmem>>
      %dma_wait3A_343 = tpu.memref_squeeze %dma_wait3A_342 : memref<1x128x64xf32, #tpu.memory_space<vmem>> -> memref<128x64xf32, #tpu.memory_space<vmem>>
      %dma_wait3A_344 = arith.constant 0 : i32
      %dma_wait3A_345 = tpu.memref_slice %arg6[%sub3A_335, %rem3A_310, %rem3A_337, %dma_wait3A_344] : memref<2x8x8x128xi32, #tpu.memory_space<vmem>> -> memref<1x1x1x128xi32, #tpu.memory_space<vmem>>
      %dma_wait3A_346 = tpu.memref_squeeze %dma_wait3A_345 : memref<1x1x1x128xi32, #tpu.memory_space<vmem>> -> memref<128xi32, #tpu.memory_space<vmem>>
      %dma_wait3A_347 = arith.constant 0 : i32
      %dma_wait3A_348 = arith.constant 0 : i32
      %dma_wait3A_349 = tpu.memref_slice %arg3[%dma_wait3A_347, %dma_wait3A_348] : memref<1000000x64xf32, #tpu.memory_space<hbm>> -> memref<1000000x64xf32, #tpu.memory_space<hbm>>
      %dma_wait3A_350 = tpu.memref_slice %arg9[%dma_wait3A_339] : memref<5x!tpu.dma_semaphore, #tpu.memory_space<semaphore_mem>> -> memref<1x!tpu.dma_semaphore, #tpu.memory_space<semaphore_mem>>
      %dma_wait3A_351 = tpu.memref_squeeze %dma_wait3A_350 : memref<1x!tpu.dma_semaphore, #tpu.memory_space<semaphore_mem>> -> memref<!tpu.dma_semaphore, #tpu.memory_space<semaphore_mem>>
      tpu.wait_indirect_dma semaphore(%dma_wait3A_351 : memref<!tpu.dma_semaphore, #tpu.memory_space<semaphore_mem>>) src(%dma_wait3A_349 : memref<1000000x64xf32, #tpu.memory_space<hbm>>) dst(%dma_wait3A_343 : memref<128x64xf32, #tpu.memory_space<vmem>>)
      %add3A_352 = arith.addi %mul3A_2, %add3A_279 : i32
      %jit3A_353 = arith.constant 8 : i32
      %div3A_354 = arith.divsi %add3A_352, %jit3A_353 : i32
      %sign3A_355 = arith.constant 0 : i32
      %sign3A_356 = arith.cmpi sgt, %add3A_352, %sign3A_355 : i32
      %sign3A_357 = arith.extui %sign3A_356 : i1 to i32
      %sign3A_358 = arith.constant 0 : i32
      %sign3A_359 = arith.cmpi slt, %add3A_352, %sign3A_358 : i32
      %sign3A_360 = arith.extui %sign3A_359 : i1 to i32
      %sign3A_361 = arith.subi %sign3A_357, %sign3A_360 : i32
      %sign3A_362 = arith.constant 0 : i32
      %sign3A_363 = arith.cmpi sgt, %jit3A_353, %sign3A_362 : i32
      %sign3A_364 = arith.extui %sign3A_363 : i1 to i32
      %sign3A_365 = arith.constant 0 : i32
      %sign3A_366 = arith.cmpi slt, %jit3A_353, %sign3A_365 : i32
      %sign3A_367 = arith.extui %sign3A_366 : i1 to i32
      %sign3A_368 = arith.subi %sign3A_364, %sign3A_367 : i32
      %ne3A_369 = arith.cmpi ne, %sign3A_361, %sign3A_368 : i32
      %rem3A_370 = arith.remsi %add3A_352, %jit3A_353 : i32
      %ne3A_371 = arith.constant 0 : i32
      %ne3A_372 = arith.cmpi ne, %rem3A_370, %ne3A_371 : i32
      %and3A_373 = arith.andi %ne3A_369, %ne3A_372 : i1
      %sub3A_374 = arith.constant 1 : i32
      %sub3A_375 = arith.subi %div3A_354, %sub3A_374 : i32
      %select_n3A_376 = arith.select %and3A_373, %sub3A_375, %div3A_354 : i32
      %get3A = arith.index_cast %select_n3A_376 : i32 to index
      %get3A_377 = arith.constant 0 : index
      %get3A_378 = tpu.vector_load %arg7[%get3A, %get3A_377] {strides = array<i32>} : memref<200x64xf32, #tpu.memory_space<vmem>>, vector<1x16xf32>,
      %get3A_379 = vector.shape_cast %get3A_378 : vector<1x16xf32> to vector<16xf32>
      %get3A_380 = arith.index_cast %select_n3A_376 : i32 to index
      %get3A_381 = arith.constant 16 : index
      %get3A_382 = tpu.vector_load %arg7[%get3A_380, %get3A_381] {strides = array<i32>} : memref<200x64xf32, #tpu.memory_space<vmem>>, vector<1x16xf32>,
      %get3A_383 = vector.shape_cast %get3A_382 : vector<1x16xf32> to vector<16xf32>
      %get3A_384 = arith.index_cast %select_n3A_376 : i32 to index
      %get3A_385 = arith.constant 32 : index
      %get3A_386 = tpu.vector_load %arg7[%get3A_384, %get3A_385] {strides = array<i32>} : memref<200x64xf32, #tpu.memory_space<vmem>>, vector<1x16xf32>,
      %get3A_387 = vector.shape_cast %get3A_386 : vector<1x16xf32> to vector<16xf32>
      %get3A_388 = arith.index_cast %select_n3A_376 : i32 to index
      %get3A_389 = arith.constant 48 : index
      %get3A_390 = tpu.vector_load %arg7[%get3A_388, %get3A_389] {strides = array<i32>} : memref<200x64xf32, #tpu.memory_space<vmem>>, vector<1x16xf32>,
      %get3A_391 = vector.shape_cast %get3A_390 : vector<1x16xf32> to vector<16xf32>
      %scan3A_392 = arith.constant 0 : i32
      %scan3A_393 = arith.constant 0 : i32
      %scan3A_394 = arith.constant 128 : i32
      %scan3A_395 = arith.addi %scan3A_393, %scan3A_394 : i32
      %scan3A_396 = arith.constant 4 : i32
      scf.for %scan3A_1127 = %scan3A_393 to %scan3A_395 step %scan3A_396  : i32 {
        %get3A_1128 = arith.constant 0 : i32
        %get3A_1129 = arith.index_cast %get3A_1128 : i32 to index
        %get3A_1130 = arith.index_cast %scan3A_1127 : i32 to index
        %get3A_1131 = arith.constant 0 : index
        %get3A_1132 = tpu.vector_load %arg8[%get3A_1129, %get3A_1130, %get3A_1131] {strides = array<i32>} : memref<5x128x64xf32, #tpu.memory_space<vmem>>, vector<1x1x16xf32>,
        %get3A_1133 = vector.shape_cast %get3A_1132 : vector<1x1x16xf32> to vector<16xf32>
        %add3A_1134 = arith.addf %get3A_1133, %get3A_379 : vector<16xf32>
        %swap3A = arith.constant 0 : i32
        %swap3A_1135 = arith.index_cast %swap3A : i32 to index
        %swap3A_1136 = arith.index_cast %scan3A_1127 : i32 to index
        %swap3A_1137 = arith.constant 0 : index
        %swap3A_1138 = tpu.vector_load %arg8[%swap3A_1135, %swap3A_1136, %swap3A_1137] {strides = array<i32>} : memref<5x128x64xf32, #tpu.memory_space<vmem>>, vector<1x1x16xf32>,
        %swap3A_1139 = vector.shape_cast %swap3A_1138 : vector<1x1x16xf32> to vector<16xf32>
        %swap3A_1140 = vector.shape_cast %add3A_1134 : vector<16xf32> to vector<1x1x16xf32>
        tpu.vector_store %arg8[%swap3A_1135, %swap3A_1136, %swap3A_1137], %swap3A_1140 {strides = array<i32>} : memref<5x128x64xf32, #tpu.memory_space<vmem>>, vector<1x1x16xf32>,
        %get3A_1141 = arith.constant 0 : i32
        %get3A_1142 = arith.index_cast %get3A_1141 : i32 to index
        %get3A_1143 = arith.index_cast %scan3A_1127 : i32 to index
        %get3A_1144 = arith.constant 16 : index
        %get3A_1145 = tpu.vector_load %arg8[%get3A_1142, %get3A_1143, %get3A_1144] {strides = array<i32>} : memref<5x128x64xf32, #tpu.memory_space<vmem>>, vector<1x1x16xf32>,
        %get3A_1146 = vector.shape_cast %get3A_1145 : vector<1x1x16xf32> to vector<16xf32>
        %add3A_1147 = arith.addf %get3A_1146, %get3A_383 : vector<16xf32>
        %swap3A_1148 = arith.constant 0 : i32
        %swap3A_1149 = arith.index_cast %swap3A_1148 : i32 to index
        %swap3A_1150 = arith.index_cast %scan3A_1127 : i32 to index
        %swap3A_1151 = arith.constant 16 : index
        %swap3A_1152 = tpu.vector_load %arg8[%swap3A_1149, %swap3A_1150, %swap3A_1151] {strides = array<i32>} : memref<5x128x64xf32, #tpu.memory_space<vmem>>, vector<1x1x16xf32>,
        %swap3A_1153 = vector.shape_cast %swap3A_1152 : vector<1x1x16xf32> to vector<16xf32>
        %swap3A_1154 = vector.shape_cast %add3A_1147 : vector<16xf32> to vector<1x1x16xf32>
        tpu.vector_store %arg8[%swap3A_1149, %swap3A_1150, %swap3A_1151], %swap3A_1154 {strides = array<i32>} : memref<5x128x64xf32, #tpu.memory_space<vmem>>, vector<1x1x16xf32>,
        %get3A_1155 = arith.constant 0 : i32
        %get3A_1156 = arith.index_cast %get3A_1155 : i32 to index
        %get3A_1157 = arith.index_cast %scan3A_1127 : i32 to index
        %get3A_1158 = arith.constant 32 : index
        %get3A_1159 = tpu.vector_load %arg8[%get3A_1156, %get3A_1157, %get3A_1158] {strides = array<i32>} : memref<5x128x64xf32, #tpu.memory_space<vmem>>, vector<1x1x16xf32>,
        %get3A_1160 = vector.shape_cast %get3A_1159 : vector<1x1x16xf32> to vector<16xf32>
        %add3A_1161 = arith.addf %get3A_1160, %get3A_387 : vector<16xf32>
        %swap3A_1162 = arith.constant 0 : i32
        %swap3A_1163 = arith.index_cast %swap3A_1162 : i32 to index
        %swap3A_1164 = arith.index_cast %scan3A_1127 : i32 to index
        %swap3A_1165 = arith.constant 32 : index
        %swap3A_1166 = tpu.vector_load %arg8[%swap3A_1163, %swap3A_1164, %swap3A_1165] {strides = array<i32>} : memref<5x128x64xf32, #tpu.memory_space<vmem>>, vector<1x1x16xf32>,
        %swap3A_1167 = vector.shape_cast %swap3A_1166 : vector<1x1x16xf32> to vector<16xf32>
        %swap3A_1168 = vector.shape_cast %add3A_1161 : vector<16xf32> to vector<1x1x16xf32>
        tpu.vector_store %arg8[%swap3A_1163, %swap3A_1164, %swap3A_1165], %swap3A_1168 {strides = array<i32>} : memref<5x128x64xf32, #tpu.memory_space<vmem>>, vector<1x1x16xf32>,
        %get3A_1169 = arith.constant 0 : i32
        %get3A_1170 = arith.index_cast %get3A_1169 : i32 to index
        %get3A_1171 = arith.index_cast %scan3A_1127 : i32 to index
        %get3A_1172 = arith.constant 48 : index
        %get3A_1173 = tpu.vector_load %arg8[%get3A_1170, %get3A_1171, %get3A_1172] {strides = array<i32>} : memref<5x128x64xf32, #tpu.memory_space<vmem>>, vector<1x1x16xf32>,
        %get3A_1174 = vector.shape_cast %get3A_1173 : vector<1x1x16xf32> to vector<16xf32>
        %add3A_1175 = arith.addf %get3A_1174, %get3A_391 : vector<16xf32>
        %swap3A_1176 = arith.constant 0 : i32
        %swap3A_1177 = arith.index_cast %swap3A_1176 : i32 to index
        %swap3A_1178 = arith.index_cast %scan3A_1127 : i32 to index
        %swap3A_1179 = arith.constant 48 : index
        %swap3A_1180 = tpu.vector_load %arg8[%swap3A_1177, %swap3A_1178, %swap3A_1179] {strides = array<i32>} : memref<5x128x64xf32, #tpu.memory_space<vmem>>, vector<1x1x16xf32>,
        %swap3A_1181 = vector.shape_cast %swap3A_1180 : vector<1x1x16xf32> to vector<16xf32>
        %swap3A_1182 = vector.shape_cast %add3A_1175 : vector<16xf32> to vector<1x1x16xf32>
        tpu.vector_store %arg8[%swap3A_1177, %swap3A_1178, %swap3A_1179], %swap3A_1182 {strides = array<i32>} : memref<5x128x64xf32, #tpu.memory_space<vmem>>, vector<1x1x16xf32>,
        %scan3A_1183 = arith.constant 1 : i32
        %scan3A_1184 = arith.addi %scan3A_1127, %scan3A_1183 : i32
        %get3A_1185 = arith.constant 0 : i32
        %get3A_1186 = arith.index_cast %get3A_1185 : i32 to index
        %get3A_1187 = arith.index_cast %scan3A_1184 : i32 to index
        %get3A_1188 = arith.constant 0 : index
        %get3A_1189 = tpu.vector_load %arg8[%get3A_1186, %get3A_1187, %get3A_1188] {strides = array<i32>} : memref<5x128x64xf32, #tpu.memory_space<vmem>>, vector<1x1x16xf32>,
        %get3A_1190 = vector.shape_cast %get3A_1189 : vector<1x1x16xf32> to vector<16xf32>
        %add3A_1191 = arith.addf %get3A_1190, %get3A_379 : vector<16xf32>
        %swap3A_1192 = arith.constant 0 : i32
        %swap3A_1193 = arith.index_cast %swap3A_1192 : i32 to index
        %swap3A_1194 = arith.index_cast %scan3A_1184 : i32 to index
        %swap3A_1195 = arith.constant 0 : index
        %swap3A_1196 = tpu.vector_load %arg8[%swap3A_1193, %swap3A_1194, %swap3A_1195] {strides = array<i32>} : memref<5x128x64xf32, #tpu.memory_space<vmem>>, vector<1x1x16xf32>,
        %swap3A_1197 = vector.shape_cast %swap3A_1196 : vector<1x1x16xf32> to vector<16xf32>
        %swap3A_1198 = vector.shape_cast %add3A_1191 : vector<16xf32> to vector<1x1x16xf32>
        tpu.vector_store %arg8[%swap3A_1193, %swap3A_1194, %swap3A_1195], %swap3A_1198 {strides = array<i32>} : memref<5x128x64xf32, #tpu.memory_space<vmem>>, vector<1x1x16xf32>,
        %get3A_1199 = arith.constant 0 : i32
        %get3A_1200 = arith.index_cast %get3A_1199 : i32 to index
        %get3A_1201 = arith.index_cast %scan3A_1184 : i32 to index
        %get3A_1202 = arith.constant 16 : index
        %get3A_1203 = tpu.vector_load %arg8[%get3A_1200, %get3A_1201, %get3A_1202] {strides = array<i32>} : memref<5x128x64xf32, #tpu.memory_space<vmem>>, vector<1x1x16xf32>,
        %get3A_1204 = vector.shape_cast %get3A_1203 : vector<1x1x16xf32> to vector<16xf32>
        %add3A_1205 = arith.addf %get3A_1204, %get3A_383 : vector<16xf32>
        %swap3A_1206 = arith.constant 0 : i32
        %swap3A_1207 = arith.index_cast %swap3A_1206 : i32 to index
        %swap3A_1208 = arith.index_cast %scan3A_1184 : i32 to index
        %swap3A_1209 = arith.constant 16 : index
        %swap3A_1210 = tpu.vector_load %arg8[%swap3A_1207, %swap3A_1208, %swap3A_1209] {strides = array<i32>} : memref<5x128x64xf32, #tpu.memory_space<vmem>>, vector<1x1x16xf32>,
        %swap3A_1211 = vector.shape_cast %swap3A_1210 : vector<1x1x16xf32> to vector<16xf32>
        %swap3A_1212 = vector.shape_cast %add3A_1205 : vector<16xf32> to vector<1x1x16xf32>
        tpu.vector_store %arg8[%swap3A_1207, %swap3A_1208, %swap3A_1209], %swap3A_1212 {strides = array<i32>} : memref<5x128x64xf32, #tpu.memory_space<vmem>>, vector<1x1x16xf32>,
        %get3A_1213 = arith.constant 0 : i32
        %get3A_1214 = arith.index_cast %get3A_1213 : i32 to index
        %get3A_1215 = arith.index_cast %scan3A_1184 : i32 to index
        %get3A_1216 = arith.constant 32 : index
        %get3A_1217 = tpu.vector_load %arg8[%get3A_1214, %get3A_1215, %get3A_1216] {strides = array<i32>} : memref<5x128x64xf32, #tpu.memory_space<vmem>>, vector<1x1x16xf32>,
        %get3A_1218 = vector.shape_cast %get3A_1217 : vector<1x1x16xf32> to vector<16xf32>
        %add3A_1219 = arith.addf %get3A_1218, %get3A_387 : vector<16xf32>
        %swap3A_1220 = arith.constant 0 : i32
        %swap3A_1221 = arith.index_cast %swap3A_1220 : i32 to index
        %swap3A_1222 = arith.index_cast %scan3A_1184 : i32 to index
        %swap3A_1223 = arith.constant 32 : index
        %swap3A_1224 = tpu.vector_load %arg8[%swap3A_1221, %swap3A_1222, %swap3A_1223] {strides = array<i32>} : memref<5x128x64xf32, #tpu.memory_space<vmem>>, vector<1x1x16xf32>,
        %swap3A_1225 = vector.shape_cast %swap3A_1224 : vector<1x1x16xf32> to vector<16xf32>
        %swap3A_1226 = vector.shape_cast %add3A_1219 : vector<16xf32> to vector<1x1x16xf32>
        tpu.vector_store %arg8[%swap3A_1221, %swap3A_1222, %swap3A_1223], %swap3A_1226 {strides = array<i32>} : memref<5x128x64xf32, #tpu.memory_space<vmem>>, vector<1x1x16xf32>,
        %get3A_1227 = arith.constant 0 : i32
        %get3A_1228 = arith.index_cast %get3A_1227 : i32 to index
        %get3A_1229 = arith.index_cast %scan3A_1184 : i32 to index
        %get3A_1230 = arith.constant 48 : index
        %get3A_1231 = tpu.vector_load %arg8[%get3A_1228, %get3A_1229, %get3A_1230] {strides = array<i32>} : memref<5x128x64xf32, #tpu.memory_space<vmem>>, vector<1x1x16xf32>,
        %get3A_1232 = vector.shape_cast %get3A_1231 : vector<1x1x16xf32> to vector<16xf32>
        %add3A_1233 = arith.addf %get3A_1232, %get3A_391 : vector<16xf32>
        %swap3A_1234 = arith.constant 0 : i32
        %swap3A_1235 = arith.index_cast %swap3A_1234 : i32 to index
        %swap3A_1236 = arith.index_cast %scan3A_1184 : i32 to index
        %swap3A_1237 = arith.constant 48 : index
        %swap3A_1238 = tpu.vector_load %arg8[%swap3A_1235, %swap3A_1236, %swap3A_1237] {strides = array<i32>} : memref<5x128x64xf32, #tpu.memory_space<vmem>>, vector<1x1x16xf32>,
        %swap3A_1239 = vector.shape_cast %swap3A_1238 : vector<1x1x16xf32> to vector<16xf32>
        %swap3A_1240 = vector.shape_cast %add3A_1233 : vector<16xf32> to vector<1x1x16xf32>
        tpu.vector_store %arg8[%swap3A_1235, %swap3A_1236, %swap3A_1237], %swap3A_1240 {strides = array<i32>} : memref<5x128x64xf32, #tpu.memory_space<vmem>>, vector<1x1x16xf32>,
        %scan3A_1241 = arith.constant 2 : i32
        %scan3A_1242 = arith.addi %scan3A_1127, %scan3A_1241 : i32
        %get3A_1243 = arith.constant 0 : i32
        %get3A_1244 = arith.index_cast %get3A_1243 : i32 to index
        %get3A_1245 = arith.index_cast %scan3A_1242 : i32 to index
        %get3A_1246 = arith.constant 0 : index
        %get3A_1247 = tpu.vector_load %arg8[%get3A_1244, %get3A_1245, %get3A_1246] {strides = array<i32>} : memref<5x128x64xf32, #tpu.memory_space<vmem>>, vector<1x1x16xf32>,
        %get3A_1248 = vector.shape_cast %get3A_1247 : vector<1x1x16xf32> to vector<16xf32>
        %add3A_1249 = arith.addf %get3A_1248, %get3A_379 : vector<16xf32>
        %swap3A_1250 = arith.constant 0 : i32
        %swap3A_1251 = arith.index_cast %swap3A_1250 : i32 to index
        %swap3A_1252 = arith.index_cast %scan3A_1242 : i32 to index
        %swap3A_1253 = arith.constant 0 : index
        %swap3A_1254 = tpu.vector_load %arg8[%swap3A_1251, %swap3A_1252, %swap3A_1253] {strides = array<i32>} : memref<5x128x64xf32, #tpu.memory_space<vmem>>, vector<1x1x16xf32>,
        %swap3A_1255 = vector.shape_cast %swap3A_1254 : vector<1x1x16xf32> to vector<16xf32>
        %swap3A_1256 = vector.shape_cast %add3A_1249 : vector<16xf32> to vector<1x1x16xf32>
        tpu.vector_store %arg8[%swap3A_1251, %swap3A_1252, %swap3A_1253], %swap3A_1256 {strides = array<i32>} : memref<5x128x64xf32, #tpu.memory_space<vmem>>, vector<1x1x16xf32>,
        %get3A_1257 = arith.constant 0 : i32
        %get3A_1258 = arith.index_cast %get3A_1257 : i32 to index
        %get3A_1259 = arith.index_cast %scan3A_1242 : i32 to index
        %get3A_1260 = arith.constant 16 : index
        %get3A_1261 = tpu.vector_load %arg8[%get3A_1258, %get3A_1259, %get3A_1260] {strides = array<i32>} : memref<5x128x64xf32, #tpu.memory_space<vmem>>, vector<1x1x16xf32>,
        %get3A_1262 = vector.shape_cast %get3A_1261 : vector<1x1x16xf32> to vector<16xf32>
        %add3A_1263 = arith.addf %get3A_1262, %get3A_383 : vector<16xf32>
        %swap3A_1264 = arith.constant 0 : i32
        %swap3A_1265 = arith.index_cast %swap3A_1264 : i32 to index
        %swap3A_1266 = arith.index_cast %scan3A_1242 : i32 to index
        %swap3A_1267 = arith.constant 16 : index
        %swap3A_1268 = tpu.vector_load %arg8[%swap3A_1265, %swap3A_1266, %swap3A_1267] {strides = array<i32>} : memref<5x128x64xf32, #tpu.memory_space<vmem>>, vector<1x1x16xf32>,
        %swap3A_1269 = vector.shape_cast %swap3A_1268 : vector<1x1x16xf32> to vector<16xf32>
        %swap3A_1270 = vector.shape_cast %add3A_1263 : vector<16xf32> to vector<1x1x16xf32>
        tpu.vector_store %arg8[%swap3A_1265, %swap3A_1266, %swap3A_1267], %swap3A_1270 {strides = array<i32>} : memref<5x128x64xf32, #tpu.memory_space<vmem>>, vector<1x1x16xf32>,
        %get3A_1271 = arith.constant 0 : i32
        %get3A_1272 = arith.index_cast %get3A_1271 : i32 to index
        %get3A_1273 = arith.index_cast %scan3A_1242 : i32 to index
        %get3A_1274 = arith.constant 32 : index
        %get3A_1275 = tpu.vector_load %arg8[%get3A_1272, %get3A_1273, %get3A_1274] {strides = array<i32>} : memref<5x128x64xf32, #tpu.memory_space<vmem>>, vector<1x1x16xf32>,
        %get3A_1276 = vector.shape_cast %get3A_1275 : vector<1x1x16xf32> to vector<16xf32>
        %add3A_1277 = arith.addf %get3A_1276, %get3A_387 : vector<16xf32>
        %swap3A_1278 = arith.constant 0 : i32
        %swap3A_1279 = arith.index_cast %swap3A_1278 : i32 to index
        %swap3A_1280 = arith.index_cast %scan3A_1242 : i32 to index
        %swap3A_1281 = arith.constant 32 : index
        %swap3A_1282 = tpu.vector_load %arg8[%swap3A_1279, %swap3A_1280, %swap3A_1281] {strides = array<i32>} : memref<5x128x64xf32, #tpu.memory_space<vmem>>, vector<1x1x16xf32>,
        %swap3A_1283 = vector.shape_cast %swap3A_1282 : vector<1x1x16xf32> to vector<16xf32>
        %swap3A_1284 = vector.shape_cast %add3A_1277 : vector<16xf32> to vector<1x1x16xf32>
        tpu.vector_store %arg8[%swap3A_1279, %swap3A_1280, %swap3A_1281], %swap3A_1284 {strides = array<i32>} : memref<5x128x64xf32, #tpu.memory_space<vmem>>, vector<1x1x16xf32>,
        %get3A_1285 = arith.constant 0 : i32
        %get3A_1286 = arith.index_cast %get3A_1285 : i32 to index
        %get3A_1287 = arith.index_cast %scan3A_1242 : i32 to index
        %get3A_1288 = arith.constant 48 : index
        %get3A_1289 = tpu.vector_load %arg8[%get3A_1286, %get3A_1287, %get3A_1288] {strides = array<i32>} : memref<5x128x64xf32, #tpu.memory_space<vmem>>, vector<1x1x16xf32>,
        %get3A_1290 = vector.shape_cast %get3A_1289 : vector<1x1x16xf32> to vector<16xf32>
        %add3A_1291 = arith.addf %get3A_1290, %get3A_391 : vector<16xf32>
        %swap3A_1292 = arith.constant 0 : i32
        %swap3A_1293 = arith.index_cast %swap3A_1292 : i32 to index
        %swap3A_1294 = arith.index_cast %scan3A_1242 : i32 to index
        %swap3A_1295 = arith.constant 48 : index
        %swap3A_1296 = tpu.vector_load %arg8[%swap3A_1293, %swap3A_1294, %swap3A_1295] {strides = array<i32>} : memref<5x128x64xf32, #tpu.memory_space<vmem>>, vector<1x1x16xf32>,
        %swap3A_1297 = vector.shape_cast %swap3A_1296 : vector<1x1x16xf32> to vector<16xf32>
        %swap3A_1298 = vector.shape_cast %add3A_1291 : vector<16xf32> to vector<1x1x16xf32>
        tpu.vector_store %arg8[%swap3A_1293, %swap3A_1294, %swap3A_1295], %swap3A_1298 {strides = array<i32>} : memref<5x128x64xf32, #tpu.memory_space<vmem>>, vector<1x1x16xf32>,
        %scan3A_1299 = arith.constant 3 : i32
        %scan3A_1300 = arith.addi %scan3A_1127, %scan3A_1299 : i32
        %get3A_1301 = arith.constant 0 : i32
        %get3A_1302 = arith.index_cast %get3A_1301 : i32 to index
        %get3A_1303 = arith.index_cast %scan3A_1300 : i32 to index
        %get3A_1304 = arith.constant 0 : index
        %get3A_1305 = tpu.vector_load %arg8[%get3A_1302, %get3A_1303, %get3A_1304] {strides = array<i32>} : memref<5x128x64xf32, #tpu.memory_space<vmem>>, vector<1x1x16xf32>,
        %get3A_1306 = vector.shape_cast %get3A_1305 : vector<1x1x16xf32> to vector<16xf32>
        %add3A_1307 = arith.addf %get3A_1306, %get3A_379 : vector<16xf32>
        %swap3A_1308 = arith.constant 0 : i32
        %swap3A_1309 = arith.index_cast %swap3A_1308 : i32 to index
        %swap3A_1310 = arith.index_cast %scan3A_1300 : i32 to index
        %swap3A_1311 = arith.constant 0 : index
        %swap3A_1312 = tpu.vector_load %arg8[%swap3A_1309, %swap3A_1310, %swap3A_1311] {strides = array<i32>} : memref<5x128x64xf32, #tpu.memory_space<vmem>>, vector<1x1x16xf32>,
        %swap3A_1313 = vector.shape_cast %swap3A_1312 : vector<1x1x16xf32> to vector<16xf32>
        %swap3A_1314 = vector.shape_cast %add3A_1307 : vector<16xf32> to vector<1x1x16xf32>
        tpu.vector_store %arg8[%swap3A_1309, %swap3A_1310, %swap3A_1311], %swap3A_1314 {strides = array<i32>} : memref<5x128x64xf32, #tpu.memory_space<vmem>>, vector<1x1x16xf32>,
        %get3A_1315 = arith.constant 0 : i32
        %get3A_1316 = arith.index_cast %get3A_1315 : i32 to index
        %get3A_1317 = arith.index_cast %scan3A_1300 : i32 to index
        %get3A_1318 = arith.constant 16 : index
        %get3A_1319 = tpu.vector_load %arg8[%get3A_1316, %get3A_1317, %get3A_1318] {strides = array<i32>} : memref<5x128x64xf32, #tpu.memory_space<vmem>>, vector<1x1x16xf32>,
        %get3A_1320 = vector.shape_cast %get3A_1319 : vector<1x1x16xf32> to vector<16xf32>
        %add3A_1321 = arith.addf %get3A_1320, %get3A_383 : vector<16xf32>
        %swap3A_1322 = arith.constant 0 : i32
        %swap3A_1323 = arith.index_cast %swap3A_1322 : i32 to index
        %swap3A_1324 = arith.index_cast %scan3A_1300 : i32 to index
        %swap3A_1325 = arith.constant 16 : index
        %swap3A_1326 = tpu.vector_load %arg8[%swap3A_1323, %swap3A_1324, %swap3A_1325] {strides = array<i32>} : memref<5x128x64xf32, #tpu.memory_space<vmem>>, vector<1x1x16xf32>,
        %swap3A_1327 = vector.shape_cast %swap3A_1326 : vector<1x1x16xf32> to vector<16xf32>
        %swap3A_1328 = vector.shape_cast %add3A_1321 : vector<16xf32> to vector<1x1x16xf32>
        tpu.vector_store %arg8[%swap3A_1323, %swap3A_1324, %swap3A_1325], %swap3A_1328 {strides = array<i32>} : memref<5x128x64xf32, #tpu.memory_space<vmem>>, vector<1x1x16xf32>,
        %get3A_1329 = arith.constant 0 : i32
        %get3A_1330 = arith.index_cast %get3A_1329 : i32 to index
        %get3A_1331 = arith.index_cast %scan3A_1300 : i32 to index
        %get3A_1332 = arith.constant 32 : index
        %get3A_1333 = tpu.vector_load %arg8[%get3A_1330, %get3A_1331, %get3A_1332] {strides = array<i32>} : memref<5x128x64xf32, #tpu.memory_space<vmem>>, vector<1x1x16xf32>,
        %get3A_1334 = vector.shape_cast %get3A_1333 : vector<1x1x16xf32> to vector<16xf32>
        %add3A_1335 = arith.addf %get3A_1334, %get3A_387 : vector<16xf32>
        %swap3A_1336 = arith.constant 0 : i32
        %swap3A_1337 = arith.index_cast %swap3A_1336 : i32 to index
        %swap3A_1338 = arith.index_cast %scan3A_1300 : i32 to index
        %swap3A_1339 = arith.constant 32 : index
        %swap3A_1340 = tpu.vector_load %arg8[%swap3A_1337, %swap3A_1338, %swap3A_1339] {strides = array<i32>} : memref<5x128x64xf32, #tpu.memory_space<vmem>>, vector<1x1x16xf32>,
        %swap3A_1341 = vector.shape_cast %swap3A_1340 : vector<1x1x16xf32> to vector<16xf32>
        %swap3A_1342 = vector.shape_cast %add3A_1335 : vector<16xf32> to vector<1x1x16xf32>
        tpu.vector_store %arg8[%swap3A_1337, %swap3A_1338, %swap3A_1339], %swap3A_1342 {strides = array<i32>} : memref<5x128x64xf32, #tpu.memory_space<vmem>>, vector<1x1x16xf32>,
        %get3A_1343 = arith.constant 0 : i32
        %get3A_1344 = arith.index_cast %get3A_1343 : i32 to index
        %get3A_1345 = arith.index_cast %scan3A_1300 : i32 to index
        %get3A_1346 = arith.constant 48 : index
        %get3A_1347 = tpu.vector_load %arg8[%get3A_1344, %get3A_1345, %get3A_1346] {strides = array<i32>} : memref<5x128x64xf32, #tpu.memory_space<vmem>>, vector<1x1x16xf32>,
        %get3A_1348 = vector.shape_cast %get3A_1347 : vector<1x1x16xf32> to vector<16xf32>
        %add3A_1349 = arith.addf %get3A_1348, %get3A_391 : vector<16xf32>
        %swap3A_1350 = arith.constant 0 : i32
        %swap3A_1351 = arith.index_cast %swap3A_1350 : i32 to index
        %swap3A_1352 = arith.index_cast %scan3A_1300 : i32 to index
        %swap3A_1353 = arith.constant 48 : index
        %swap3A_1354 = tpu.vector_load %arg8[%swap3A_1351, %swap3A_1352, %swap3A_1353] {strides = array<i32>} : memref<5x128x64xf32, #tpu.memory_space<vmem>>, vector<1x1x16xf32>,
        %swap3A_1355 = vector.shape_cast %swap3A_1354 : vector<1x1x16xf32> to vector<16xf32>
        %swap3A_1356 = vector.shape_cast %add3A_1349 : vector<16xf32> to vector<1x1x16xf32>
        tpu.vector_store %arg8[%swap3A_1351, %swap3A_1352, %swap3A_1353], %swap3A_1356 {strides = array<i32>} : memref<5x128x64xf32, #tpu.memory_space<vmem>>, vector<1x1x16xf32>,
      }
      %scan3A_397 = arith.constant 128 : i32
      %add3A_398 = arith.addi %mul3A_2, %add3A_279 : i32
      %jit3A_399 = arith.constant 8 : i32
      %div3A_400 = arith.divsi %add3A_398, %jit3A_399 : i32
      %sign3A_401 = arith.constant 0 : i32
      %sign3A_402 = arith.cmpi sgt, %add3A_398, %sign3A_401 : i32
      %sign3A_403 = arith.extui %sign3A_402 : i1 to i32
      %sign3A_404 = arith.constant 0 : i32
      %sign3A_405 = arith.cmpi slt, %add3A_398, %sign3A_404 : i32
      %sign3A_406 = arith.extui %sign3A_405 : i1 to i32
      %sign3A_407 = arith.subi %sign3A_403, %sign3A_406 : i32
      %sign3A_408 = arith.constant 0 : i32
      %sign3A_409 = arith.cmpi sgt, %jit3A_399, %sign3A_408 : i32
      %sign3A_410 = arith.extui %sign3A_409 : i1 to i32
      %sign3A_411 = arith.constant 0 : i32
      %sign3A_412 = arith.cmpi slt, %jit3A_399, %sign3A_411 : i32
      %sign3A_413 = arith.extui %sign3A_412 : i1 to i32
      %sign3A_414 = arith.subi %sign3A_410, %sign3A_413 : i32
      %ne3A_415 = arith.cmpi ne, %sign3A_407, %sign3A_414 : i32
      %rem3A_416 = arith.remsi %add3A_398, %jit3A_399 : i32
      %ne3A_417 = arith.constant 0 : i32
      %ne3A_418 = arith.cmpi ne, %rem3A_416, %ne3A_417 : i32
      %and3A_419 = arith.andi %ne3A_415, %ne3A_418 : i1
      %sub3A_420 = arith.constant 1 : i32
      %sub3A_421 = arith.subi %div3A_400, %sub3A_420 : i32
      %select_n3A_422 = arith.select %and3A_419, %sub3A_421, %div3A_400 : i32
      %rem3A_423 = arith.constant 8 : i32
      %rem3A_424 = arith.remsi %add3A_398, %rem3A_423 : i32
      %mul3A_425 = arith.constant 128 : i32
      %mul3A_426 = arith.muli %rem3A_424, %mul3A_425 : i32
      %mul3A_427 = arith.constant 64 : i32
      %mul3A_428 = arith.muli %select_n3A_422, %mul3A_427 : i32
      %dma_start3A_429 = arith.constant 0 : i32
      %dma_start3A_430 = arith.constant 0 : i32
      %dma_start3A_431 = arith.constant 0 : i32
      %dma_start3A_432 = arith.constant 0 : i32
      %dma_start3A_433 = tpu.memref_slice %arg8[%dma_start3A_429, %dma_start3A_431, %dma_start3A_432] : memref<5x128x64xf32, #tpu.memory_space<vmem>> -> memref<1x128x64xf32, #tpu.memory_space<vmem>>
      %dma_start3A_434 = tpu.memref_squeeze %dma_start3A_433 : memref<1x128x64xf32, #tpu.memory_space<vmem>> -> memref<128x64xf32, #tpu.memory_space<vmem>>
      %dma_start3A_435 = tpu.memref_slice %arg5[%mul3A_426, %mul3A_428] : memref<1024x12800xf32, #tpu.memory_space<hbm>> -> memref<128x64xf32, #tpu.memory_space<hbm>>
      %dma_start3A_436 = tpu.memref_slice %arg10[%dma_start3A_430] : memref<5x!tpu.dma_semaphore, #tpu.memory_space<semaphore_mem>> -> memref<1x!tpu.dma_semaphore, #tpu.memory_space<semaphore_mem>>
      %dma_start3A_437 = tpu.memref_squeeze %dma_start3A_436 : memref<1x!tpu.dma_semaphore, #tpu.memory_space<semaphore_mem>> -> memref<!tpu.dma_semaphore, #tpu.memory_space<semaphore_mem>>
      %dma_start3A_438 = tpu.memref_slice %arg5[%mul3A_426, %mul3A_428] : memref<1024x12800xf32, #tpu.memory_space<hbm>> -> memref<128x64xf32, #tpu.memory_space<hbm>>
      %dma_start3A_439 = arith.constant 0 : i32
      %dma_start3A_440 = arith.constant 0 : i32
      %dma_start3A_441 = tpu.memref_slice %arg8[%dma_start3A_429, %dma_start3A_439, %dma_start3A_440] : memref<5x128x64xf32, #tpu.memory_space<vmem>> -> memref<1x128x64xf32, #tpu.memory_space<vmem>>
      %dma_start3A_442 = tpu.memref_squeeze %dma_start3A_441 : memref<1x128x64xf32, #tpu.memory_space<vmem>> -> memref<128x64xf32, #tpu.memory_space<vmem>>
      tpu.enqueue_dma source(%dma_start3A_442 : memref<128x64xf32, #tpu.memory_space<vmem>>) target(%dma_start3A_438 : memref<128x64xf32, #tpu.memory_space<hbm>>) target_semaphore(%dma_start3A_437 : memref<!tpu.dma_semaphore, #tpu.memory_space<semaphore_mem>>)
      %mul3A_443 = arith.constant 5 : i32
      %mul3A_444 = arith.muli %scan3A_275, %mul3A_443 : i32
      %add3A_445 = arith.constant 1 : i32
      %add3A_446 = arith.addi %mul3A_444, %add3A_445 : i32
      %add3A_447 = arith.constant 2 : i32
      %add3A_448 = arith.addi %add3A_446, %add3A_447 : i32
      %lt3A_449 = arith.constant 50 : i32
      %lt3A_450 = arith.cmpi slt, %add3A_448, %lt3A_449 : i32
      %convert_element_type3A_451 = arith.extui %lt3A_450 : i1 to i32
      %cond3A_452 = arith.constant 0 : i32
      %cond3A_453 = arith.cmpi ne, %convert_element_type3A_451, %cond3A_452 : i32
      scf.if %cond3A_453 {
        %ge3A = arith.constant 3 : i32
        %ge3A_1127 = arith.cmpi sge, %add3A_446, %ge3A : i32
        %convert_element_type3A_1128 = arith.extui %ge3A_1127 : i1 to i32
        %cond3A_1129 = arith.constant 0 : i32
        %cond3A_1130 = arith.cmpi ne, %convert_element_type3A_1128, %cond3A_1129 : i32
        scf.if %cond3A_1130 {
          %dma_wait3A_1201 = arith.constant 3 : i32
          %dma_wait3A_1202 = arith.constant 3 : i32
          %dma_wait3A_1203 = arith.constant 0 : i32
          %dma_wait3A_1204 = arith.constant 0 : i32
          %dma_wait3A_1205 = tpu.memref_slice %arg8[%dma_wait3A_1201, %dma_wait3A_1203, %dma_wait3A_1204] : memref<5x128x64xf32, #tpu.memory_space<vmem>> -> memref<1x128x64xf32, #tpu.memory_space<vmem>>
          %dma_wait3A_1206 = tpu.memref_squeeze %dma_wait3A_1205 : memref<1x128x64xf32, #tpu.memory_space<vmem>> -> memref<128x64xf32, #tpu.memory_space<vmem>>
          %dma_wait3A_1207 = arith.constant 0 : i32
          %dma_wait3A_1208 = arith.constant 0 : i32
          %dma_wait3A_1209 = tpu.memref_slice %arg5[%dma_wait3A_1207, %dma_wait3A_1208] : memref<1024x12800xf32, #tpu.memory_space<hbm>> -> memref<128x64xf32, #tpu.memory_space<hbm>>
          %dma_wait3A_1210 = tpu.memref_slice %arg10[%dma_wait3A_1202] : memref<5x!tpu.dma_semaphore, #tpu.memory_space<semaphore_mem>> -> memref<1x!tpu.dma_semaphore, #tpu.memory_space<semaphore_mem>>
          %dma_wait3A_1211 = tpu.memref_squeeze %dma_wait3A_1210 : memref<1x!tpu.dma_semaphore, #tpu.memory_space<semaphore_mem>> -> memref<!tpu.dma_semaphore, #tpu.memory_space<semaphore_mem>>
          %dma_wait3A_1212 = arith.constant 0 : i32
          %dma_wait3A_1213 = arith.constant 0 : i32
          %dma_wait3A_1214 = tpu.memref_slice %arg5[%dma_wait3A_1212, %dma_wait3A_1213] : memref<1024x12800xf32, #tpu.memory_space<hbm>> -> memref<128x64xf32, #tpu.memory_space<hbm>>
          %dma_wait3A_1215 = arith.constant 0 : i32
          %dma_wait3A_1216 = arith.constant 0 : i32
          %dma_wait3A_1217 = tpu.memref_slice %arg8[%dma_wait3A_1201, %dma_wait3A_1215, %dma_wait3A_1216] : memref<5x128x64xf32, #tpu.memory_space<vmem>> -> memref<1x128x64xf32, #tpu.memory_space<vmem>>
          %dma_wait3A_1218 = tpu.memref_squeeze %dma_wait3A_1217 : memref<1x128x64xf32, #tpu.memory_space<vmem>> -> memref<128x64xf32, #tpu.memory_space<vmem>>
          tpu.wait_dma2 semaphore(%dma_wait3A_1211 : memref<!tpu.dma_semaphore, #tpu.memory_space<semaphore_mem>>) src(%dma_wait3A_1218 : memref<128x64xf32, #tpu.memory_space<vmem>>) dst(%dma_wait3A_1214 : memref<128x64xf32, #tpu.memory_space<hbm>>)
        } else {
        }
        %add3A_1131 = arith.constant 2 : i32
        %add3A_1132 = arith.addi %add3A_446, %add3A_1131 : i32
        %add3A_1133 = arith.addi %mul3A_2, %add3A_1132 : i32
        %jit3A_1134 = arith.constant 8 : i32
        %div3A_1135 = arith.divsi %add3A_1133, %jit3A_1134 : i32
        %sign3A_1136 = arith.constant 0 : i32
        %sign3A_1137 = arith.cmpi sgt, %add3A_1133, %sign3A_1136 : i32
        %sign3A_1138 = arith.extui %sign3A_1137 : i1 to i32
        %sign3A_1139 = arith.constant 0 : i32
        %sign3A_1140 = arith.cmpi slt, %add3A_1133, %sign3A_1139 : i32
        %sign3A_1141 = arith.extui %sign3A_1140 : i1 to i32
        %sign3A_1142 = arith.subi %sign3A_1138, %sign3A_1141 : i32
        %sign3A_1143 = arith.constant 0 : i32
        %sign3A_1144 = arith.cmpi sgt, %jit3A_1134, %sign3A_1143 : i32
        %sign3A_1145 = arith.extui %sign3A_1144 : i1 to i32
        %sign3A_1146 = arith.constant 0 : i32
        %sign3A_1147 = arith.cmpi slt, %jit3A_1134, %sign3A_1146 : i32
        %sign3A_1148 = arith.extui %sign3A_1147 : i1 to i32
        %sign3A_1149 = arith.subi %sign3A_1145, %sign3A_1148 : i32
        %ne3A_1150 = arith.cmpi ne, %sign3A_1142, %sign3A_1149 : i32
        %rem3A_1151 = arith.remsi %add3A_1133, %jit3A_1134 : i32
        %ne3A_1152 = arith.constant 0 : i32
        %ne3A_1153 = arith.cmpi ne, %rem3A_1151, %ne3A_1152 : i32
        %and3A_1154 = arith.andi %ne3A_1150, %ne3A_1153 : i1
        %sub3A_1155 = arith.constant 1 : i32
        %sub3A_1156 = arith.subi %div3A_1135, %sub3A_1155 : i32
        %select_n3A_1157 = arith.select %and3A_1154, %sub3A_1156, %div3A_1135 : i32
        %rem3A_1158 = arith.constant 8 : i32
        %rem3A_1159 = arith.remsi %add3A_1133, %rem3A_1158 : i32
        %jit3A_1160 = arith.constant 8 : i32
        %div3A_1161 = arith.divsi %select_n3A_1157, %jit3A_1160 : i32
        %sign3A_1162 = arith.constant 0 : i32
        %sign3A_1163 = arith.cmpi sgt, %select_n3A_1157, %sign3A_1162 : i32
        %sign3A_1164 = arith.extui %sign3A_1163 : i1 to i32
        %sign3A_1165 = arith.constant 0 : i32
        %sign3A_1166 = arith.cmpi slt, %select_n3A_1157, %sign3A_1165 : i32
        %sign3A_1167 = arith.extui %sign3A_1166 : i1 to i32
        %sign3A_1168 = arith.subi %sign3A_1164, %sign3A_1167 : i32
        %sign3A_1169 = arith.constant 0 : i32
        %sign3A_1170 = arith.cmpi sgt, %jit3A_1160, %sign3A_1169 : i32
        %sign3A_1171 = arith.extui %sign3A_1170 : i1 to i32
        %sign3A_1172 = arith.constant 0 : i32
        %sign3A_1173 = arith.cmpi slt, %jit3A_1160, %sign3A_1172 : i32
        %sign3A_1174 = arith.extui %sign3A_1173 : i1 to i32
        %sign3A_1175 = arith.subi %sign3A_1171, %sign3A_1174 : i32
        %ne3A_1176 = arith.cmpi ne, %sign3A_1168, %sign3A_1175 : i32
        %rem3A_1177 = arith.remsi %select_n3A_1157, %jit3A_1160 : i32
        %ne3A_1178 = arith.constant 0 : i32
        %ne3A_1179 = arith.cmpi ne, %rem3A_1177, %ne3A_1178 : i32
        %and3A_1180 = arith.andi %ne3A_1176, %ne3A_1179 : i1
        %sub3A_1181 = arith.constant 1 : i32
        %sub3A_1182 = arith.subi %div3A_1161, %sub3A_1181 : i32
        %select_n3A_1183 = arith.select %and3A_1180, %sub3A_1182, %div3A_1161 : i32
        %sub3A_1184 = arith.subi %select_n3A_1183, %min3A_43 : i32
        %rem3A_1185 = arith.constant 8 : i32
        %rem3A_1186 = arith.remsi %select_n3A_1157, %rem3A_1185 : i32
        %dma_start3A_1187 = arith.constant 3 : i32
        %dma_start3A_1188 = arith.constant 3 : i32
        %dma_start3A_1189 = arith.constant 0 : i32
        %dma_start3A_1190 = arith.constant 0 : i32
        %dma_start3A_1191 = tpu.memref_slice %arg8[%dma_start3A_1187, %dma_start3A_1189, %dma_start3A_1190] : memref<5x128x64xf32, #tpu.memory_space<vmem>> -> memref<1x128x64xf32, #tpu.memory_space<vmem>>
        %dma_start3A_1192 = tpu.memref_squeeze %dma_start3A_1191 : memref<1x128x64xf32, #tpu.memory_space<vmem>> -> memref<128x64xf32, #tpu.memory_space<vmem>>
        %dma_start3A_1193 = arith.constant 0 : i32
        %dma_start3A_1194 = tpu.memref_slice %arg6[%sub3A_1184, %rem3A_1159, %rem3A_1186, %dma_start3A_1193] : memref<2x8x8x128xi32, #tpu.memory_space<vmem>> -> memref<1x1x1x128xi32, #tpu.memory_space<vmem>>
        %dma_start3A_1195 = tpu.memref_squeeze %dma_start3A_1194 : memref<1x1x1x128xi32, #tpu.memory_space<vmem>> -> memref<128xi32, #tpu.memory_space<vmem>>
        %dma_start3A_1196 = arith.constant 0 : i32
        %dma_start3A_1197 = arith.constant 0 : i32
        %dma_start3A_1198 = tpu.memref_slice %arg3[%dma_start3A_1196, %dma_start3A_1197] : memref<1000000x64xf32, #tpu.memory_space<hbm>> -> memref<1000000x64xf32, #tpu.memory_space<hbm>>
        %dma_start3A_1199 = tpu.memref_slice %arg9[%dma_start3A_1188] : memref<5x!tpu.dma_semaphore, #tpu.memory_space<semaphore_mem>> -> memref<1x!tpu.dma_semaphore, #tpu.memory_space<semaphore_mem>>
        %dma_start3A_1200 = tpu.memref_squeeze %dma_start3A_1199 : memref<1x!tpu.dma_semaphore, #tpu.memory_space<semaphore_mem>> -> memref<!tpu.dma_semaphore, #tpu.memory_space<semaphore_mem>>
        tpu.enqueue_indirect_dma source(%dma_start3A_1198 : memref<1000000x64xf32, #tpu.memory_space<hbm>>) target(%dma_start3A_1192 : memref<128x64xf32, #tpu.memory_space<vmem>>) offsets(%dma_start3A_1195 : memref<128xi32, #tpu.memory_space<vmem>>) semaphore(%dma_start3A_1200 : memref<!tpu.dma_semaphore, #tpu.memory_space<semaphore_mem>>)
      } else {
      }
      %add3A_454 = arith.addi %mul3A_2, %add3A_446 : i32
      %jit3A_455 = arith.constant 8 : i32
      %div3A_456 = arith.divsi %add3A_454, %jit3A_455 : i32
      %sign3A_457 = arith.constant 0 : i32
      %sign3A_458 = arith.cmpi sgt, %add3A_454, %sign3A_457 : i32
      %sign3A_459 = arith.extui %sign3A_458 : i1 to i32
      %sign3A_460 = arith.constant 0 : i32
      %sign3A_461 = arith.cmpi slt, %add3A_454, %sign3A_460 : i32
      %sign3A_462 = arith.extui %sign3A_461 : i1 to i32
      %sign3A_463 = arith.subi %sign3A_459, %sign3A_462 : i32
      %sign3A_464 = arith.constant 0 : i32
      %sign3A_465 = arith.cmpi sgt, %jit3A_455, %sign3A_464 : i32
      %sign3A_466 = arith.extui %sign3A_465 : i1 to i32
      %sign3A_467 = arith.constant 0 : i32
      %sign3A_468 = arith.cmpi slt, %jit3A_455, %sign3A_467 : i32
      %sign3A_469 = arith.extui %sign3A_468 : i1 to i32
      %sign3A_470 = arith.subi %sign3A_466, %sign3A_469 : i32
      %ne3A_471 = arith.cmpi ne, %sign3A_463, %sign3A_470 : i32
      %rem3A_472 = arith.remsi %add3A_454, %jit3A_455 : i32
      %ne3A_473 = arith.constant 0 : i32
      %ne3A_474 = arith.cmpi ne, %rem3A_472, %ne3A_473 : i32
      %and3A_475 = arith.andi %ne3A_471, %ne3A_474 : i1
      %sub3A_476 = arith.constant 1 : i32
      %sub3A_477 = arith.subi %div3A_456, %sub3A_476 : i32
      %select_n3A_478 = arith.select %and3A_475, %sub3A_477, %div3A_456 : i32
      %rem3A_479 = arith.constant 8 : i32
      %rem3A_480 = arith.remsi %add3A_454, %rem3A_479 : i32
      %jit3A_481 = arith.constant 8 : i32
      %div3A_482 = arith.divsi %select_n3A_478, %jit3A_481 : i32
      %sign3A_483 = arith.constant 0 : i32
      %sign3A_484 = arith.cmpi sgt, %select_n3A_478, %sign3A_483 : i32
      %sign3A_485 = arith.extui %sign3A_484 : i1 to i32
      %sign3A_486 = arith.constant 0 : i32
      %sign3A_487 = arith.cmpi slt, %select_n3A_478, %sign3A_486 : i32
      %sign3A_488 = arith.extui %sign3A_487 : i1 to i32
      %sign3A_489 = arith.subi %sign3A_485, %sign3A_488 : i32
      %sign3A_490 = arith.constant 0 : i32
      %sign3A_491 = arith.cmpi sgt, %jit3A_481, %sign3A_490 : i32
      %sign3A_492 = arith.extui %sign3A_491 : i1 to i32
      %sign3A_493 = arith.constant 0 : i32
      %sign3A_494 = arith.cmpi slt, %jit3A_481, %sign3A_493 : i32
      %sign3A_495 = arith.extui %sign3A_494 : i1 to i32
      %sign3A_496 = arith.subi %sign3A_492, %sign3A_495 : i32
      %ne3A_497 = arith.cmpi ne, %sign3A_489, %sign3A_496 : i32
      %rem3A_498 = arith.remsi %select_n3A_478, %jit3A_481 : i32
      %ne3A_499 = arith.constant 0 : i32
      %ne3A_500 = arith.cmpi ne, %rem3A_498, %ne3A_499 : i32
      %and3A_501 = arith.andi %ne3A_497, %ne3A_500 : i1
      %sub3A_502 = arith.constant 1 : i32
      %sub3A_503 = arith.subi %div3A_482, %sub3A_502 : i32
      %select_n3A_504 = arith.select %and3A_501, %sub3A_503, %div3A_482 : i32
      %sub3A_505 = arith.subi %select_n3A_504, %min3A_43 : i32
      %rem3A_506 = arith.constant 8 : i32
      %rem3A_507 = arith.remsi %select_n3A_478, %rem3A_506 : i32
      %dma_wait3A_508 = arith.constant 1 : i32
      %dma_wait3A_509 = arith.constant 1 : i32
      %dma_wait3A_510 = arith.constant 0 : i32
      %dma_wait3A_511 = arith.constant 0 : i32
      %dma_wait3A_512 = tpu.memref_slice %arg8[%dma_wait3A_508, %dma_wait3A_510, %dma_wait3A_511] : memref<5x128x64xf32, #tpu.memory_space<vmem>> -> memref<1x128x64xf32, #tpu.memory_space<vmem>>
      %dma_wait3A_513 = tpu.memref_squeeze %dma_wait3A_512 : memref<1x128x64xf32, #tpu.memory_space<vmem>> -> memref<128x64xf32, #tpu.memory_space<vmem>>
      %dma_wait3A_514 = arith.constant 0 : i32
      %dma_wait3A_515 = tpu.memref_slice %arg6[%sub3A_505, %rem3A_480, %rem3A_507, %dma_wait3A_514] : memref<2x8x8x128xi32, #tpu.memory_space<vmem>> -> memref<1x1x1x128xi32, #tpu.memory_space<vmem>>
      %dma_wait3A_516 = tpu.memref_squeeze %dma_wait3A_515 : memref<1x1x1x128xi32, #tpu.memory_space<vmem>> -> memref<128xi32, #tpu.memory_space<vmem>>
      %dma_wait3A_517 = arith.constant 0 : i32
      %dma_wait3A_518 = arith.constant 0 : i32
      %dma_wait3A_519 = tpu.memref_slice %arg3[%dma_wait3A_517, %dma_wait3A_518] : memref<1000000x64xf32, #tpu.memory_space<hbm>> -> memref<1000000x64xf32, #tpu.memory_space<hbm>>
      %dma_wait3A_520 = tpu.memref_slice %arg9[%dma_wait3A_509] : memref<5x!tpu.dma_semaphore, #tpu.memory_space<semaphore_mem>> -> memref<1x!tpu.dma_semaphore, #tpu.memory_space<semaphore_mem>>
      %dma_wait3A_521 = tpu.memref_squeeze %dma_wait3A_520 : memref<1x!tpu.dma_semaphore, #tpu.memory_space<semaphore_mem>> -> memref<!tpu.dma_semaphore, #tpu.memory_space<semaphore_mem>>
      tpu.wait_indirect_dma semaphore(%dma_wait3A_521 : memref<!tpu.dma_semaphore, #tpu.memory_space<semaphore_mem>>) src(%dma_wait3A_519 : memref<1000000x64xf32, #tpu.memory_space<hbm>>) dst(%dma_wait3A_513 : memref<128x64xf32, #tpu.memory_space<vmem>>)
      %add3A_522 = arith.addi %mul3A_2, %add3A_446 : i32
      %jit3A_523 = arith.constant 8 : i32
      %div3A_524 = arith.divsi %add3A_522, %jit3A_523 : i32
      %sign3A_525 = arith.constant 0 : i32
      %sign3A_526 = arith.cmpi sgt, %add3A_522, %sign3A_525 : i32
      %sign3A_527 = arith.extui %sign3A_526 : i1 to i32
      %sign3A_528 = arith.constant 0 : i32
      %sign3A_529 = arith.cmpi slt, %add3A_522, %sign3A_528 : i32
      %sign3A_530 = arith.extui %sign3A_529 : i1 to i32
      %sign3A_531 = arith.subi %sign3A_527, %sign3A_530 : i32
      %sign3A_532 = arith.constant 0 : i32
      %sign3A_533 = arith.cmpi sgt, %jit3A_523, %sign3A_532 : i32
      %sign3A_534 = arith.extui %sign3A_533 : i1 to i32
      %sign3A_535 = arith.constant 0 : i32
      %sign3A_536 = arith.cmpi slt, %jit3A_523, %sign3A_535 : i32
      %sign3A_537 = arith.extui %sign3A_536 : i1 to i32
      %sign3A_538 = arith.subi %sign3A_534, %sign3A_537 : i32
      %ne3A_539 = arith.cmpi ne, %sign3A_531, %sign3A_538 : i32
      %rem3A_540 = arith.remsi %add3A_522, %jit3A_523 : i32
      %ne3A_541 = arith.constant 0 : i32
      %ne3A_542 = arith.cmpi ne, %rem3A_540, %ne3A_541 : i32
      %and3A_543 = arith.andi %ne3A_539, %ne3A_542 : i1
      %sub3A_544 = arith.constant 1 : i32
      %sub3A_545 = arith.subi %div3A_524, %sub3A_544 : i32
      %select_n3A_546 = arith.select %and3A_543, %sub3A_545, %div3A_524 : i32
      %get3A_547 = arith.index_cast %select_n3A_546 : i32 to index
      %get3A_548 = arith.constant 0 : index
      %get3A_549 = tpu.vector_load %arg7[%get3A_547, %get3A_548] {strides = array<i32>} : memref<200x64xf32, #tpu.memory_space<vmem>>, vector<1x16xf32>,
      %get3A_550 = vector.shape_cast %get3A_549 : vector<1x16xf32> to vector<16xf32>
      %get3A_551 = arith.index_cast %select_n3A_546 : i32 to index
      %get3A_552 = arith.constant 16 : index
      %get3A_553 = tpu.vector_load %arg7[%get3A_551, %get3A_552] {strides = array<i32>} : memref<200x64xf32, #tpu.memory_space<vmem>>, vector<1x16xf32>,
      %get3A_554 = vector.shape_cast %get3A_553 : vector<1x16xf32> to vector<16xf32>
      %get3A_555 = arith.index_cast %select_n3A_546 : i32 to index
      %get3A_556 = arith.constant 32 : index
      %get3A_557 = tpu.vector_load %arg7[%get3A_555, %get3A_556] {strides = array<i32>} : memref<200x64xf32, #tpu.memory_space<vmem>>, vector<1x16xf32>,
      %get3A_558 = vector.shape_cast %get3A_557 : vector<1x16xf32> to vector<16xf32>
      %get3A_559 = arith.index_cast %select_n3A_546 : i32 to index
      %get3A_560 = arith.constant 48 : index
      %get3A_561 = tpu.vector_load %arg7[%get3A_559, %get3A_560] {strides = array<i32>} : memref<200x64xf32, #tpu.memory_space<vmem>>, vector<1x16xf32>,
      %get3A_562 = vector.shape_cast %get3A_561 : vector<1x16xf32> to vector<16xf32>
      %scan3A_563 = arith.constant 0 : i32
      %scan3A_564 = arith.constant 0 : i32
      %scan3A_565 = arith.constant 128 : i32
      %scan3A_566 = arith.addi %scan3A_564, %scan3A_565 : i32
      %scan3A_567 = arith.constant 4 : i32
      scf.for %scan3A_1127 = %scan3A_564 to %scan3A_566 step %scan3A_567  : i32 {
        %get3A_1128 = arith.constant 1 : i32
        %get3A_1129 = arith.index_cast %get3A_1128 : i32 to index
        %get3A_1130 = arith.index_cast %scan3A_1127 : i32 to index
        %get3A_1131 = arith.constant 0 : index
        %get3A_1132 = tpu.vector_load %arg8[%get3A_1129, %get3A_1130, %get3A_1131] {strides = array<i32>} : memref<5x128x64xf32, #tpu.memory_space<vmem>>, vector<1x1x16xf32>,
        %get3A_1133 = vector.shape_cast %get3A_1132 : vector<1x1x16xf32> to vector<16xf32>
        %add3A_1134 = arith.addf %get3A_1133, %get3A_550 : vector<16xf32>
        %swap3A = arith.constant 1 : i32
        %swap3A_1135 = arith.index_cast %swap3A : i32 to index
        %swap3A_1136 = arith.index_cast %scan3A_1127 : i32 to index
        %swap3A_1137 = arith.constant 0 : index
        %swap3A_1138 = tpu.vector_load %arg8[%swap3A_1135, %swap3A_1136, %swap3A_1137] {strides = array<i32>} : memref<5x128x64xf32, #tpu.memory_space<vmem>>, vector<1x1x16xf32>,
        %swap3A_1139 = vector.shape_cast %swap3A_1138 : vector<1x1x16xf32> to vector<16xf32>
        %swap3A_1140 = vector.shape_cast %add3A_1134 : vector<16xf32> to vector<1x1x16xf32>
        tpu.vector_store %arg8[%swap3A_1135, %swap3A_1136, %swap3A_1137], %swap3A_1140 {strides = array<i32>} : memref<5x128x64xf32, #tpu.memory_space<vmem>>, vector<1x1x16xf32>,
        %get3A_1141 = arith.constant 1 : i32
        %get3A_1142 = arith.index_cast %get3A_1141 : i32 to index
        %get3A_1143 = arith.index_cast %scan3A_1127 : i32 to index
        %get3A_1144 = arith.constant 16 : index
        %get3A_1145 = tpu.vector_load %arg8[%get3A_1142, %get3A_1143, %get3A_1144] {strides = array<i32>} : memref<5x128x64xf32, #tpu.memory_space<vmem>>, vector<1x1x16xf32>,
        %get3A_1146 = vector.shape_cast %get3A_1145 : vector<1x1x16xf32> to vector<16xf32>
        %add3A_1147 = arith.addf %get3A_1146, %get3A_554 : vector<16xf32>
        %swap3A_1148 = arith.constant 1 : i32
        %swap3A_1149 = arith.index_cast %swap3A_1148 : i32 to index
        %swap3A_1150 = arith.index_cast %scan3A_1127 : i32 to index
        %swap3A_1151 = arith.constant 16 : index
        %swap3A_1152 = tpu.vector_load %arg8[%swap3A_1149, %swap3A_1150, %swap3A_1151] {strides = array<i32>} : memref<5x128x64xf32, #tpu.memory_space<vmem>>, vector<1x1x16xf32>,
        %swap3A_1153 = vector.shape_cast %swap3A_1152 : vector<1x1x16xf32> to vector<16xf32>
        %swap3A_1154 = vector.shape_cast %add3A_1147 : vector<16xf32> to vector<1x1x16xf32>
        tpu.vector_store %arg8[%swap3A_1149, %swap3A_1150, %swap3A_1151], %swap3A_1154 {strides = array<i32>} : memref<5x128x64xf32, #tpu.memory_space<vmem>>, vector<1x1x16xf32>,
        %get3A_1155 = arith.constant 1 : i32
        %get3A_1156 = arith.index_cast %get3A_1155 : i32 to index
        %get3A_1157 = arith.index_cast %scan3A_1127 : i32 to index
        %get3A_1158 = arith.constant 32 : index
        %get3A_1159 = tpu.vector_load %arg8[%get3A_1156, %get3A_1157, %get3A_1158] {strides = array<i32>} : memref<5x128x64xf32, #tpu.memory_space<vmem>>, vector<1x1x16xf32>,
        %get3A_1160 = vector.shape_cast %get3A_1159 : vector<1x1x16xf32> to vector<16xf32>
        %add3A_1161 = arith.addf %get3A_1160, %get3A_558 : vector<16xf32>
        %swap3A_1162 = arith.constant 1 : i32
        %swap3A_1163 = arith.index_cast %swap3A_1162 : i32 to index
        %swap3A_1164 = arith.index_cast %scan3A_1127 : i32 to index
        %swap3A_1165 = arith.constant 32 : index
        %swap3A_1166 = tpu.vector_load %arg8[%swap3A_1163, %swap3A_1164, %swap3A_1165] {strides = array<i32>} : memref<5x128x64xf32, #tpu.memory_space<vmem>>, vector<1x1x16xf32>,
        %swap3A_1167 = vector.shape_cast %swap3A_1166 : vector<1x1x16xf32> to vector<16xf32>
        %swap3A_1168 = vector.shape_cast %add3A_1161 : vector<16xf32> to vector<1x1x16xf32>
        tpu.vector_store %arg8[%swap3A_1163, %swap3A_1164, %swap3A_1165], %swap3A_1168 {strides = array<i32>} : memref<5x128x64xf32, #tpu.memory_space<vmem>>, vector<1x1x16xf32>,
        %get3A_1169 = arith.constant 1 : i32
        %get3A_1170 = arith.index_cast %get3A_1169 : i32 to index
        %get3A_1171 = arith.index_cast %scan3A_1127 : i32 to index
        %get3A_1172 = arith.constant 48 : index
        %get3A_1173 = tpu.vector_load %arg8[%get3A_1170, %get3A_1171, %get3A_1172] {strides = array<i32>} : memref<5x128x64xf32, #tpu.memory_space<vmem>>, vector<1x1x16xf32>,
        %get3A_1174 = vector.shape_cast %get3A_1173 : vector<1x1x16xf32> to vector<16xf32>
        %add3A_1175 = arith.addf %get3A_1174, %get3A_562 : vector<16xf32>
        %swap3A_1176 = arith.constant 1 : i32
        %swap3A_1177 = arith.index_cast %swap3A_1176 : i32 to index
        %swap3A_1178 = arith.index_cast %scan3A_1127 : i32 to index
        %swap3A_1179 = arith.constant 48 : index
        %swap3A_1180 = tpu.vector_load %arg8[%swap3A_1177, %swap3A_1178, %swap3A_1179] {strides = array<i32>} : memref<5x128x64xf32, #tpu.memory_space<vmem>>, vector<1x1x16xf32>,
        %swap3A_1181 = vector.shape_cast %swap3A_1180 : vector<1x1x16xf32> to vector<16xf32>
        %swap3A_1182 = vector.shape_cast %add3A_1175 : vector<16xf32> to vector<1x1x16xf32>
        tpu.vector_store %arg8[%swap3A_1177, %swap3A_1178, %swap3A_1179], %swap3A_1182 {strides = array<i32>} : memref<5x128x64xf32, #tpu.memory_space<vmem>>, vector<1x1x16xf32>,
        %scan3A_1183 = arith.constant 1 : i32
        %scan3A_1184 = arith.addi %scan3A_1127, %scan3A_1183 : i32
        %get3A_1185 = arith.constant 1 : i32
        %get3A_1186 = arith.index_cast %get3A_1185 : i32 to index
        %get3A_1187 = arith.index_cast %scan3A_1184 : i32 to index
        %get3A_1188 = arith.constant 0 : index
        %get3A_1189 = tpu.vector_load %arg8[%get3A_1186, %get3A_1187, %get3A_1188] {strides = array<i32>} : memref<5x128x64xf32, #tpu.memory_space<vmem>>, vector<1x1x16xf32>,
        %get3A_1190 = vector.shape_cast %get3A_1189 : vector<1x1x16xf32> to vector<16xf32>
        %add3A_1191 = arith.addf %get3A_1190, %get3A_550 : vector<16xf32>
        %swap3A_1192 = arith.constant 1 : i32
        %swap3A_1193 = arith.index_cast %swap3A_1192 : i32 to index
        %swap3A_1194 = arith.index_cast %scan3A_1184 : i32 to index
        %swap3A_1195 = arith.constant 0 : index
        %swap3A_1196 = tpu.vector_load %arg8[%swap3A_1193, %swap3A_1194, %swap3A_1195] {strides = array<i32>} : memref<5x128x64xf32, #tpu.memory_space<vmem>>, vector<1x1x16xf32>,
        %swap3A_1197 = vector.shape_cast %swap3A_1196 : vector<1x1x16xf32> to vector<16xf32>
        %swap3A_1198 = vector.shape_cast %add3A_1191 : vector<16xf32> to vector<1x1x16xf32>
        tpu.vector_store %arg8[%swap3A_1193, %swap3A_1194, %swap3A_1195], %swap3A_1198 {strides = array<i32>} : memref<5x128x64xf32, #tpu.memory_space<vmem>>, vector<1x1x16xf32>,
        %get3A_1199 = arith.constant 1 : i32
        %get3A_1200 = arith.index_cast %get3A_1199 : i32 to index
        %get3A_1201 = arith.index_cast %scan3A_1184 : i32 to index
        %get3A_1202 = arith.constant 16 : index
        %get3A_1203 = tpu.vector_load %arg8[%get3A_1200, %get3A_1201, %get3A_1202] {strides = array<i32>} : memref<5x128x64xf32, #tpu.memory_space<vmem>>, vector<1x1x16xf32>,
        %get3A_1204 = vector.shape_cast %get3A_1203 : vector<1x1x16xf32> to vector<16xf32>
        %add3A_1205 = arith.addf %get3A_1204, %get3A_554 : vector<16xf32>
        %swap3A_1206 = arith.constant 1 : i32
        %swap3A_1207 = arith.index_cast %swap3A_1206 : i32 to index
        %swap3A_1208 = arith.index_cast %scan3A_1184 : i32 to index
        %swap3A_1209 = arith.constant 16 : index
        %swap3A_1210 = tpu.vector_load %arg8[%swap3A_1207, %swap3A_1208, %swap3A_1209] {strides = array<i32>} : memref<5x128x64xf32, #tpu.memory_space<vmem>>, vector<1x1x16xf32>,
        %swap3A_1211 = vector.shape_cast %swap3A_1210 : vector<1x1x16xf32> to vector<16xf32>
        %swap3A_1212 = vector.shape_cast %add3A_1205 : vector<16xf32> to vector<1x1x16xf32>
        tpu.vector_store %arg8[%swap3A_1207, %swap3A_1208, %swap3A_1209], %swap3A_1212 {strides = array<i32>} : memref<5x128x64xf32, #tpu.memory_space<vmem>>, vector<1x1x16xf32>,
        %get3A_1213 = arith.constant 1 : i32
        %get3A_1214 = arith.index_cast %get3A_1213 : i32 to index
        %get3A_1215 = arith.index_cast %scan3A_1184 : i32 to index
        %get3A_1216 = arith.constant 32 : index
        %get3A_1217 = tpu.vector_load %arg8[%get3A_1214, %get3A_1215, %get3A_1216] {strides = array<i32>} : memref<5x128x64xf32, #tpu.memory_space<vmem>>, vector<1x1x16xf32>,
        %get3A_1218 = vector.shape_cast %get3A_1217 : vector<1x1x16xf32> to vector<16xf32>
        %add3A_1219 = arith.addf %get3A_1218, %get3A_558 : vector<16xf32>
        %swap3A_1220 = arith.constant 1 : i32
        %swap3A_1221 = arith.index_cast %swap3A_1220 : i32 to index
        %swap3A_1222 = arith.index_cast %scan3A_1184 : i32 to index
        %swap3A_1223 = arith.constant 32 : index
        %swap3A_1224 = tpu.vector_load %arg8[%swap3A_1221, %swap3A_1222, %swap3A_1223] {strides = array<i32>} : memref<5x128x64xf32, #tpu.memory_space<vmem>>, vector<1x1x16xf32>,
        %swap3A_1225 = vector.shape_cast %swap3A_1224 : vector<1x1x16xf32> to vector<16xf32>
        %swap3A_1226 = vector.shape_cast %add3A_1219 : vector<16xf32> to vector<1x1x16xf32>
        tpu.vector_store %arg8[%swap3A_1221, %swap3A_1222, %swap3A_1223], %swap3A_1226 {strides = array<i32>} : memref<5x128x64xf32, #tpu.memory_space<vmem>>, vector<1x1x16xf32>,
        %get3A_1227 = arith.constant 1 : i32
        %get3A_1228 = arith.index_cast %get3A_1227 : i32 to index
        %get3A_1229 = arith.index_cast %scan3A_1184 : i32 to index
        %get3A_1230 = arith.constant 48 : index
        %get3A_1231 = tpu.vector_load %arg8[%get3A_1228, %get3A_1229, %get3A_1230] {strides = array<i32>} : memref<5x128x64xf32, #tpu.memory_space<vmem>>, vector<1x1x16xf32>,
        %get3A_1232 = vector.shape_cast %get3A_1231 : vector<1x1x16xf32> to vector<16xf32>
        %add3A_1233 = arith.addf %get3A_1232, %get3A_562 : vector<16xf32>
        %swap3A_1234 = arith.constant 1 : i32
        %swap3A_1235 = arith.index_cast %swap3A_1234 : i32 to index
        %swap3A_1236 = arith.index_cast %scan3A_1184 : i32 to index
        %swap3A_1237 = arith.constant 48 : index
        %swap3A_1238 = tpu.vector_load %arg8[%swap3A_1235, %swap3A_1236, %swap3A_1237] {strides = array<i32>} : memref<5x128x64xf32, #tpu.memory_space<vmem>>, vector<1x1x16xf32>,
        %swap3A_1239 = vector.shape_cast %swap3A_1238 : vector<1x1x16xf32> to vector<16xf32>
        %swap3A_1240 = vector.shape_cast %add3A_1233 : vector<16xf32> to vector<1x1x16xf32>
        tpu.vector_store %arg8[%swap3A_1235, %swap3A_1236, %swap3A_1237], %swap3A_1240 {strides = array<i32>} : memref<5x128x64xf32, #tpu.memory_space<vmem>>, vector<1x1x16xf32>,
        %scan3A_1241 = arith.constant 2 : i32
        %scan3A_1242 = arith.addi %scan3A_1127, %scan3A_1241 : i32
        %get3A_1243 = arith.constant 1 : i32
        %get3A_1244 = arith.index_cast %get3A_1243 : i32 to index
        %get3A_1245 = arith.index_cast %scan3A_1242 : i32 to index
        %get3A_1246 = arith.constant 0 : index
        %get3A_1247 = tpu.vector_load %arg8[%get3A_1244, %get3A_1245, %get3A_1246] {strides = array<i32>} : memref<5x128x64xf32, #tpu.memory_space<vmem>>, vector<1x1x16xf32>,
        %get3A_1248 = vector.shape_cast %get3A_1247 : vector<1x1x16xf32> to vector<16xf32>
        %add3A_1249 = arith.addf %get3A_1248, %get3A_550 : vector<16xf32>
        %swap3A_1250 = arith.constant 1 : i32
        %swap3A_1251 = arith.index_cast %swap3A_1250 : i32 to index
        %swap3A_1252 = arith.index_cast %scan3A_1242 : i32 to index
        %swap3A_1253 = arith.constant 0 : index
        %swap3A_1254 = tpu.vector_load %arg8[%swap3A_1251, %swap3A_1252, %swap3A_1253] {strides = array<i32>} : memref<5x128x64xf32, #tpu.memory_space<vmem>>, vector<1x1x16xf32>,
        %swap3A_1255 = vector.shape_cast %swap3A_1254 : vector<1x1x16xf32> to vector<16xf32>
        %swap3A_1256 = vector.shape_cast %add3A_1249 : vector<16xf32> to vector<1x1x16xf32>
        tpu.vector_store %arg8[%swap3A_1251, %swap3A_1252, %swap3A_1253], %swap3A_1256 {strides = array<i32>} : memref<5x128x64xf32, #tpu.memory_space<vmem>>, vector<1x1x16xf32>,
        %get3A_1257 = arith.constant 1 : i32
        %get3A_1258 = arith.index_cast %get3A_1257 : i32 to index
        %get3A_1259 = arith.index_cast %scan3A_1242 : i32 to index
        %get3A_1260 = arith.constant 16 : index
        %get3A_1261 = tpu.vector_load %arg8[%get3A_1258, %get3A_1259, %get3A_1260] {strides = array<i32>} : memref<5x128x64xf32, #tpu.memory_space<vmem>>, vector<1x1x16xf32>,
        %get3A_1262 = vector.shape_cast %get3A_1261 : vector<1x1x16xf32> to vector<16xf32>
        %add3A_1263 = arith.addf %get3A_1262, %get3A_554 : vector<16xf32>
        %swap3A_1264 = arith.constant 1 : i32
        %swap3A_1265 = arith.index_cast %swap3A_1264 : i32 to index
        %swap3A_1266 = arith.index_cast %scan3A_1242 : i32 to index
        %swap3A_1267 = arith.constant 16 : index
        %swap3A_1268 = tpu.vector_load %arg8[%swap3A_1265, %swap3A_1266, %swap3A_1267] {strides = array<i32>} : memref<5x128x64xf32, #tpu.memory_space<vmem>>, vector<1x1x16xf32>,
        %swap3A_1269 = vector.shape_cast %swap3A_1268 : vector<1x1x16xf32> to vector<16xf32>
        %swap3A_1270 = vector.shape_cast %add3A_1263 : vector<16xf32> to vector<1x1x16xf32>
        tpu.vector_store %arg8[%swap3A_1265, %swap3A_1266, %swap3A_1267], %swap3A_1270 {strides = array<i32>} : memref<5x128x64xf32, #tpu.memory_space<vmem>>, vector<1x1x16xf32>,
        %get3A_1271 = arith.constant 1 : i32
        %get3A_1272 = arith.index_cast %get3A_1271 : i32 to index
        %get3A_1273 = arith.index_cast %scan3A_1242 : i32 to index
        %get3A_1274 = arith.constant 32 : index
        %get3A_1275 = tpu.vector_load %arg8[%get3A_1272, %get3A_1273, %get3A_1274] {strides = array<i32>} : memref<5x128x64xf32, #tpu.memory_space<vmem>>, vector<1x1x16xf32>,
        %get3A_1276 = vector.shape_cast %get3A_1275 : vector<1x1x16xf32> to vector<16xf32>
        %add3A_1277 = arith.addf %get3A_1276, %get3A_558 : vector<16xf32>
        %swap3A_1278 = arith.constant 1 : i32
        %swap3A_1279 = arith.index_cast %swap3A_1278 : i32 to index
        %swap3A_1280 = arith.index_cast %scan3A_1242 : i32 to index
        %swap3A_1281 = arith.constant 32 : index
        %swap3A_1282 = tpu.vector_load %arg8[%swap3A_1279, %swap3A_1280, %swap3A_1281] {strides = array<i32>} : memref<5x128x64xf32, #tpu.memory_space<vmem>>, vector<1x1x16xf32>,
        %swap3A_1283 = vector.shape_cast %swap3A_1282 : vector<1x1x16xf32> to vector<16xf32>
        %swap3A_1284 = vector.shape_cast %add3A_1277 : vector<16xf32> to vector<1x1x16xf32>
        tpu.vector_store %arg8[%swap3A_1279, %swap3A_1280, %swap3A_1281], %swap3A_1284 {strides = array<i32>} : memref<5x128x64xf32, #tpu.memory_space<vmem>>, vector<1x1x16xf32>,
        %get3A_1285 = arith.constant 1 : i32
        %get3A_1286 = arith.index_cast %get3A_1285 : i32 to index
        %get3A_1287 = arith.index_cast %scan3A_1242 : i32 to index
        %get3A_1288 = arith.constant 48 : index
        %get3A_1289 = tpu.vector_load %arg8[%get3A_1286, %get3A_1287, %get3A_1288] {strides = array<i32>} : memref<5x128x64xf32, #tpu.memory_space<vmem>>, vector<1x1x16xf32>,
        %get3A_1290 = vector.shape_cast %get3A_1289 : vector<1x1x16xf32> to vector<16xf32>
        %add3A_1291 = arith.addf %get3A_1290, %get3A_562 : vector<16xf32>
        %swap3A_1292 = arith.constant 1 : i32
        %swap3A_1293 = arith.index_cast %swap3A_1292 : i32 to index
        %swap3A_1294 = arith.index_cast %scan3A_1242 : i32 to index
        %swap3A_1295 = arith.constant 48 : index
        %swap3A_1296 = tpu.vector_load %arg8[%swap3A_1293, %swap3A_1294, %swap3A_1295] {strides = array<i32>} : memref<5x128x64xf32, #tpu.memory_space<vmem>>, vector<1x1x16xf32>,
        %swap3A_1297 = vector.shape_cast %swap3A_1296 : vector<1x1x16xf32> to vector<16xf32>
        %swap3A_1298 = vector.shape_cast %add3A_1291 : vector<16xf32> to vector<1x1x16xf32>
        tpu.vector_store %arg8[%swap3A_1293, %swap3A_1294, %swap3A_1295], %swap3A_1298 {strides = array<i32>} : memref<5x128x64xf32, #tpu.memory_space<vmem>>, vector<1x1x16xf32>,
        %scan3A_1299 = arith.constant 3 : i32
        %scan3A_1300 = arith.addi %scan3A_1127, %scan3A_1299 : i32
        %get3A_1301 = arith.constant 1 : i32
        %get3A_1302 = arith.index_cast %get3A_1301 : i32 to index
        %get3A_1303 = arith.index_cast %scan3A_1300 : i32 to index
        %get3A_1304 = arith.constant 0 : index
        %get3A_1305 = tpu.vector_load %arg8[%get3A_1302, %get3A_1303, %get3A_1304] {strides = array<i32>} : memref<5x128x64xf32, #tpu.memory_space<vmem>>, vector<1x1x16xf32>,
        %get3A_1306 = vector.shape_cast %get3A_1305 : vector<1x1x16xf32> to vector<16xf32>
        %add3A_1307 = arith.addf %get3A_1306, %get3A_550 : vector<16xf32>
        %swap3A_1308 = arith.constant 1 : i32
        %swap3A_1309 = arith.index_cast %swap3A_1308 : i32 to index
        %swap3A_1310 = arith.index_cast %scan3A_1300 : i32 to index
        %swap3A_1311 = arith.constant 0 : index
        %swap3A_1312 = tpu.vector_load %arg8[%swap3A_1309, %swap3A_1310, %swap3A_1311] {strides = array<i32>} : memref<5x128x64xf32, #tpu.memory_space<vmem>>, vector<1x1x16xf32>,
        %swap3A_1313 = vector.shape_cast %swap3A_1312 : vector<1x1x16xf32> to vector<16xf32>
        %swap3A_1314 = vector.shape_cast %add3A_1307 : vector<16xf32> to vector<1x1x16xf32>
        tpu.vector_store %arg8[%swap3A_1309, %swap3A_1310, %swap3A_1311], %swap3A_1314 {strides = array<i32>} : memref<5x128x64xf32, #tpu.memory_space<vmem>>, vector<1x1x16xf32>,
        %get3A_1315 = arith.constant 1 : i32
        %get3A_1316 = arith.index_cast %get3A_1315 : i32 to index
        %get3A_1317 = arith.index_cast %scan3A_1300 : i32 to index
        %get3A_1318 = arith.constant 16 : index
        %get3A_1319 = tpu.vector_load %arg8[%get3A_1316, %get3A_1317, %get3A_1318] {strides = array<i32>} : memref<5x128x64xf32, #tpu.memory_space<vmem>>, vector<1x1x16xf32>,
        %get3A_1320 = vector.shape_cast %get3A_1319 : vector<1x1x16xf32> to vector<16xf32>
        %add3A_1321 = arith.addf %get3A_1320, %get3A_554 : vector<16xf32>
        %swap3A_1322 = arith.constant 1 : i32
        %swap3A_1323 = arith.index_cast %swap3A_1322 : i32 to index
        %swap3A_1324 = arith.index_cast %scan3A_1300 : i32 to index
        %swap3A_1325 = arith.constant 16 : index
        %swap3A_1326 = tpu.vector_load %arg8[%swap3A_1323, %swap3A_1324, %swap3A_1325] {strides = array<i32>} : memref<5x128x64xf32, #tpu.memory_space<vmem>>, vector<1x1x16xf32>,
        %swap3A_1327 = vector.shape_cast %swap3A_1326 : vector<1x1x16xf32> to vector<16xf32>
        %swap3A_1328 = vector.shape_cast %add3A_1321 : vector<16xf32> to vector<1x1x16xf32>
        tpu.vector_store %arg8[%swap3A_1323, %swap3A_1324, %swap3A_1325], %swap3A_1328 {strides = array<i32>} : memref<5x128x64xf32, #tpu.memory_space<vmem>>, vector<1x1x16xf32>,
        %get3A_1329 = arith.constant 1 : i32
        %get3A_1330 = arith.index_cast %get3A_1329 : i32 to index
        %get3A_1331 = arith.index_cast %scan3A_1300 : i32 to index
        %get3A_1332 = arith.constant 32 : index
        %get3A_1333 = tpu.vector_load %arg8[%get3A_1330, %get3A_1331, %get3A_1332] {strides = array<i32>} : memref<5x128x64xf32, #tpu.memory_space<vmem>>, vector<1x1x16xf32>,
        %get3A_1334 = vector.shape_cast %get3A_1333 : vector<1x1x16xf32> to vector<16xf32>
        %add3A_1335 = arith.addf %get3A_1334, %get3A_558 : vector<16xf32>
        %swap3A_1336 = arith.constant 1 : i32
        %swap3A_1337 = arith.index_cast %swap3A_1336 : i32 to index
        %swap3A_1338 = arith.index_cast %scan3A_1300 : i32 to index
        %swap3A_1339 = arith.constant 32 : index
        %swap3A_1340 = tpu.vector_load %arg8[%swap3A_1337, %swap3A_1338, %swap3A_1339] {strides = array<i32>} : memref<5x128x64xf32, #tpu.memory_space<vmem>>, vector<1x1x16xf32>,
        %swap3A_1341 = vector.shape_cast %swap3A_1340 : vector<1x1x16xf32> to vector<16xf32>
        %swap3A_1342 = vector.shape_cast %add3A_1335 : vector<16xf32> to vector<1x1x16xf32>
        tpu.vector_store %arg8[%swap3A_1337, %swap3A_1338, %swap3A_1339], %swap3A_1342 {strides = array<i32>} : memref<5x128x64xf32, #tpu.memory_space<vmem>>, vector<1x1x16xf32>,
        %get3A_1343 = arith.constant 1 : i32
        %get3A_1344 = arith.index_cast %get3A_1343 : i32 to index
        %get3A_1345 = arith.index_cast %scan3A_1300 : i32 to index
        %get3A_1346 = arith.constant 48 : index
        %get3A_1347 = tpu.vector_load %arg8[%get3A_1344, %get3A_1345, %get3A_1346] {strides = array<i32>} : memref<5x128x64xf32, #tpu.memory_space<vmem>>, vector<1x1x16xf32>,
        %get3A_1348 = vector.shape_cast %get3A_1347 : vector<1x1x16xf32> to vector<16xf32>
        %add3A_1349 = arith.addf %get3A_1348, %get3A_562 : vector<16xf32>
        %swap3A_1350 = arith.constant 1 : i32
        %swap3A_1351 = arith.index_cast %swap3A_1350 : i32 to index
        %swap3A_1352 = arith.index_cast %scan3A_1300 : i32 to index
        %swap3A_1353 = arith.constant 48 : index
        %swap3A_1354 = tpu.vector_load %arg8[%swap3A_1351, %swap3A_1352, %swap3A_1353] {strides = array<i32>} : memref<5x128x64xf32, #tpu.memory_space<vmem>>, vector<1x1x16xf32>,
        %swap3A_1355 = vector.shape_cast %swap3A_1354 : vector<1x1x16xf32> to vector<16xf32>
        %swap3A_1356 = vector.shape_cast %add3A_1349 : vector<16xf32> to vector<1x1x16xf32>
        tpu.vector_store %arg8[%swap3A_1351, %swap3A_1352, %swap3A_1353], %swap3A_1356 {strides = array<i32>} : memref<5x128x64xf32, #tpu.memory_space<vmem>>, vector<1x1x16xf32>,
      }
      %scan3A_568 = arith.constant 128 : i32
      %add3A_569 = arith.addi %mul3A_2, %add3A_446 : i32
      %jit3A_570 = arith.constant 8 : i32
      %div3A_571 = arith.divsi %add3A_569, %jit3A_570 : i32
      %sign3A_572 = arith.constant 0 : i32
      %sign3A_573 = arith.cmpi sgt, %add3A_569, %sign3A_572 : i32
      %sign3A_574 = arith.extui %sign3A_573 : i1 to i32
      %sign3A_575 = arith.constant 0 : i32
      %sign3A_576 = arith.cmpi slt, %add3A_569, %sign3A_575 : i32
      %sign3A_577 = arith.extui %sign3A_576 : i1 to i32
      %sign3A_578 = arith.subi %sign3A_574, %sign3A_577 : i32
      %sign3A_579 = arith.constant 0 : i32
      %sign3A_580 = arith.cmpi sgt, %jit3A_570, %sign3A_579 : i32
      %sign3A_581 = arith.extui %sign3A_580 : i1 to i32
      %sign3A_582 = arith.constant 0 : i32
      %sign3A_583 = arith.cmpi slt, %jit3A_570, %sign3A_582 : i32
      %sign3A_584 = arith.extui %sign3A_583 : i1 to i32
      %sign3A_585 = arith.subi %sign3A_581, %sign3A_584 : i32
      %ne3A_586 = arith.cmpi ne, %sign3A_578, %sign3A_585 : i32
      %rem3A_587 = arith.remsi %add3A_569, %jit3A_570 : i32
      %ne3A_588 = arith.constant 0 : i32
      %ne3A_589 = arith.cmpi ne, %rem3A_587, %ne3A_588 : i32
      %and3A_590 = arith.andi %ne3A_586, %ne3A_589 : i1
      %sub3A_591 = arith.constant 1 : i32
      %sub3A_592 = arith.subi %div3A_571, %sub3A_591 : i32
      %select_n3A_593 = arith.select %and3A_590, %sub3A_592, %div3A_571 : i32
      %rem3A_594 = arith.constant 8 : i32
      %rem3A_595 = arith.remsi %add3A_569, %rem3A_594 : i32
      %mul3A_596 = arith.constant 128 : i32
      %mul3A_597 = arith.muli %rem3A_595, %mul3A_596 : i32
      %mul3A_598 = arith.constant 64 : i32
      %mul3A_599 = arith.muli %select_n3A_593, %mul3A_598 : i32
      %dma_start3A_600 = arith.constant 1 : i32
      %dma_start3A_601 = arith.constant 1 : i32
      %dma_start3A_602 = arith.constant 0 : i32
      %dma_start3A_603 = arith.constant 0 : i32
      %dma_start3A_604 = tpu.memref_slice %arg8[%dma_start3A_600, %dma_start3A_602, %dma_start3A_603] : memref<5x128x64xf32, #tpu.memory_space<vmem>> -> memref<1x128x64xf32, #tpu.memory_space<vmem>>
      %dma_start3A_605 = tpu.memref_squeeze %dma_start3A_604 : memref<1x128x64xf32, #tpu.memory_space<vmem>> -> memref<128x64xf32, #tpu.memory_space<vmem>>
      %dma_start3A_606 = tpu.memref_slice %arg5[%mul3A_597, %mul3A_599] : memref<1024x12800xf32, #tpu.memory_space<hbm>> -> memref<128x64xf32, #tpu.memory_space<hbm>>
      %dma_start3A_607 = tpu.memref_slice %arg10[%dma_start3A_601] : memref<5x!tpu.dma_semaphore, #tpu.memory_space<semaphore_mem>> -> memref<1x!tpu.dma_semaphore, #tpu.memory_space<semaphore_mem>>
      %dma_start3A_608 = tpu.memref_squeeze %dma_start3A_607 : memref<1x!tpu.dma_semaphore, #tpu.memory_space<semaphore_mem>> -> memref<!tpu.dma_semaphore, #tpu.memory_space<semaphore_mem>>
      %dma_start3A_609 = tpu.memref_slice %arg5[%mul3A_597, %mul3A_599] : memref<1024x12800xf32, #tpu.memory_space<hbm>> -> memref<128x64xf32, #tpu.memory_space<hbm>>
      %dma_start3A_610 = arith.constant 0 : i32
      %dma_start3A_611 = arith.constant 0 : i32
      %dma_start3A_612 = tpu.memref_slice %arg8[%dma_start3A_600, %dma_start3A_610, %dma_start3A_611] : memref<5x128x64xf32, #tpu.memory_space<vmem>> -> memref<1x128x64xf32, #tpu.memory_space<vmem>>
      %dma_start3A_613 = tpu.memref_squeeze %dma_start3A_612 : memref<1x128x64xf32, #tpu.memory_space<vmem>> -> memref<128x64xf32, #tpu.memory_space<vmem>>
      tpu.enqueue_dma source(%dma_start3A_613 : memref<128x64xf32, #tpu.memory_space<vmem>>) target(%dma_start3A_609 : memref<128x64xf32, #tpu.memory_space<hbm>>) target_semaphore(%dma_start3A_608 : memref<!tpu.dma_semaphore, #tpu.memory_space<semaphore_mem>>)
      %mul3A_614 = arith.constant 5 : i32
      %mul3A_615 = arith.muli %scan3A_275, %mul3A_614 : i32
      %add3A_616 = arith.constant 2 : i32
      %add3A_617 = arith.addi %mul3A_615, %add3A_616 : i32
      %add3A_618 = arith.constant 2 : i32
      %add3A_619 = arith.addi %add3A_617, %add3A_618 : i32
      %lt3A_620 = arith.constant 50 : i32
      %lt3A_621 = arith.cmpi slt, %add3A_619, %lt3A_620 : i32
      %convert_element_type3A_622 = arith.extui %lt3A_621 : i1 to i32
      %cond3A_623 = arith.constant 0 : i32
      %cond3A_624 = arith.cmpi ne, %convert_element_type3A_622, %cond3A_623 : i32
      scf.if %cond3A_624 {
        %ge3A = arith.constant 3 : i32
        %ge3A_1127 = arith.cmpi sge, %add3A_617, %ge3A : i32
        %convert_element_type3A_1128 = arith.extui %ge3A_1127 : i1 to i32
        %cond3A_1129 = arith.constant 0 : i32
        %cond3A_1130 = arith.cmpi ne, %convert_element_type3A_1128, %cond3A_1129 : i32
        scf.if %cond3A_1130 {
          %dma_wait3A_1201 = arith.constant 4 : i32
          %dma_wait3A_1202 = arith.constant 4 : i32
          %dma_wait3A_1203 = arith.constant 0 : i32
          %dma_wait3A_1204 = arith.constant 0 : i32
          %dma_wait3A_1205 = tpu.memref_slice %arg8[%dma_wait3A_1201, %dma_wait3A_1203, %dma_wait3A_1204] : memref<5x128x64xf32, #tpu.memory_space<vmem>> -> memref<1x128x64xf32, #tpu.memory_space<vmem>>
          %dma_wait3A_1206 = tpu.memref_squeeze %dma_wait3A_1205 : memref<1x128x64xf32, #tpu.memory_space<vmem>> -> memref<128x64xf32, #tpu.memory_space<vmem>>
          %dma_wait3A_1207 = arith.constant 0 : i32
          %dma_wait3A_1208 = arith.constant 0 : i32
          %dma_wait3A_1209 = tpu.memref_slice %arg5[%dma_wait3A_1207, %dma_wait3A_1208] : memref<1024x12800xf32, #tpu.memory_space<hbm>> -> memref<128x64xf32, #tpu.memory_space<hbm>>
          %dma_wait3A_1210 = tpu.memref_slice %arg10[%dma_wait3A_1202] : memref<5x!tpu.dma_semaphore, #tpu.memory_space<semaphore_mem>> -> memref<1x!tpu.dma_semaphore, #tpu.memory_space<semaphore_mem>>
          %dma_wait3A_1211 = tpu.memref_squeeze %dma_wait3A_1210 : memref<1x!tpu.dma_semaphore, #tpu.memory_space<semaphore_mem>> -> memref<!tpu.dma_semaphore, #tpu.memory_space<semaphore_mem>>
          %dma_wait3A_1212 = arith.constant 0 : i32
          %dma_wait3A_1213 = arith.constant 0 : i32
          %dma_wait3A_1214 = tpu.memref_slice %arg5[%dma_wait3A_1212, %dma_wait3A_1213] : memref<1024x12800xf32, #tpu.memory_space<hbm>> -> memref<128x64xf32, #tpu.memory_space<hbm>>
          %dma_wait3A_1215 = arith.constant 0 : i32
          %dma_wait3A_1216 = arith.constant 0 : i32
          %dma_wait3A_1217 = tpu.memref_slice %arg8[%dma_wait3A_1201, %dma_wait3A_1215, %dma_wait3A_1216] : memref<5x128x64xf32, #tpu.memory_space<vmem>> -> memref<1x128x64xf32, #tpu.memory_space<vmem>>
          %dma_wait3A_1218 = tpu.memref_squeeze %dma_wait3A_1217 : memref<1x128x64xf32, #tpu.memory_space<vmem>> -> memref<128x64xf32, #tpu.memory_space<vmem>>
          tpu.wait_dma2 semaphore(%dma_wait3A_1211 : memref<!tpu.dma_semaphore, #tpu.memory_space<semaphore_mem>>) src(%dma_wait3A_1218 : memref<128x64xf32, #tpu.memory_space<vmem>>) dst(%dma_wait3A_1214 : memref<128x64xf32, #tpu.memory_space<hbm>>)
        } else {
        }
        %add3A_1131 = arith.constant 2 : i32
        %add3A_1132 = arith.addi %add3A_617, %add3A_1131 : i32
        %add3A_1133 = arith.addi %mul3A_2, %add3A_1132 : i32
        %jit3A_1134 = arith.constant 8 : i32
        %div3A_1135 = arith.divsi %add3A_1133, %jit3A_1134 : i32
        %sign3A_1136 = arith.constant 0 : i32
        %sign3A_1137 = arith.cmpi sgt, %add3A_1133, %sign3A_1136 : i32
        %sign3A_1138 = arith.extui %sign3A_1137 : i1 to i32
        %sign3A_1139 = arith.constant 0 : i32
        %sign3A_1140 = arith.cmpi slt, %add3A_1133, %sign3A_1139 : i32
        %sign3A_1141 = arith.extui %sign3A_1140 : i1 to i32
        %sign3A_1142 = arith.subi %sign3A_1138, %sign3A_1141 : i32
        %sign3A_1143 = arith.constant 0 : i32
        %sign3A_1144 = arith.cmpi sgt, %jit3A_1134, %sign3A_1143 : i32
        %sign3A_1145 = arith.extui %sign3A_1144 : i1 to i32
        %sign3A_1146 = arith.constant 0 : i32
        %sign3A_1147 = arith.cmpi slt, %jit3A_1134, %sign3A_1146 : i32
        %sign3A_1148 = arith.extui %sign3A_1147 : i1 to i32
        %sign3A_1149 = arith.subi %sign3A_1145, %sign3A_1148 : i32
        %ne3A_1150 = arith.cmpi ne, %sign3A_1142, %sign3A_1149 : i32
        %rem3A_1151 = arith.remsi %add3A_1133, %jit3A_1134 : i32
        %ne3A_1152 = arith.constant 0 : i32
        %ne3A_1153 = arith.cmpi ne, %rem3A_1151, %ne3A_1152 : i32
        %and3A_1154 = arith.andi %ne3A_1150, %ne3A_1153 : i1
        %sub3A_1155 = arith.constant 1 : i32
        %sub3A_1156 = arith.subi %div3A_1135, %sub3A_1155 : i32
        %select_n3A_1157 = arith.select %and3A_1154, %sub3A_1156, %div3A_1135 : i32
        %rem3A_1158 = arith.constant 8 : i32
        %rem3A_1159 = arith.remsi %add3A_1133, %rem3A_1158 : i32
        %jit3A_1160 = arith.constant 8 : i32
        %div3A_1161 = arith.divsi %select_n3A_1157, %jit3A_1160 : i32
        %sign3A_1162 = arith.constant 0 : i32
        %sign3A_1163 = arith.cmpi sgt, %select_n3A_1157, %sign3A_1162 : i32
        %sign3A_1164 = arith.extui %sign3A_1163 : i1 to i32
        %sign3A_1165 = arith.constant 0 : i32
        %sign3A_1166 = arith.cmpi slt, %select_n3A_1157, %sign3A_1165 : i32
        %sign3A_1167 = arith.extui %sign3A_1166 : i1 to i32
        %sign3A_1168 = arith.subi %sign3A_1164, %sign3A_1167 : i32
        %sign3A_1169 = arith.constant 0 : i32
        %sign3A_1170 = arith.cmpi sgt, %jit3A_1160, %sign3A_1169 : i32
        %sign3A_1171 = arith.extui %sign3A_1170 : i1 to i32
        %sign3A_1172 = arith.constant 0 : i32
        %sign3A_1173 = arith.cmpi slt, %jit3A_1160, %sign3A_1172 : i32
        %sign3A_1174 = arith.extui %sign3A_1173 : i1 to i32
        %sign3A_1175 = arith.subi %sign3A_1171, %sign3A_1174 : i32
        %ne3A_1176 = arith.cmpi ne, %sign3A_1168, %sign3A_1175 : i32
        %rem3A_1177 = arith.remsi %select_n3A_1157, %jit3A_1160 : i32
        %ne3A_1178 = arith.constant 0 : i32
        %ne3A_1179 = arith.cmpi ne, %rem3A_1177, %ne3A_1178 : i32
        %and3A_1180 = arith.andi %ne3A_1176, %ne3A_1179 : i1
        %sub3A_1181 = arith.constant 1 : i32
        %sub3A_1182 = arith.subi %div3A_1161, %sub3A_1181 : i32
        %select_n3A_1183 = arith.select %and3A_1180, %sub3A_1182, %div3A_1161 : i32
        %sub3A_1184 = arith.subi %select_n3A_1183, %min3A_43 : i32
        %rem3A_1185 = arith.constant 8 : i32
        %rem3A_1186 = arith.remsi %select_n3A_1157, %rem3A_1185 : i32
        %dma_start3A_1187 = arith.constant 4 : i32
        %dma_start3A_1188 = arith.constant 4 : i32
        %dma_start3A_1189 = arith.constant 0 : i32
        %dma_start3A_1190 = arith.constant 0 : i32
        %dma_start3A_1191 = tpu.memref_slice %arg8[%dma_start3A_1187, %dma_start3A_1189, %dma_start3A_1190] : memref<5x128x64xf32, #tpu.memory_space<vmem>> -> memref<1x128x64xf32, #tpu.memory_space<vmem>>
        %dma_start3A_1192 = tpu.memref_squeeze %dma_start3A_1191 : memref<1x128x64xf32, #tpu.memory_space<vmem>> -> memref<128x64xf32, #tpu.memory_space<vmem>>
        %dma_start3A_1193 = arith.constant 0 : i32
        %dma_start3A_1194 = tpu.memref_slice %arg6[%sub3A_1184, %rem3A_1159, %rem3A_1186, %dma_start3A_1193] : memref<2x8x8x128xi32, #tpu.memory_space<vmem>> -> memref<1x1x1x128xi32, #tpu.memory_space<vmem>>
        %dma_start3A_1195 = tpu.memref_squeeze %dma_start3A_1194 : memref<1x1x1x128xi32, #tpu.memory_space<vmem>> -> memref<128xi32, #tpu.memory_space<vmem>>
        %dma_start3A_1196 = arith.constant 0 : i32
        %dma_start3A_1197 = arith.constant 0 : i32
        %dma_start3A_1198 = tpu.memref_slice %arg3[%dma_start3A_1196, %dma_start3A_1197] : memref<1000000x64xf32, #tpu.memory_space<hbm>> -> memref<1000000x64xf32, #tpu.memory_space<hbm>>
        %dma_start3A_1199 = tpu.memref_slice %arg9[%dma_start3A_1188] : memref<5x!tpu.dma_semaphore, #tpu.memory_space<semaphore_mem>> -> memref<1x!tpu.dma_semaphore, #tpu.memory_space<semaphore_mem>>
        %dma_start3A_1200 = tpu.memref_squeeze %dma_start3A_1199 : memref<1x!tpu.dma_semaphore, #tpu.memory_space<semaphore_mem>> -> memref<!tpu.dma_semaphore, #tpu.memory_space<semaphore_mem>>
        tpu.enqueue_indirect_dma source(%dma_start3A_1198 : memref<1000000x64xf32, #tpu.memory_space<hbm>>) target(%dma_start3A_1192 : memref<128x64xf32, #tpu.memory_space<vmem>>) offsets(%dma_start3A_1195 : memref<128xi32, #tpu.memory_space<vmem>>) semaphore(%dma_start3A_1200 : memref<!tpu.dma_semaphore, #tpu.memory_space<semaphore_mem>>)
      } else {
      }
      %add3A_625 = arith.addi %mul3A_2, %add3A_617 : i32
      %jit3A_626 = arith.constant 8 : i32
      %div3A_627 = arith.divsi %add3A_625, %jit3A_626 : i32
      %sign3A_628 = arith.constant 0 : i32
      %sign3A_629 = arith.cmpi sgt, %add3A_625, %sign3A_628 : i32
      %sign3A_630 = arith.extui %sign3A_629 : i1 to i32
      %sign3A_631 = arith.constant 0 : i32
      %sign3A_632 = arith.cmpi slt, %add3A_625, %sign3A_631 : i32
      %sign3A_633 = arith.extui %sign3A_632 : i1 to i32
      %sign3A_634 = arith.subi %sign3A_630, %sign3A_633 : i32
      %sign3A_635 = arith.constant 0 : i32
      %sign3A_636 = arith.cmpi sgt, %jit3A_626, %sign3A_635 : i32
      %sign3A_637 = arith.extui %sign3A_636 : i1 to i32
      %sign3A_638 = arith.constant 0 : i32
      %sign3A_639 = arith.cmpi slt, %jit3A_626, %sign3A_638 : i32
      %sign3A_640 = arith.extui %sign3A_639 : i1 to i32
      %sign3A_641 = arith.subi %sign3A_637, %sign3A_640 : i32
      %ne3A_642 = arith.cmpi ne, %sign3A_634, %sign3A_641 : i32
      %rem3A_643 = arith.remsi %add3A_625, %jit3A_626 : i32
      %ne3A_644 = arith.constant 0 : i32
      %ne3A_645 = arith.cmpi ne, %rem3A_643, %ne3A_644 : i32
      %and3A_646 = arith.andi %ne3A_642, %ne3A_645 : i1
      %sub3A_647 = arith.constant 1 : i32
      %sub3A_648 = arith.subi %div3A_627, %sub3A_647 : i32
      %select_n3A_649 = arith.select %and3A_646, %sub3A_648, %div3A_627 : i32
      %rem3A_650 = arith.constant 8 : i32
      %rem3A_651 = arith.remsi %add3A_625, %rem3A_650 : i32
      %jit3A_652 = arith.constant 8 : i32
      %div3A_653 = arith.divsi %select_n3A_649, %jit3A_652 : i32
      %sign3A_654 = arith.constant 0 : i32
      %sign3A_655 = arith.cmpi sgt, %select_n3A_649, %sign3A_654 : i32
      %sign3A_656 = arith.extui %sign3A_655 : i1 to i32
      %sign3A_657 = arith.constant 0 : i32
      %sign3A_658 = arith.cmpi slt, %select_n3A_649, %sign3A_657 : i32
      %sign3A_659 = arith.extui %sign3A_658 : i1 to i32
      %sign3A_660 = arith.subi %sign3A_656, %sign3A_659 : i32
      %sign3A_661 = arith.constant 0 : i32
      %sign3A_662 = arith.cmpi sgt, %jit3A_652, %sign3A_661 : i32
      %sign3A_663 = arith.extui %sign3A_662 : i1 to i32
      %sign3A_664 = arith.constant 0 : i32
      %sign3A_665 = arith.cmpi slt, %jit3A_652, %sign3A_664 : i32
      %sign3A_666 = arith.extui %sign3A_665 : i1 to i32
      %sign3A_667 = arith.subi %sign3A_663, %sign3A_666 : i32
      %ne3A_668 = arith.cmpi ne, %sign3A_660, %sign3A_667 : i32
      %rem3A_669 = arith.remsi %select_n3A_649, %jit3A_652 : i32
      %ne3A_670 = arith.constant 0 : i32
      %ne3A_671 = arith.cmpi ne, %rem3A_669, %ne3A_670 : i32
      %and3A_672 = arith.andi %ne3A_668, %ne3A_671 : i1
      %sub3A_673 = arith.constant 1 : i32
      %sub3A_674 = arith.subi %div3A_653, %sub3A_673 : i32
      %select_n3A_675 = arith.select %and3A_672, %sub3A_674, %div3A_653 : i32
      %sub3A_676 = arith.subi %select_n3A_675, %min3A_43 : i32
      %rem3A_677 = arith.constant 8 : i32
      %rem3A_678 = arith.remsi %select_n3A_649, %rem3A_677 : i32
      %dma_wait3A_679 = arith.constant 2 : i32
      %dma_wait3A_680 = arith.constant 2 : i32
      %dma_wait3A_681 = arith.constant 0 : i32
      %dma_wait3A_682 = arith.constant 0 : i32
      %dma_wait3A_683 = tpu.memref_slice %arg8[%dma_wait3A_679, %dma_wait3A_681, %dma_wait3A_682] : memref<5x128x64xf32, #tpu.memory_space<vmem>> -> memref<1x128x64xf32, #tpu.memory_space<vmem>>
      %dma_wait3A_684 = tpu.memref_squeeze %dma_wait3A_683 : memref<1x128x64xf32, #tpu.memory_space<vmem>> -> memref<128x64xf32, #tpu.memory_space<vmem>>
      %dma_wait3A_685 = arith.constant 0 : i32
      %dma_wait3A_686 = tpu.memref_slice %arg6[%sub3A_676, %rem3A_651, %rem3A_678, %dma_wait3A_685] : memref<2x8x8x128xi32, #tpu.memory_space<vmem>> -> memref<1x1x1x128xi32, #tpu.memory_space<vmem>>
      %dma_wait3A_687 = tpu.memref_squeeze %dma_wait3A_686 : memref<1x1x1x128xi32, #tpu.memory_space<vmem>> -> memref<128xi32, #tpu.memory_space<vmem>>
      %dma_wait3A_688 = arith.constant 0 : i32
      %dma_wait3A_689 = arith.constant 0 : i32
      %dma_wait3A_690 = tpu.memref_slice %arg3[%dma_wait3A_688, %dma_wait3A_689] : memref<1000000x64xf32, #tpu.memory_space<hbm>> -> memref<1000000x64xf32, #tpu.memory_space<hbm>>
      %dma_wait3A_691 = tpu.memref_slice %arg9[%dma_wait3A_680] : memref<5x!tpu.dma_semaphore, #tpu.memory_space<semaphore_mem>> -> memref<1x!tpu.dma_semaphore, #tpu.memory_space<semaphore_mem>>
      %dma_wait3A_692 = tpu.memref_squeeze %dma_wait3A_691 : memref<1x!tpu.dma_semaphore, #tpu.memory_space<semaphore_mem>> -> memref<!tpu.dma_semaphore, #tpu.memory_space<semaphore_mem>>
      tpu.wait_indirect_dma semaphore(%dma_wait3A_692 : memref<!tpu.dma_semaphore, #tpu.memory_space<semaphore_mem>>) src(%dma_wait3A_690 : memref<1000000x64xf32, #tpu.memory_space<hbm>>) dst(%dma_wait3A_684 : memref<128x64xf32, #tpu.memory_space<vmem>>)
      %add3A_693 = arith.addi %mul3A_2, %add3A_617 : i32
      %jit3A_694 = arith.constant 8 : i32
      %div3A_695 = arith.divsi %add3A_693, %jit3A_694 : i32
      %sign3A_696 = arith.constant 0 : i32
      %sign3A_697 = arith.cmpi sgt, %add3A_693, %sign3A_696 : i32
      %sign3A_698 = arith.extui %sign3A_697 : i1 to i32
      %sign3A_699 = arith.constant 0 : i32
      %sign3A_700 = arith.cmpi slt, %add3A_693, %sign3A_699 : i32
      %sign3A_701 = arith.extui %sign3A_700 : i1 to i32
      %sign3A_702 = arith.subi %sign3A_698, %sign3A_701 : i32
      %sign3A_703 = arith.constant 0 : i32
      %sign3A_704 = arith.cmpi sgt, %jit3A_694, %sign3A_703 : i32
      %sign3A_705 = arith.extui %sign3A_704 : i1 to i32
      %sign3A_706 = arith.constant 0 : i32
      %sign3A_707 = arith.cmpi slt, %jit3A_694, %sign3A_706 : i32
      %sign3A_708 = arith.extui %sign3A_707 : i1 to i32
      %sign3A_709 = arith.subi %sign3A_705, %sign3A_708 : i32
      %ne3A_710 = arith.cmpi ne, %sign3A_702, %sign3A_709 : i32
      %rem3A_711 = arith.remsi %add3A_693, %jit3A_694 : i32
      %ne3A_712 = arith.constant 0 : i32
      %ne3A_713 = arith.cmpi ne, %rem3A_711, %ne3A_712 : i32
      %and3A_714 = arith.andi %ne3A_710, %ne3A_713 : i1
      %sub3A_715 = arith.constant 1 : i32
      %sub3A_716 = arith.subi %div3A_695, %sub3A_715 : i32
      %select_n3A_717 = arith.select %and3A_714, %sub3A_716, %div3A_695 : i32
      %get3A_718 = arith.index_cast %select_n3A_717 : i32 to index
      %get3A_719 = arith.constant 0 : index
      %get3A_720 = tpu.vector_load %arg7[%get3A_718, %get3A_719] {strides = array<i32>} : memref<200x64xf32, #tpu.memory_space<vmem>>, vector<1x16xf32>,
      %get3A_721 = vector.shape_cast %get3A_720 : vector<1x16xf32> to vector<16xf32>
      %get3A_722 = arith.index_cast %select_n3A_717 : i32 to index
      %get3A_723 = arith.constant 16 : index
      %get3A_724 = tpu.vector_load %arg7[%get3A_722, %get3A_723] {strides = array<i32>} : memref<200x64xf32, #tpu.memory_space<vmem>>, vector<1x16xf32>,
      %get3A_725 = vector.shape_cast %get3A_724 : vector<1x16xf32> to vector<16xf32>
      %get3A_726 = arith.index_cast %select_n3A_717 : i32 to index
      %get3A_727 = arith.constant 32 : index
      %get3A_728 = tpu.vector_load %arg7[%get3A_726, %get3A_727] {strides = array<i32>} : memref<200x64xf32, #tpu.memory_space<vmem>>, vector<1x16xf32>,
      %get3A_729 = vector.shape_cast %get3A_728 : vector<1x16xf32> to vector<16xf32>
      %get3A_730 = arith.index_cast %select_n3A_717 : i32 to index
      %get3A_731 = arith.constant 48 : index
      %get3A_732 = tpu.vector_load %arg7[%get3A_730, %get3A_731] {strides = array<i32>} : memref<200x64xf32, #tpu.memory_space<vmem>>, vector<1x16xf32>,
      %get3A_733 = vector.shape_cast %get3A_732 : vector<1x16xf32> to vector<16xf32>
      %scan3A_734 = arith.constant 0 : i32
      %scan3A_735 = arith.constant 0 : i32
      %scan3A_736 = arith.constant 128 : i32
      %scan3A_737 = arith.addi %scan3A_735, %scan3A_736 : i32
      %scan3A_738 = arith.constant 4 : i32
      scf.for %scan3A_1127 = %scan3A_735 to %scan3A_737 step %scan3A_738  : i32 {
        %get3A_1128 = arith.constant 2 : i32
        %get3A_1129 = arith.index_cast %get3A_1128 : i32 to index
        %get3A_1130 = arith.index_cast %scan3A_1127 : i32 to index
        %get3A_1131 = arith.constant 0 : index
        %get3A_1132 = tpu.vector_load %arg8[%get3A_1129, %get3A_1130, %get3A_1131] {strides = array<i32>} : memref<5x128x64xf32, #tpu.memory_space<vmem>>, vector<1x1x16xf32>,
        %get3A_1133 = vector.shape_cast %get3A_1132 : vector<1x1x16xf32> to vector<16xf32>
        %add3A_1134 = arith.addf %get3A_1133, %get3A_721 : vector<16xf32>
        %swap3A = arith.constant 2 : i32
        %swap3A_1135 = arith.index_cast %swap3A : i32 to index
        %swap3A_1136 = arith.index_cast %scan3A_1127 : i32 to index
        %swap3A_1137 = arith.constant 0 : index
        %swap3A_1138 = tpu.vector_load %arg8[%swap3A_1135, %swap3A_1136, %swap3A_1137] {strides = array<i32>} : memref<5x128x64xf32, #tpu.memory_space<vmem>>, vector<1x1x16xf32>,
        %swap3A_1139 = vector.shape_cast %swap3A_1138 : vector<1x1x16xf32> to vector<16xf32>
        %swap3A_1140 = vector.shape_cast %add3A_1134 : vector<16xf32> to vector<1x1x16xf32>
        tpu.vector_store %arg8[%swap3A_1135, %swap3A_1136, %swap3A_1137], %swap3A_1140 {strides = array<i32>} : memref<5x128x64xf32, #tpu.memory_space<vmem>>, vector<1x1x16xf32>,
        %get3A_1141 = arith.constant 2 : i32
        %get3A_1142 = arith.index_cast %get3A_1141 : i32 to index
        %get3A_1143 = arith.index_cast %scan3A_1127 : i32 to index
        %get3A_1144 = arith.constant 16 : index
        %get3A_1145 = tpu.vector_load %arg8[%get3A_1142, %get3A_1143, %get3A_1144] {strides = array<i32>} : memref<5x128x64xf32, #tpu.memory_space<vmem>>, vector<1x1x16xf32>,
        %get3A_1146 = vector.shape_cast %get3A_1145 : vector<1x1x16xf32> to vector<16xf32>
        %add3A_1147 = arith.addf %get3A_1146, %get3A_725 : vector<16xf32>
        %swap3A_1148 = arith.constant 2 : i32
        %swap3A_1149 = arith.index_cast %swap3A_1148 : i32 to index
        %swap3A_1150 = arith.index_cast %scan3A_1127 : i32 to index
        %swap3A_1151 = arith.constant 16 : index
        %swap3A_1152 = tpu.vector_load %arg8[%swap3A_1149, %swap3A_1150, %swap3A_1151] {strides = array<i32>} : memref<5x128x64xf32, #tpu.memory_space<vmem>>, vector<1x1x16xf32>,
        %swap3A_1153 = vector.shape_cast %swap3A_1152 : vector<1x1x16xf32> to vector<16xf32>
        %swap3A_1154 = vector.shape_cast %add3A_1147 : vector<16xf32> to vector<1x1x16xf32>
        tpu.vector_store %arg8[%swap3A_1149, %swap3A_1150, %swap3A_1151], %swap3A_1154 {strides = array<i32>} : memref<5x128x64xf32, #tpu.memory_space<vmem>>, vector<1x1x16xf32>,
        %get3A_1155 = arith.constant 2 : i32
        %get3A_1156 = arith.index_cast %get3A_1155 : i32 to index
        %get3A_1157 = arith.index_cast %scan3A_1127 : i32 to index
        %get3A_1158 = arith.constant 32 : index
        %get3A_1159 = tpu.vector_load %arg8[%get3A_1156, %get3A_1157, %get3A_1158] {strides = array<i32>} : memref<5x128x64xf32, #tpu.memory_space<vmem>>, vector<1x1x16xf32>,
        %get3A_1160 = vector.shape_cast %get3A_1159 : vector<1x1x16xf32> to vector<16xf32>
        %add3A_1161 = arith.addf %get3A_1160, %get3A_729 : vector<16xf32>
        %swap3A_1162 = arith.constant 2 : i32
        %swap3A_1163 = arith.index_cast %swap3A_1162 : i32 to index
        %swap3A_1164 = arith.index_cast %scan3A_1127 : i32 to index
        %swap3A_1165 = arith.constant 32 : index
        %swap3A_1166 = tpu.vector_load %arg8[%swap3A_1163, %swap3A_1164, %swap3A_1165] {strides = array<i32>} : memref<5x128x64xf32, #tpu.memory_space<vmem>>, vector<1x1x16xf32>,
        %swap3A_1167 = vector.shape_cast %swap3A_1166 : vector<1x1x16xf32> to vector<16xf32>
        %swap3A_1168 = vector.shape_cast %add3A_1161 : vector<16xf32> to vector<1x1x16xf32>
        tpu.vector_store %arg8[%swap3A_1163, %swap3A_1164, %swap3A_1165], %swap3A_1168 {strides = array<i32>} : memref<5x128x64xf32, #tpu.memory_space<vmem>>, vector<1x1x16xf32>,
        %get3A_1169 = arith.constant 2 : i32
        %get3A_1170 = arith.index_cast %get3A_1169 : i32 to index
        %get3A_1171 = arith.index_cast %scan3A_1127 : i32 to index
        %get3A_1172 = arith.constant 48 : index
        %get3A_1173 = tpu.vector_load %arg8[%get3A_1170, %get3A_1171, %get3A_1172] {strides = array<i32>} : memref<5x128x64xf32, #tpu.memory_space<vmem>>, vector<1x1x16xf32>,
        %get3A_1174 = vector.shape_cast %get3A_1173 : vector<1x1x16xf32> to vector<16xf32>
        %add3A_1175 = arith.addf %get3A_1174, %get3A_733 : vector<16xf32>
        %swap3A_1176 = arith.constant 2 : i32
        %swap3A_1177 = arith.index_cast %swap3A_1176 : i32 to index
        %swap3A_1178 = arith.index_cast %scan3A_1127 : i32 to index
        %swap3A_1179 = arith.constant 48 : index
        %swap3A_1180 = tpu.vector_load %arg8[%swap3A_1177, %swap3A_1178, %swap3A_1179] {strides = array<i32>} : memref<5x128x64xf32, #tpu.memory_space<vmem>>, vector<1x1x16xf32>,
        %swap3A_1181 = vector.shape_cast %swap3A_1180 : vector<1x1x16xf32> to vector<16xf32>
        %swap3A_1182 = vector.shape_cast %add3A_1175 : vector<16xf32> to vector<1x1x16xf32>
        tpu.vector_store %arg8[%swap3A_1177, %swap3A_1178, %swap3A_1179], %swap3A_1182 {strides = array<i32>} : memref<5x128x64xf32, #tpu.memory_space<vmem>>, vector<1x1x16xf32>,
        %scan3A_1183 = arith.constant 1 : i32
        %scan3A_1184 = arith.addi %scan3A_1127, %scan3A_1183 : i32
        %get3A_1185 = arith.constant 2 : i32
        %get3A_1186 = arith.index_cast %get3A_1185 : i32 to index
        %get3A_1187 = arith.index_cast %scan3A_1184 : i32 to index
        %get3A_1188 = arith.constant 0 : index
        %get3A_1189 = tpu.vector_load %arg8[%get3A_1186, %get3A_1187, %get3A_1188] {strides = array<i32>} : memref<5x128x64xf32, #tpu.memory_space<vmem>>, vector<1x1x16xf32>,
        %get3A_1190 = vector.shape_cast %get3A_1189 : vector<1x1x16xf32> to vector<16xf32>
        %add3A_1191 = arith.addf %get3A_1190, %get3A_721 : vector<16xf32>
        %swap3A_1192 = arith.constant 2 : i32
        %swap3A_1193 = arith.index_cast %swap3A_1192 : i32 to index
        %swap3A_1194 = arith.index_cast %scan3A_1184 : i32 to index
        %swap3A_1195 = arith.constant 0 : index
        %swap3A_1196 = tpu.vector_load %arg8[%swap3A_1193, %swap3A_1194, %swap3A_1195] {strides = array<i32>} : memref<5x128x64xf32, #tpu.memory_space<vmem>>, vector<1x1x16xf32>,
        %swap3A_1197 = vector.shape_cast %swap3A_1196 : vector<1x1x16xf32> to vector<16xf32>
        %swap3A_1198 = vector.shape_cast %add3A_1191 : vector<16xf32> to vector<1x1x16xf32>
        tpu.vector_store %arg8[%swap3A_1193, %swap3A_1194, %swap3A_1195], %swap3A_1198 {strides = array<i32>} : memref<5x128x64xf32, #tpu.memory_space<vmem>>, vector<1x1x16xf32>,
        %get3A_1199 = arith.constant 2 : i32
        %get3A_1200 = arith.index_cast %get3A_1199 : i32 to index
        %get3A_1201 = arith.index_cast %scan3A_1184 : i32 to index
        %get3A_1202 = arith.constant 16 : index
        %get3A_1203 = tpu.vector_load %arg8[%get3A_1200, %get3A_1201, %get3A_1202] {strides = array<i32>} : memref<5x128x64xf32, #tpu.memory_space<vmem>>, vector<1x1x16xf32>,
        %get3A_1204 = vector.shape_cast %get3A_1203 : vector<1x1x16xf32> to vector<16xf32>
        %add3A_1205 = arith.addf %get3A_1204, %get3A_725 : vector<16xf32>
        %swap3A_1206 = arith.constant 2 : i32
        %swap3A_1207 = arith.index_cast %swap3A_1206 : i32 to index
        %swap3A_1208 = arith.index_cast %scan3A_1184 : i32 to index
        %swap3A_1209 = arith.constant 16 : index
        %swap3A_1210 = tpu.vector_load %arg8[%swap3A_1207, %swap3A_1208, %swap3A_1209] {strides = array<i32>} : memref<5x128x64xf32, #tpu.memory_space<vmem>>, vector<1x1x16xf32>,
        %swap3A_1211 = vector.shape_cast %swap3A_1210 : vector<1x1x16xf32> to vector<16xf32>
        %swap3A_1212 = vector.shape_cast %add3A_1205 : vector<16xf32> to vector<1x1x16xf32>
        tpu.vector_store %arg8[%swap3A_1207, %swap3A_1208, %swap3A_1209], %swap3A_1212 {strides = array<i32>} : memref<5x128x64xf32, #tpu.memory_space<vmem>>, vector<1x1x16xf32>,
        %get3A_1213 = arith.constant 2 : i32
        %get3A_1214 = arith.index_cast %get3A_1213 : i32 to index
        %get3A_1215 = arith.index_cast %scan3A_1184 : i32 to index
        %get3A_1216 = arith.constant 32 : index
        %get3A_1217 = tpu.vector_load %arg8[%get3A_1214, %get3A_1215, %get3A_1216] {strides = array<i32>} : memref<5x128x64xf32, #tpu.memory_space<vmem>>, vector<1x1x16xf32>,
        %get3A_1218 = vector.shape_cast %get3A_1217 : vector<1x1x16xf32> to vector<16xf32>
        %add3A_1219 = arith.addf %get3A_1218, %get3A_729 : vector<16xf32>
        %swap3A_1220 = arith.constant 2 : i32
        %swap3A_1221 = arith.index_cast %swap3A_1220 : i32 to index
        %swap3A_1222 = arith.index_cast %scan3A_1184 : i32 to index
        %swap3A_1223 = arith.constant 32 : index
        %swap3A_1224 = tpu.vector_load %arg8[%swap3A_1221, %swap3A_1222, %swap3A_1223] {strides = array<i32>} : memref<5x128x64xf32, #tpu.memory_space<vmem>>, vector<1x1x16xf32>,
        %swap3A_1225 = vector.shape_cast %swap3A_1224 : vector<1x1x16xf32> to vector<16xf32>
        %swap3A_1226 = vector.shape_cast %add3A_1219 : vector<16xf32> to vector<1x1x16xf32>
        tpu.vector_store %arg8[%swap3A_1221, %swap3A_1222, %swap3A_1223], %swap3A_1226 {strides = array<i32>} : memref<5x128x64xf32, #tpu.memory_space<vmem>>, vector<1x1x16xf32>,
        %get3A_1227 = arith.constant 2 : i32
        %get3A_1228 = arith.index_cast %get3A_1227 : i32 to index
        %get3A_1229 = arith.index_cast %scan3A_1184 : i32 to index
        %get3A_1230 = arith.constant 48 : index
        %get3A_1231 = tpu.vector_load %arg8[%get3A_1228, %get3A_1229, %get3A_1230] {strides = array<i32>} : memref<5x128x64xf32, #tpu.memory_space<vmem>>, vector<1x1x16xf32>,
        %get3A_1232 = vector.shape_cast %get3A_1231 : vector<1x1x16xf32> to vector<16xf32>
        %add3A_1233 = arith.addf %get3A_1232, %get3A_733 : vector<16xf32>
        %swap3A_1234 = arith.constant 2 : i32
        %swap3A_1235 = arith.index_cast %swap3A_1234 : i32 to index
        %swap3A_1236 = arith.index_cast %scan3A_1184 : i32 to index
        %swap3A_1237 = arith.constant 48 : index
        %swap3A_1238 = tpu.vector_load %arg8[%swap3A_1235, %swap3A_1236, %swap3A_1237] {strides = array<i32>} : memref<5x128x64xf32, #tpu.memory_space<vmem>>, vector<1x1x16xf32>,
        %swap3A_1239 = vector.shape_cast %swap3A_1238 : vector<1x1x16xf32> to vector<16xf32>
        %swap3A_1240 = vector.shape_cast %add3A_1233 : vector<16xf32> to vector<1x1x16xf32>
        tpu.vector_store %arg8[%swap3A_1235, %swap3A_1236, %swap3A_1237], %swap3A_1240 {strides = array<i32>} : memref<5x128x64xf32, #tpu.memory_space<vmem>>, vector<1x1x16xf32>,
        %scan3A_1241 = arith.constant 2 : i32
        %scan3A_1242 = arith.addi %scan3A_1127, %scan3A_1241 : i32
        %get3A_1243 = arith.constant 2 : i32
        %get3A_1244 = arith.index_cast %get3A_1243 : i32 to index
        %get3A_1245 = arith.index_cast %scan3A_1242 : i32 to index
        %get3A_1246 = arith.constant 0 : index
        %get3A_1247 = tpu.vector_load %arg8[%get3A_1244, %get3A_1245, %get3A_1246] {strides = array<i32>} : memref<5x128x64xf32, #tpu.memory_space<vmem>>, vector<1x1x16xf32>,
        %get3A_1248 = vector.shape_cast %get3A_1247 : vector<1x1x16xf32> to vector<16xf32>
        %add3A_1249 = arith.addf %get3A_1248, %get3A_721 : vector<16xf32>
        %swap3A_1250 = arith.constant 2 : i32
        %swap3A_1251 = arith.index_cast %swap3A_1250 : i32 to index
        %swap3A_1252 = arith.index_cast %scan3A_1242 : i32 to index
        %swap3A_1253 = arith.constant 0 : index
        %swap3A_1254 = tpu.vector_load %arg8[%swap3A_1251, %swap3A_1252, %swap3A_1253] {strides = array<i32>} : memref<5x128x64xf32, #tpu.memory_space<vmem>>, vector<1x1x16xf32>,
        %swap3A_1255 = vector.shape_cast %swap3A_1254 : vector<1x1x16xf32> to vector<16xf32>
        %swap3A_1256 = vector.shape_cast %add3A_1249 : vector<16xf32> to vector<1x1x16xf32>
        tpu.vector_store %arg8[%swap3A_1251, %swap3A_1252, %swap3A_1253], %swap3A_1256 {strides = array<i32>} : memref<5x128x64xf32, #tpu.memory_space<vmem>>, vector<1x1x16xf32>,
        %get3A_1257 = arith.constant 2 : i32
        %get3A_1258 = arith.index_cast %get3A_1257 : i32 to index
        %get3A_1259 = arith.index_cast %scan3A_1242 : i32 to index
        %get3A_1260 = arith.constant 16 : index
        %get3A_1261 = tpu.vector_load %arg8[%get3A_1258, %get3A_1259, %get3A_1260] {strides = array<i32>} : memref<5x128x64xf32, #tpu.memory_space<vmem>>, vector<1x1x16xf32>,
        %get3A_1262 = vector.shape_cast %get3A_1261 : vector<1x1x16xf32> to vector<16xf32>
        %add3A_1263 = arith.addf %get3A_1262, %get3A_725 : vector<16xf32>
        %swap3A_1264 = arith.constant 2 : i32
        %swap3A_1265 = arith.index_cast %swap3A_1264 : i32 to index
        %swap3A_1266 = arith.index_cast %scan3A_1242 : i32 to index
        %swap3A_1267 = arith.constant 16 : index
        %swap3A_1268 = tpu.vector_load %arg8[%swap3A_1265, %swap3A_1266, %swap3A_1267] {strides = array<i32>} : memref<5x128x64xf32, #tpu.memory_space<vmem>>, vector<1x1x16xf32>,
        %swap3A_1269 = vector.shape_cast %swap3A_1268 : vector<1x1x16xf32> to vector<16xf32>
        %swap3A_1270 = vector.shape_cast %add3A_1263 : vector<16xf32> to vector<1x1x16xf32>
        tpu.vector_store %arg8[%swap3A_1265, %swap3A_1266, %swap3A_1267], %swap3A_1270 {strides = array<i32>} : memref<5x128x64xf32, #tpu.memory_space<vmem>>, vector<1x1x16xf32>,
        %get3A_1271 = arith.constant 2 : i32
        %get3A_1272 = arith.index_cast %get3A_1271 : i32 to index
        %get3A_1273 = arith.index_cast %scan3A_1242 : i32 to index
        %get3A_1274 = arith.constant 32 : index
        %get3A_1275 = tpu.vector_load %arg8[%get3A_1272, %get3A_1273, %get3A_1274] {strides = array<i32>} : memref<5x128x64xf32, #tpu.memory_space<vmem>>, vector<1x1x16xf32>,
        %get3A_1276 = vector.shape_cast %get3A_1275 : vector<1x1x16xf32> to vector<16xf32>
        %add3A_1277 = arith.addf %get3A_1276, %get3A_729 : vector<16xf32>
        %swap3A_1278 = arith.constant 2 : i32
        %swap3A_1279 = arith.index_cast %swap3A_1278 : i32 to index
        %swap3A_1280 = arith.index_cast %scan3A_1242 : i32 to index
        %swap3A_1281 = arith.constant 32 : index
        %swap3A_1282 = tpu.vector_load %arg8[%swap3A_1279, %swap3A_1280, %swap3A_1281] {strides = array<i32>} : memref<5x128x64xf32, #tpu.memory_space<vmem>>, vector<1x1x16xf32>,
        %swap3A_1283 = vector.shape_cast %swap3A_1282 : vector<1x1x16xf32> to vector<16xf32>
        %swap3A_1284 = vector.shape_cast %add3A_1277 : vector<16xf32> to vector<1x1x16xf32>
        tpu.vector_store %arg8[%swap3A_1279, %swap3A_1280, %swap3A_1281], %swap3A_1284 {strides = array<i32>} : memref<5x128x64xf32, #tpu.memory_space<vmem>>, vector<1x1x16xf32>,
        %get3A_1285 = arith.constant 2 : i32
        %get3A_1286 = arith.index_cast %get3A_1285 : i32 to index
        %get3A_1287 = arith.index_cast %scan3A_1242 : i32 to index
        %get3A_1288 = arith.constant 48 : index
        %get3A_1289 = tpu.vector_load %arg8[%get3A_1286, %get3A_1287, %get3A_1288] {strides = array<i32>} : memref<5x128x64xf32, #tpu.memory_space<vmem>>, vector<1x1x16xf32>,
        %get3A_1290 = vector.shape_cast %get3A_1289 : vector<1x1x16xf32> to vector<16xf32>
        %add3A_1291 = arith.addf %get3A_1290, %get3A_733 : vector<16xf32>
        %swap3A_1292 = arith.constant 2 : i32
        %swap3A_1293 = arith.index_cast %swap3A_1292 : i32 to index
        %swap3A_1294 = arith.index_cast %scan3A_1242 : i32 to index
        %swap3A_1295 = arith.constant 48 : index
        %swap3A_1296 = tpu.vector_load %arg8[%swap3A_1293, %swap3A_1294, %swap3A_1295] {strides = array<i32>} : memref<5x128x64xf32, #tpu.memory_space<vmem>>, vector<1x1x16xf32>,
        %swap3A_1297 = vector.shape_cast %swap3A_1296 : vector<1x1x16xf32> to vector<16xf32>
        %swap3A_1298 = vector.shape_cast %add3A_1291 : vector<16xf32> to vector<1x1x16xf32>
        tpu.vector_store %arg8[%swap3A_1293, %swap3A_1294, %swap3A_1295], %swap3A_1298 {strides = array<i32>} : memref<5x128x64xf32, #tpu.memory_space<vmem>>, vector<1x1x16xf32>,
        %scan3A_1299 = arith.constant 3 : i32
        %scan3A_1300 = arith.addi %scan3A_1127, %scan3A_1299 : i32
        %get3A_1301 = arith.constant 2 : i32
        %get3A_1302 = arith.index_cast %get3A_1301 : i32 to index
        %get3A_1303 = arith.index_cast %scan3A_1300 : i32 to index
        %get3A_1304 = arith.constant 0 : index
        %get3A_1305 = tpu.vector_load %arg8[%get3A_1302, %get3A_1303, %get3A_1304] {strides = array<i32>} : memref<5x128x64xf32, #tpu.memory_space<vmem>>, vector<1x1x16xf32>,
        %get3A_1306 = vector.shape_cast %get3A_1305 : vector<1x1x16xf32> to vector<16xf32>
        %add3A_1307 = arith.addf %get3A_1306, %get3A_721 : vector<16xf32>
        %swap3A_1308 = arith.constant 2 : i32
        %swap3A_1309 = arith.index_cast %swap3A_1308 : i32 to index
        %swap3A_1310 = arith.index_cast %scan3A_1300 : i32 to index
        %swap3A_1311 = arith.constant 0 : index
        %swap3A_1312 = tpu.vector_load %arg8[%swap3A_1309, %swap3A_1310, %swap3A_1311] {strides = array<i32>} : memref<5x128x64xf32, #tpu.memory_space<vmem>>, vector<1x1x16xf32>,
        %swap3A_1313 = vector.shape_cast %swap3A_1312 : vector<1x1x16xf32> to vector<16xf32>
        %swap3A_1314 = vector.shape_cast %add3A_1307 : vector<16xf32> to vector<1x1x16xf32>
        tpu.vector_store %arg8[%swap3A_1309, %swap3A_1310, %swap3A_1311], %swap3A_1314 {strides = array<i32>} : memref<5x128x64xf32, #tpu.memory_space<vmem>>, vector<1x1x16xf32>,
        %get3A_1315 = arith.constant 2 : i32
        %get3A_1316 = arith.index_cast %get3A_1315 : i32 to index
        %get3A_1317 = arith.index_cast %scan3A_1300 : i32 to index
        %get3A_1318 = arith.constant 16 : index
        %get3A_1319 = tpu.vector_load %arg8[%get3A_1316, %get3A_1317, %get3A_1318] {strides = array<i32>} : memref<5x128x64xf32, #tpu.memory_space<vmem>>, vector<1x1x16xf32>,
        %get3A_1320 = vector.shape_cast %get3A_1319 : vector<1x1x16xf32> to vector<16xf32>
        %add3A_1321 = arith.addf %get3A_1320, %get3A_725 : vector<16xf32>
        %swap3A_1322 = arith.constant 2 : i32
        %swap3A_1323 = arith.index_cast %swap3A_1322 : i32 to index
        %swap3A_1324 = arith.index_cast %scan3A_1300 : i32 to index
        %swap3A_1325 = arith.constant 16 : index
        %swap3A_1326 = tpu.vector_load %arg8[%swap3A_1323, %swap3A_1324, %swap3A_1325] {strides = array<i32>} : memref<5x128x64xf32, #tpu.memory_space<vmem>>, vector<1x1x16xf32>,
        %swap3A_1327 = vector.shape_cast %swap3A_1326 : vector<1x1x16xf32> to vector<16xf32>
        %swap3A_1328 = vector.shape_cast %add3A_1321 : vector<16xf32> to vector<1x1x16xf32>
        tpu.vector_store %arg8[%swap3A_1323, %swap3A_1324, %swap3A_1325], %swap3A_1328 {strides = array<i32>} : memref<5x128x64xf32, #tpu.memory_space<vmem>>, vector<1x1x16xf32>,
        %get3A_1329 = arith.constant 2 : i32
        %get3A_1330 = arith.index_cast %get3A_1329 : i32 to index
        %get3A_1331 = arith.index_cast %scan3A_1300 : i32 to index
        %get3A_1332 = arith.constant 32 : index
        %get3A_1333 = tpu.vector_load %arg8[%get3A_1330, %get3A_1331, %get3A_1332] {strides = array<i32>} : memref<5x128x64xf32, #tpu.memory_space<vmem>>, vector<1x1x16xf32>,
        %get3A_1334 = vector.shape_cast %get3A_1333 : vector<1x1x16xf32> to vector<16xf32>
        %add3A_1335 = arith.addf %get3A_1334, %get3A_729 : vector<16xf32>
        %swap3A_1336 = arith.constant 2 : i32
        %swap3A_1337 = arith.index_cast %swap3A_1336 : i32 to index
        %swap3A_1338 = arith.index_cast %scan3A_1300 : i32 to index
        %swap3A_1339 = arith.constant 32 : index
        %swap3A_1340 = tpu.vector_load %arg8[%swap3A_1337, %swap3A_1338, %swap3A_1339] {strides = array<i32>} : memref<5x128x64xf32, #tpu.memory_space<vmem>>, vector<1x1x16xf32>,
        %swap3A_1341 = vector.shape_cast %swap3A_1340 : vector<1x1x16xf32> to vector<16xf32>
        %swap3A_1342 = vector.shape_cast %add3A_1335 : vector<16xf32> to vector<1x1x16xf32>
        tpu.vector_store %arg8[%swap3A_1337, %swap3A_1338, %swap3A_1339], %swap3A_1342 {strides = array<i32>} : memref<5x128x64xf32, #tpu.memory_space<vmem>>, vector<1x1x16xf32>,
        %get3A_1343 = arith.constant 2 : i32
        %get3A_1344 = arith.index_cast %get3A_1343 : i32 to index
        %get3A_1345 = arith.index_cast %scan3A_1300 : i32 to index
        %get3A_1346 = arith.constant 48 : index
        %get3A_1347 = tpu.vector_load %arg8[%get3A_1344, %get3A_1345, %get3A_1346] {strides = array<i32>} : memref<5x128x64xf32, #tpu.memory_space<vmem>>, vector<1x1x16xf32>,
        %get3A_1348 = vector.shape_cast %get3A_1347 : vector<1x1x16xf32> to vector<16xf32>
        %add3A_1349 = arith.addf %get3A_1348, %get3A_733 : vector<16xf32>
        %swap3A_1350 = arith.constant 2 : i32
        %swap3A_1351 = arith.index_cast %swap3A_1350 : i32 to index
        %swap3A_1352 = arith.index_cast %scan3A_1300 : i32 to index
        %swap3A_1353 = arith.constant 48 : index
        %swap3A_1354 = tpu.vector_load %arg8[%swap3A_1351, %swap3A_1352, %swap3A_1353] {strides = array<i32>} : memref<5x128x64xf32, #tpu.memory_space<vmem>>, vector<1x1x16xf32>,
        %swap3A_1355 = vector.shape_cast %swap3A_1354 : vector<1x1x16xf32> to vector<16xf32>
        %swap3A_1356 = vector.shape_cast %add3A_1349 : vector<16xf32> to vector<1x1x16xf32>
        tpu.vector_store %arg8[%swap3A_1351, %swap3A_1352, %swap3A_1353], %swap3A_1356 {strides = array<i32>} : memref<5x128x64xf32, #tpu.memory_space<vmem>>, vector<1x1x16xf32>,
      }
      %scan3A_739 = arith.constant 128 : i32
      %add3A_740 = arith.addi %mul3A_2, %add3A_617 : i32
      %jit3A_741 = arith.constant 8 : i32
      %div3A_742 = arith.divsi %add3A_740, %jit3A_741 : i32
      %sign3A_743 = arith.constant 0 : i32
      %sign3A_744 = arith.cmpi sgt, %add3A_740, %sign3A_743 : i32
      %sign3A_745 = arith.extui %sign3A_744 : i1 to i32
      %sign3A_746 = arith.constant 0 : i32
      %sign3A_747 = arith.cmpi slt, %add3A_740, %sign3A_746 : i32
      %sign3A_748 = arith.extui %sign3A_747 : i1 to i32
      %sign3A_749 = arith.subi %sign3A_745, %sign3A_748 : i32
      %sign3A_750 = arith.constant 0 : i32
      %sign3A_751 = arith.cmpi sgt, %jit3A_741, %sign3A_750 : i32
      %sign3A_752 = arith.extui %sign3A_751 : i1 to i32
      %sign3A_753 = arith.constant 0 : i32
      %sign3A_754 = arith.cmpi slt, %jit3A_741, %sign3A_753 : i32
      %sign3A_755 = arith.extui %sign3A_754 : i1 to i32
      %sign3A_756 = arith.subi %sign3A_752, %sign3A_755 : i32
      %ne3A_757 = arith.cmpi ne, %sign3A_749, %sign3A_756 : i32
      %rem3A_758 = arith.remsi %add3A_740, %jit3A_741 : i32
      %ne3A_759 = arith.constant 0 : i32
      %ne3A_760 = arith.cmpi ne, %rem3A_758, %ne3A_759 : i32
      %and3A_761 = arith.andi %ne3A_757, %ne3A_760 : i1
      %sub3A_762 = arith.constant 1 : i32
      %sub3A_763 = arith.subi %div3A_742, %sub3A_762 : i32
      %select_n3A_764 = arith.select %and3A_761, %sub3A_763, %div3A_742 : i32
      %rem3A_765 = arith.constant 8 : i32
      %rem3A_766 = arith.remsi %add3A_740, %rem3A_765 : i32
      %mul3A_767 = arith.constant 128 : i32
      %mul3A_768 = arith.muli %rem3A_766, %mul3A_767 : i32
      %mul3A_769 = arith.constant 64 : i32
      %mul3A_770 = arith.muli %select_n3A_764, %mul3A_769 : i32
      %dma_start3A_771 = arith.constant 2 : i32
      %dma_start3A_772 = arith.constant 2 : i32
      %dma_start3A_773 = arith.constant 0 : i32
      %dma_start3A_774 = arith.constant 0 : i32
      %dma_start3A_775 = tpu.memref_slice %arg8[%dma_start3A_771, %dma_start3A_773, %dma_start3A_774] : memref<5x128x64xf32, #tpu.memory_space<vmem>> -> memref<1x128x64xf32, #tpu.memory_space<vmem>>
      %dma_start3A_776 = tpu.memref_squeeze %dma_start3A_775 : memref<1x128x64xf32, #tpu.memory_space<vmem>> -> memref<128x64xf32, #tpu.memory_space<vmem>>
      %dma_start3A_777 = tpu.memref_slice %arg5[%mul3A_768, %mul3A_770] : memref<1024x12800xf32, #tpu.memory_space<hbm>> -> memref<128x64xf32, #tpu.memory_space<hbm>>
      %dma_start3A_778 = tpu.memref_slice %arg10[%dma_start3A_772] : memref<5x!tpu.dma_semaphore, #tpu.memory_space<semaphore_mem>> -> memref<1x!tpu.dma_semaphore, #tpu.memory_space<semaphore_mem>>
      %dma_start3A_779 = tpu.memref_squeeze %dma_start3A_778 : memref<1x!tpu.dma_semaphore, #tpu.memory_space<semaphore_mem>> -> memref<!tpu.dma_semaphore, #tpu.memory_space<semaphore_mem>>
      %dma_start3A_780 = tpu.memref_slice %arg5[%mul3A_768, %mul3A_770] : memref<1024x12800xf32, #tpu.memory_space<hbm>> -> memref<128x64xf32, #tpu.memory_space<hbm>>
      %dma_start3A_781 = arith.constant 0 : i32
      %dma_start3A_782 = arith.constant 0 : i32
      %dma_start3A_783 = tpu.memref_slice %arg8[%dma_start3A_771, %dma_start3A_781, %dma_start3A_782] : memref<5x128x64xf32, #tpu.memory_space<vmem>> -> memref<1x128x64xf32, #tpu.memory_space<vmem>>
      %dma_start3A_784 = tpu.memref_squeeze %dma_start3A_783 : memref<1x128x64xf32, #tpu.memory_space<vmem>> -> memref<128x64xf32, #tpu.memory_space<vmem>>
      tpu.enqueue_dma source(%dma_start3A_784 : memref<128x64xf32, #tpu.memory_space<vmem>>) target(%dma_start3A_780 : memref<128x64xf32, #tpu.memory_space<hbm>>) target_semaphore(%dma_start3A_779 : memref<!tpu.dma_semaphore, #tpu.memory_space<semaphore_mem>>)
      %mul3A_785 = arith.constant 5 : i32
      %mul3A_786 = arith.muli %scan3A_275, %mul3A_785 : i32
      %add3A_787 = arith.constant 3 : i32
      %add3A_788 = arith.addi %mul3A_786, %add3A_787 : i32
      %add3A_789 = arith.constant 2 : i32
      %add3A_790 = arith.addi %add3A_788, %add3A_789 : i32
      %lt3A_791 = arith.constant 50 : i32
      %lt3A_792 = arith.cmpi slt, %add3A_790, %lt3A_791 : i32
      %convert_element_type3A_793 = arith.extui %lt3A_792 : i1 to i32
      %cond3A_794 = arith.constant 0 : i32
      %cond3A_795 = arith.cmpi ne, %convert_element_type3A_793, %cond3A_794 : i32
      scf.if %cond3A_795 {
        %ge3A = arith.constant 3 : i32
        %ge3A_1127 = arith.cmpi sge, %add3A_788, %ge3A : i32
        %convert_element_type3A_1128 = arith.extui %ge3A_1127 : i1 to i32
        %cond3A_1129 = arith.constant 0 : i32
        %cond3A_1130 = arith.cmpi ne, %convert_element_type3A_1128, %cond3A_1129 : i32
        scf.if %cond3A_1130 {
          %dma_wait3A_1201 = arith.constant 0 : i32
          %dma_wait3A_1202 = arith.constant 0 : i32
          %dma_wait3A_1203 = arith.constant 0 : i32
          %dma_wait3A_1204 = arith.constant 0 : i32
          %dma_wait3A_1205 = tpu.memref_slice %arg8[%dma_wait3A_1201, %dma_wait3A_1203, %dma_wait3A_1204] : memref<5x128x64xf32, #tpu.memory_space<vmem>> -> memref<1x128x64xf32, #tpu.memory_space<vmem>>
          %dma_wait3A_1206 = tpu.memref_squeeze %dma_wait3A_1205 : memref<1x128x64xf32, #tpu.memory_space<vmem>> -> memref<128x64xf32, #tpu.memory_space<vmem>>
          %dma_wait3A_1207 = arith.constant 0 : i32
          %dma_wait3A_1208 = arith.constant 0 : i32
          %dma_wait3A_1209 = tpu.memref_slice %arg5[%dma_wait3A_1207, %dma_wait3A_1208] : memref<1024x12800xf32, #tpu.memory_space<hbm>> -> memref<128x64xf32, #tpu.memory_space<hbm>>
          %dma_wait3A_1210 = tpu.memref_slice %arg10[%dma_wait3A_1202] : memref<5x!tpu.dma_semaphore, #tpu.memory_space<semaphore_mem>> -> memref<1x!tpu.dma_semaphore, #tpu.memory_space<semaphore_mem>>
          %dma_wait3A_1211 = tpu.memref_squeeze %dma_wait3A_1210 : memref<1x!tpu.dma_semaphore, #tpu.memory_space<semaphore_mem>> -> memref<!tpu.dma_semaphore, #tpu.memory_space<semaphore_mem>>
          %dma_wait3A_1212 = arith.constant 0 : i32
          %dma_wait3A_1213 = arith.constant 0 : i32
          %dma_wait3A_1214 = tpu.memref_slice %arg5[%dma_wait3A_1212, %dma_wait3A_1213] : memref<1024x12800xf32, #tpu.memory_space<hbm>> -> memref<128x64xf32, #tpu.memory_space<hbm>>
          %dma_wait3A_1215 = arith.constant 0 : i32
          %dma_wait3A_1216 = arith.constant 0 : i32
          %dma_wait3A_1217 = tpu.memref_slice %arg8[%dma_wait3A_1201, %dma_wait3A_1215, %dma_wait3A_1216] : memref<5x128x64xf32, #tpu.memory_space<vmem>> -> memref<1x128x64xf32, #tpu.memory_space<vmem>>
          %dma_wait3A_1218 = tpu.memref_squeeze %dma_wait3A_1217 : memref<1x128x64xf32, #tpu.memory_space<vmem>> -> memref<128x64xf32, #tpu.memory_space<vmem>>
          tpu.wait_dma2 semaphore(%dma_wait3A_1211 : memref<!tpu.dma_semaphore, #tpu.memory_space<semaphore_mem>>) src(%dma_wait3A_1218 : memref<128x64xf32, #tpu.memory_space<vmem>>) dst(%dma_wait3A_1214 : memref<128x64xf32, #tpu.memory_space<hbm>>)
        } else {
        }
        %add3A_1131 = arith.constant 2 : i32
        %add3A_1132 = arith.addi %add3A_788, %add3A_1131 : i32
        %add3A_1133 = arith.addi %mul3A_2, %add3A_1132 : i32
        %jit3A_1134 = arith.constant 8 : i32
        %div3A_1135 = arith.divsi %add3A_1133, %jit3A_1134 : i32
        %sign3A_1136 = arith.constant 0 : i32
        %sign3A_1137 = arith.cmpi sgt, %add3A_1133, %sign3A_1136 : i32
        %sign3A_1138 = arith.extui %sign3A_1137 : i1 to i32
        %sign3A_1139 = arith.constant 0 : i32
        %sign3A_1140 = arith.cmpi slt, %add3A_1133, %sign3A_1139 : i32
        %sign3A_1141 = arith.extui %sign3A_1140 : i1 to i32
        %sign3A_1142 = arith.subi %sign3A_1138, %sign3A_1141 : i32
        %sign3A_1143 = arith.constant 0 : i32
        %sign3A_1144 = arith.cmpi sgt, %jit3A_1134, %sign3A_1143 : i32
        %sign3A_1145 = arith.extui %sign3A_1144 : i1 to i32
        %sign3A_1146 = arith.constant 0 : i32
        %sign3A_1147 = arith.cmpi slt, %jit3A_1134, %sign3A_1146 : i32
        %sign3A_1148 = arith.extui %sign3A_1147 : i1 to i32
        %sign3A_1149 = arith.subi %sign3A_1145, %sign3A_1148 : i32
        %ne3A_1150 = arith.cmpi ne, %sign3A_1142, %sign3A_1149 : i32
        %rem3A_1151 = arith.remsi %add3A_1133, %jit3A_1134 : i32
        %ne3A_1152 = arith.constant 0 : i32
        %ne3A_1153 = arith.cmpi ne, %rem3A_1151, %ne3A_1152 : i32
        %and3A_1154 = arith.andi %ne3A_1150, %ne3A_1153 : i1
        %sub3A_1155 = arith.constant 1 : i32
        %sub3A_1156 = arith.subi %div3A_1135, %sub3A_1155 : i32
        %select_n3A_1157 = arith.select %and3A_1154, %sub3A_1156, %div3A_1135 : i32
        %rem3A_1158 = arith.constant 8 : i32
        %rem3A_1159 = arith.remsi %add3A_1133, %rem3A_1158 : i32
        %jit3A_1160 = arith.constant 8 : i32
        %div3A_1161 = arith.divsi %select_n3A_1157, %jit3A_1160 : i32
        %sign3A_1162 = arith.constant 0 : i32
        %sign3A_1163 = arith.cmpi sgt, %select_n3A_1157, %sign3A_1162 : i32
        %sign3A_1164 = arith.extui %sign3A_1163 : i1 to i32
        %sign3A_1165 = arith.constant 0 : i32
        %sign3A_1166 = arith.cmpi slt, %select_n3A_1157, %sign3A_1165 : i32
        %sign3A_1167 = arith.extui %sign3A_1166 : i1 to i32
        %sign3A_1168 = arith.subi %sign3A_1164, %sign3A_1167 : i32
        %sign3A_1169 = arith.constant 0 : i32
        %sign3A_1170 = arith.cmpi sgt, %jit3A_1160, %sign3A_1169 : i32
        %sign3A_1171 = arith.extui %sign3A_1170 : i1 to i32
        %sign3A_1172 = arith.constant 0 : i32
        %sign3A_1173 = arith.cmpi slt, %jit3A_1160, %sign3A_1172 : i32
        %sign3A_1174 = arith.extui %sign3A_1173 : i1 to i32
        %sign3A_1175 = arith.subi %sign3A_1171, %sign3A_1174 : i32
        %ne3A_1176 = arith.cmpi ne, %sign3A_1168, %sign3A_1175 : i32
        %rem3A_1177 = arith.remsi %select_n3A_1157, %jit3A_1160 : i32
        %ne3A_1178 = arith.constant 0 : i32
        %ne3A_1179 = arith.cmpi ne, %rem3A_1177, %ne3A_1178 : i32
        %and3A_1180 = arith.andi %ne3A_1176, %ne3A_1179 : i1
        %sub3A_1181 = arith.constant 1 : i32
        %sub3A_1182 = arith.subi %div3A_1161, %sub3A_1181 : i32
        %select_n3A_1183 = arith.select %and3A_1180, %sub3A_1182, %div3A_1161 : i32
        %sub3A_1184 = arith.subi %select_n3A_1183, %min3A_43 : i32
        %rem3A_1185 = arith.constant 8 : i32
        %rem3A_1186 = arith.remsi %select_n3A_1157, %rem3A_1185 : i32
        %dma_start3A_1187 = arith.constant 0 : i32
        %dma_start3A_1188 = arith.constant 0 : i32
        %dma_start3A_1189 = arith.constant 0 : i32
        %dma_start3A_1190 = arith.constant 0 : i32
        %dma_start3A_1191 = tpu.memref_slice %arg8[%dma_start3A_1187, %dma_start3A_1189, %dma_start3A_1190] : memref<5x128x64xf32, #tpu.memory_space<vmem>> -> memref<1x128x64xf32, #tpu.memory_space<vmem>>
        %dma_start3A_1192 = tpu.memref_squeeze %dma_start3A_1191 : memref<1x128x64xf32, #tpu.memory_space<vmem>> -> memref<128x64xf32, #tpu.memory_space<vmem>>
        %dma_start3A_1193 = arith.constant 0 : i32
        %dma_start3A_1194 = tpu.memref_slice %arg6[%sub3A_1184, %rem3A_1159, %rem3A_1186, %dma_start3A_1193] : memref<2x8x8x128xi32, #tpu.memory_space<vmem>> -> memref<1x1x1x128xi32, #tpu.memory_space<vmem>>
        %dma_start3A_1195 = tpu.memref_squeeze %dma_start3A_1194 : memref<1x1x1x128xi32, #tpu.memory_space<vmem>> -> memref<128xi32, #tpu.memory_space<vmem>>
        %dma_start3A_1196 = arith.constant 0 : i32
        %dma_start3A_1197 = arith.constant 0 : i32
        %dma_start3A_1198 = tpu.memref_slice %arg3[%dma_start3A_1196, %dma_start3A_1197] : memref<1000000x64xf32, #tpu.memory_space<hbm>> -> memref<1000000x64xf32, #tpu.memory_space<hbm>>
        %dma_start3A_1199 = tpu.memref_slice %arg9[%dma_start3A_1188] : memref<5x!tpu.dma_semaphore, #tpu.memory_space<semaphore_mem>> -> memref<1x!tpu.dma_semaphore, #tpu.memory_space<semaphore_mem>>
        %dma_start3A_1200 = tpu.memref_squeeze %dma_start3A_1199 : memref<1x!tpu.dma_semaphore, #tpu.memory_space<semaphore_mem>> -> memref<!tpu.dma_semaphore, #tpu.memory_space<semaphore_mem>>
        tpu.enqueue_indirect_dma source(%dma_start3A_1198 : memref<1000000x64xf32, #tpu.memory_space<hbm>>) target(%dma_start3A_1192 : memref<128x64xf32, #tpu.memory_space<vmem>>) offsets(%dma_start3A_1195 : memref<128xi32, #tpu.memory_space<vmem>>) semaphore(%dma_start3A_1200 : memref<!tpu.dma_semaphore, #tpu.memory_space<semaphore_mem>>)
      } else {
      }
      %add3A_796 = arith.addi %mul3A_2, %add3A_788 : i32
      %jit3A_797 = arith.constant 8 : i32
      %div3A_798 = arith.divsi %add3A_796, %jit3A_797 : i32
      %sign3A_799 = arith.constant 0 : i32
      %sign3A_800 = arith.cmpi sgt, %add3A_796, %sign3A_799 : i32
      %sign3A_801 = arith.extui %sign3A_800 : i1 to i32
      %sign3A_802 = arith.constant 0 : i32
      %sign3A_803 = arith.cmpi slt, %add3A_796, %sign3A_802 : i32
      %sign3A_804 = arith.extui %sign3A_803 : i1 to i32
      %sign3A_805 = arith.subi %sign3A_801, %sign3A_804 : i32
      %sign3A_806 = arith.constant 0 : i32
      %sign3A_807 = arith.cmpi sgt, %jit3A_797, %sign3A_806 : i32
      %sign3A_808 = arith.extui %sign3A_807 : i1 to i32
      %sign3A_809 = arith.constant 0 : i32
      %sign3A_810 = arith.cmpi slt, %jit3A_797, %sign3A_809 : i32
      %sign3A_811 = arith.extui %sign3A_810 : i1 to i32
      %sign3A_812 = arith.subi %sign3A_808, %sign3A_811 : i32
      %ne3A_813 = arith.cmpi ne, %sign3A_805, %sign3A_812 : i32
      %rem3A_814 = arith.remsi %add3A_796, %jit3A_797 : i32
      %ne3A_815 = arith.constant 0 : i32
      %ne3A_816 = arith.cmpi ne, %rem3A_814, %ne3A_815 : i32
      %and3A_817 = arith.andi %ne3A_813, %ne3A_816 : i1
      %sub3A_818 = arith.constant 1 : i32
      %sub3A_819 = arith.subi %div3A_798, %sub3A_818 : i32
      %select_n3A_820 = arith.select %and3A_817, %sub3A_819, %div3A_798 : i32
      %rem3A_821 = arith.constant 8 : i32
      %rem3A_822 = arith.remsi %add3A_796, %rem3A_821 : i32
      %jit3A_823 = arith.constant 8 : i32
      %div3A_824 = arith.divsi %select_n3A_820, %jit3A_823 : i32
      %sign3A_825 = arith.constant 0 : i32
      %sign3A_826 = arith.cmpi sgt, %select_n3A_820, %sign3A_825 : i32
      %sign3A_827 = arith.extui %sign3A_826 : i1 to i32
      %sign3A_828 = arith.constant 0 : i32
      %sign3A_829 = arith.cmpi slt, %select_n3A_820, %sign3A_828 : i32
      %sign3A_830 = arith.extui %sign3A_829 : i1 to i32
      %sign3A_831 = arith.subi %sign3A_827, %sign3A_830 : i32
      %sign3A_832 = arith.constant 0 : i32
      %sign3A_833 = arith.cmpi sgt, %jit3A_823, %sign3A_832 : i32
      %sign3A_834 = arith.extui %sign3A_833 : i1 to i32
      %sign3A_835 = arith.constant 0 : i32
      %sign3A_836 = arith.cmpi slt, %jit3A_823, %sign3A_835 : i32
      %sign3A_837 = arith.extui %sign3A_836 : i1 to i32
      %sign3A_838 = arith.subi %sign3A_834, %sign3A_837 : i32
      %ne3A_839 = arith.cmpi ne, %sign3A_831, %sign3A_838 : i32
      %rem3A_840 = arith.remsi %select_n3A_820, %jit3A_823 : i32
      %ne3A_841 = arith.constant 0 : i32
      %ne3A_842 = arith.cmpi ne, %rem3A_840, %ne3A_841 : i32
      %and3A_843 = arith.andi %ne3A_839, %ne3A_842 : i1
      %sub3A_844 = arith.constant 1 : i32
      %sub3A_845 = arith.subi %div3A_824, %sub3A_844 : i32
      %select_n3A_846 = arith.select %and3A_843, %sub3A_845, %div3A_824 : i32
      %sub3A_847 = arith.subi %select_n3A_846, %min3A_43 : i32
      %rem3A_848 = arith.constant 8 : i32
      %rem3A_849 = arith.remsi %select_n3A_820, %rem3A_848 : i32
      %dma_wait3A_850 = arith.constant 3 : i32
      %dma_wait3A_851 = arith.constant 3 : i32
      %dma_wait3A_852 = arith.constant 0 : i32
      %dma_wait3A_853 = arith.constant 0 : i32
      %dma_wait3A_854 = tpu.memref_slice %arg8[%dma_wait3A_850, %dma_wait3A_852, %dma_wait3A_853] : memref<5x128x64xf32, #tpu.memory_space<vmem>> -> memref<1x128x64xf32, #tpu.memory_space<vmem>>
      %dma_wait3A_855 = tpu.memref_squeeze %dma_wait3A_854 : memref<1x128x64xf32, #tpu.memory_space<vmem>> -> memref<128x64xf32, #tpu.memory_space<vmem>>
      %dma_wait3A_856 = arith.constant 0 : i32
      %dma_wait3A_857 = tpu.memref_slice %arg6[%sub3A_847, %rem3A_822, %rem3A_849, %dma_wait3A_856] : memref<2x8x8x128xi32, #tpu.memory_space<vmem>> -> memref<1x1x1x128xi32, #tpu.memory_space<vmem>>
      %dma_wait3A_858 = tpu.memref_squeeze %dma_wait3A_857 : memref<1x1x1x128xi32, #tpu.memory_space<vmem>> -> memref<128xi32, #tpu.memory_space<vmem>>
      %dma_wait3A_859 = arith.constant 0 : i32
      %dma_wait3A_860 = arith.constant 0 : i32
      %dma_wait3A_861 = tpu.memref_slice %arg3[%dma_wait3A_859, %dma_wait3A_860] : memref<1000000x64xf32, #tpu.memory_space<hbm>> -> memref<1000000x64xf32, #tpu.memory_space<hbm>>
      %dma_wait3A_862 = tpu.memref_slice %arg9[%dma_wait3A_851] : memref<5x!tpu.dma_semaphore, #tpu.memory_space<semaphore_mem>> -> memref<1x!tpu.dma_semaphore, #tpu.memory_space<semaphore_mem>>
      %dma_wait3A_863 = tpu.memref_squeeze %dma_wait3A_862 : memref<1x!tpu.dma_semaphore, #tpu.memory_space<semaphore_mem>> -> memref<!tpu.dma_semaphore, #tpu.memory_space<semaphore_mem>>
      tpu.wait_indirect_dma semaphore(%dma_wait3A_863 : memref<!tpu.dma_semaphore, #tpu.memory_space<semaphore_mem>>) src(%dma_wait3A_861 : memref<1000000x64xf32, #tpu.memory_space<hbm>>) dst(%dma_wait3A_855 : memref<128x64xf32, #tpu.memory_space<vmem>>)
      %add3A_864 = arith.addi %mul3A_2, %add3A_788 : i32
      %jit3A_865 = arith.constant 8 : i32
      %div3A_866 = arith.divsi %add3A_864, %jit3A_865 : i32
      %sign3A_867 = arith.constant 0 : i32
      %sign3A_868 = arith.cmpi sgt, %add3A_864, %sign3A_867 : i32
      %sign3A_869 = arith.extui %sign3A_868 : i1 to i32
      %sign3A_870 = arith.constant 0 : i32
      %sign3A_871 = arith.cmpi slt, %add3A_864, %sign3A_870 : i32
      %sign3A_872 = arith.extui %sign3A_871 : i1 to i32
      %sign3A_873 = arith.subi %sign3A_869, %sign3A_872 : i32
      %sign3A_874 = arith.constant 0 : i32
      %sign3A_875 = arith.cmpi sgt, %jit3A_865, %sign3A_874 : i32
      %sign3A_876 = arith.extui %sign3A_875 : i1 to i32
      %sign3A_877 = arith.constant 0 : i32
      %sign3A_878 = arith.cmpi slt, %jit3A_865, %sign3A_877 : i32
      %sign3A_879 = arith.extui %sign3A_878 : i1 to i32
      %sign3A_880 = arith.subi %sign3A_876, %sign3A_879 : i32
      %ne3A_881 = arith.cmpi ne, %sign3A_873, %sign3A_880 : i32
      %rem3A_882 = arith.remsi %add3A_864, %jit3A_865 : i32
      %ne3A_883 = arith.constant 0 : i32
      %ne3A_884 = arith.cmpi ne, %rem3A_882, %ne3A_883 : i32
      %and3A_885 = arith.andi %ne3A_881, %ne3A_884 : i1
      %sub3A_886 = arith.constant 1 : i32
      %sub3A_887 = arith.subi %div3A_866, %sub3A_886 : i32
      %select_n3A_888 = arith.select %and3A_885, %sub3A_887, %div3A_866 : i32
      %get3A_889 = arith.index_cast %select_n3A_888 : i32 to index
      %get3A_890 = arith.constant 0 : index
      %get3A_891 = tpu.vector_load %arg7[%get3A_889, %get3A_890] {strides = array<i32>} : memref<200x64xf32, #tpu.memory_space<vmem>>, vector<1x16xf32>,
      %get3A_892 = vector.shape_cast %get3A_891 : vector<1x16xf32> to vector<16xf32>
      %get3A_893 = arith.index_cast %select_n3A_888 : i32 to index
      %get3A_894 = arith.constant 16 : index
      %get3A_895 = tpu.vector_load %arg7[%get3A_893, %get3A_894] {strides = array<i32>} : memref<200x64xf32, #tpu.memory_space<vmem>>, vector<1x16xf32>,
      %get3A_896 = vector.shape_cast %get3A_895 : vector<1x16xf32> to vector<16xf32>
      %get3A_897 = arith.index_cast %select_n3A_888 : i32 to index
      %get3A_898 = arith.constant 32 : index
      %get3A_899 = tpu.vector_load %arg7[%get3A_897, %get3A_898] {strides = array<i32>} : memref<200x64xf32, #tpu.memory_space<vmem>>, vector<1x16xf32>,
      %get3A_900 = vector.shape_cast %get3A_899 : vector<1x16xf32> to vector<16xf32>
      %get3A_901 = arith.index_cast %select_n3A_888 : i32 to index
      %get3A_902 = arith.constant 48 : index
      %get3A_903 = tpu.vector_load %arg7[%get3A_901, %get3A_902] {strides = array<i32>} : memref<200x64xf32, #tpu.memory_space<vmem>>, vector<1x16xf32>,
      %get3A_904 = vector.shape_cast %get3A_903 : vector<1x16xf32> to vector<16xf32>
      %scan3A_905 = arith.constant 0 : i32
      %scan3A_906 = arith.constant 0 : i32
      %scan3A_907 = arith.constant 128 : i32
      %scan3A_908 = arith.addi %scan3A_906, %scan3A_907 : i32
      %scan3A_909 = arith.constant 4 : i32
      scf.for %scan3A_1127 = %scan3A_906 to %scan3A_908 step %scan3A_909  : i32 {
        %get3A_1128 = arith.constant 3 : i32
        %get3A_1129 = arith.index_cast %get3A_1128 : i32 to index
        %get3A_1130 = arith.index_cast %scan3A_1127 : i32 to index
        %get3A_1131 = arith.constant 0 : index
        %get3A_1132 = tpu.vector_load %arg8[%get3A_1129, %get3A_1130, %get3A_1131] {strides = array<i32>} : memref<5x128x64xf32, #tpu.memory_space<vmem>>, vector<1x1x16xf32>,
        %get3A_1133 = vector.shape_cast %get3A_1132 : vector<1x1x16xf32> to vector<16xf32>
        %add3A_1134 = arith.addf %get3A_1133, %get3A_892 : vector<16xf32>
        %swap3A = arith.constant 3 : i32
        %swap3A_1135 = arith.index_cast %swap3A : i32 to index
        %swap3A_1136 = arith.index_cast %scan3A_1127 : i32 to index
        %swap3A_1137 = arith.constant 0 : index
        %swap3A_1138 = tpu.vector_load %arg8[%swap3A_1135, %swap3A_1136, %swap3A_1137] {strides = array<i32>} : memref<5x128x64xf32, #tpu.memory_space<vmem>>, vector<1x1x16xf32>,
        %swap3A_1139 = vector.shape_cast %swap3A_1138 : vector<1x1x16xf32> to vector<16xf32>
        %swap3A_1140 = vector.shape_cast %add3A_1134 : vector<16xf32> to vector<1x1x16xf32>
        tpu.vector_store %arg8[%swap3A_1135, %swap3A_1136, %swap3A_1137], %swap3A_1140 {strides = array<i32>} : memref<5x128x64xf32, #tpu.memory_space<vmem>>, vector<1x1x16xf32>,
        %get3A_1141 = arith.constant 3 : i32
        %get3A_1142 = arith.index_cast %get3A_1141 : i32 to index
        %get3A_1143 = arith.index_cast %scan3A_1127 : i32 to index
        %get3A_1144 = arith.constant 16 : index
        %get3A_1145 = tpu.vector_load %arg8[%get3A_1142, %get3A_1143, %get3A_1144] {strides = array<i32>} : memref<5x128x64xf32, #tpu.memory_space<vmem>>, vector<1x1x16xf32>,
        %get3A_1146 = vector.shape_cast %get3A_1145 : vector<1x1x16xf32> to vector<16xf32>
        %add3A_1147 = arith.addf %get3A_1146, %get3A_896 : vector<16xf32>
        %swap3A_1148 = arith.constant 3 : i32
        %swap3A_1149 = arith.index_cast %swap3A_1148 : i32 to index
        %swap3A_1150 = arith.index_cast %scan3A_1127 : i32 to index
        %swap3A_1151 = arith.constant 16 : index
        %swap3A_1152 = tpu.vector_load %arg8[%swap3A_1149, %swap3A_1150, %swap3A_1151] {strides = array<i32>} : memref<5x128x64xf32, #tpu.memory_space<vmem>>, vector<1x1x16xf32>,
        %swap3A_1153 = vector.shape_cast %swap3A_1152 : vector<1x1x16xf32> to vector<16xf32>
        %swap3A_1154 = vector.shape_cast %add3A_1147 : vector<16xf32> to vector<1x1x16xf32>
        tpu.vector_store %arg8[%swap3A_1149, %swap3A_1150, %swap3A_1151], %swap3A_1154 {strides = array<i32>} : memref<5x128x64xf32, #tpu.memory_space<vmem>>, vector<1x1x16xf32>,
        %get3A_1155 = arith.constant 3 : i32
        %get3A_1156 = arith.index_cast %get3A_1155 : i32 to index
        %get3A_1157 = arith.index_cast %scan3A_1127 : i32 to index
        %get3A_1158 = arith.constant 32 : index
        %get3A_1159 = tpu.vector_load %arg8[%get3A_1156, %get3A_1157, %get3A_1158] {strides = array<i32>} : memref<5x128x64xf32, #tpu.memory_space<vmem>>, vector<1x1x16xf32>,
        %get3A_1160 = vector.shape_cast %get3A_1159 : vector<1x1x16xf32> to vector<16xf32>
        %add3A_1161 = arith.addf %get3A_1160, %get3A_900 : vector<16xf32>
        %swap3A_1162 = arith.constant 3 : i32
        %swap3A_1163 = arith.index_cast %swap3A_1162 : i32 to index
        %swap3A_1164 = arith.index_cast %scan3A_1127 : i32 to index
        %swap3A_1165 = arith.constant 32 : index
        %swap3A_1166 = tpu.vector_load %arg8[%swap3A_1163, %swap3A_1164, %swap3A_1165] {strides = array<i32>} : memref<5x128x64xf32, #tpu.memory_space<vmem>>, vector<1x1x16xf32>,
        %swap3A_1167 = vector.shape_cast %swap3A_1166 : vector<1x1x16xf32> to vector<16xf32>
        %swap3A_1168 = vector.shape_cast %add3A_1161 : vector<16xf32> to vector<1x1x16xf32>
        tpu.vector_store %arg8[%swap3A_1163, %swap3A_1164, %swap3A_1165], %swap3A_1168 {strides = array<i32>} : memref<5x128x64xf32, #tpu.memory_space<vmem>>, vector<1x1x16xf32>,
        %get3A_1169 = arith.constant 3 : i32
        %get3A_1170 = arith.index_cast %get3A_1169 : i32 to index
        %get3A_1171 = arith.index_cast %scan3A_1127 : i32 to index
        %get3A_1172 = arith.constant 48 : index
        %get3A_1173 = tpu.vector_load %arg8[%get3A_1170, %get3A_1171, %get3A_1172] {strides = array<i32>} : memref<5x128x64xf32, #tpu.memory_space<vmem>>, vector<1x1x16xf32>,
        %get3A_1174 = vector.shape_cast %get3A_1173 : vector<1x1x16xf32> to vector<16xf32>
        %add3A_1175 = arith.addf %get3A_1174, %get3A_904 : vector<16xf32>
        %swap3A_1176 = arith.constant 3 : i32
        %swap3A_1177 = arith.index_cast %swap3A_1176 : i32 to index
        %swap3A_1178 = arith.index_cast %scan3A_1127 : i32 to index
        %swap3A_1179 = arith.constant 48 : index
        %swap3A_1180 = tpu.vector_load %arg8[%swap3A_1177, %swap3A_1178, %swap3A_1179] {strides = array<i32>} : memref<5x128x64xf32, #tpu.memory_space<vmem>>, vector<1x1x16xf32>,
        %swap3A_1181 = vector.shape_cast %swap3A_1180 : vector<1x1x16xf32> to vector<16xf32>
        %swap3A_1182 = vector.shape_cast %add3A_1175 : vector<16xf32> to vector<1x1x16xf32>
        tpu.vector_store %arg8[%swap3A_1177, %swap3A_1178, %swap3A_1179], %swap3A_1182 {strides = array<i32>} : memref<5x128x64xf32, #tpu.memory_space<vmem>>, vector<1x1x16xf32>,
        %scan3A_1183 = arith.constant 1 : i32
        %scan3A_1184 = arith.addi %scan3A_1127, %scan3A_1183 : i32
        %get3A_1185 = arith.constant 3 : i32
        %get3A_1186 = arith.index_cast %get3A_1185 : i32 to index
        %get3A_1187 = arith.index_cast %scan3A_1184 : i32 to index
        %get3A_1188 = arith.constant 0 : index
        %get3A_1189 = tpu.vector_load %arg8[%get3A_1186, %get3A_1187, %get3A_1188] {strides = array<i32>} : memref<5x128x64xf32, #tpu.memory_space<vmem>>, vector<1x1x16xf32>,
        %get3A_1190 = vector.shape_cast %get3A_1189 : vector<1x1x16xf32> to vector<16xf32>
        %add3A_1191 = arith.addf %get3A_1190, %get3A_892 : vector<16xf32>
        %swap3A_1192 = arith.constant 3 : i32
        %swap3A_1193 = arith.index_cast %swap3A_1192 : i32 to index
        %swap3A_1194 = arith.index_cast %scan3A_1184 : i32 to index
        %swap3A_1195 = arith.constant 0 : index
        %swap3A_1196 = tpu.vector_load %arg8[%swap3A_1193, %swap3A_1194, %swap3A_1195] {strides = array<i32>} : memref<5x128x64xf32, #tpu.memory_space<vmem>>, vector<1x1x16xf32>,
        %swap3A_1197 = vector.shape_cast %swap3A_1196 : vector<1x1x16xf32> to vector<16xf32>
        %swap3A_1198 = vector.shape_cast %add3A_1191 : vector<16xf32> to vector<1x1x16xf32>
        tpu.vector_store %arg8[%swap3A_1193, %swap3A_1194, %swap3A_1195], %swap3A_1198 {strides = array<i32>} : memref<5x128x64xf32, #tpu.memory_space<vmem>>, vector<1x1x16xf32>,
        %get3A_1199 = arith.constant 3 : i32
        %get3A_1200 = arith.index_cast %get3A_1199 : i32 to index
        %get3A_1201 = arith.index_cast %scan3A_1184 : i32 to index
        %get3A_1202 = arith.constant 16 : index
        %get3A_1203 = tpu.vector_load %arg8[%get3A_1200, %get3A_1201, %get3A_1202] {strides = array<i32>} : memref<5x128x64xf32, #tpu.memory_space<vmem>>, vector<1x1x16xf32>,
        %get3A_1204 = vector.shape_cast %get3A_1203 : vector<1x1x16xf32> to vector<16xf32>
        %add3A_1205 = arith.addf %get3A_1204, %get3A_896 : vector<16xf32>
        %swap3A_1206 = arith.constant 3 : i32
        %swap3A_1207 = arith.index_cast %swap3A_1206 : i32 to index
        %swap3A_1208 = arith.index_cast %scan3A_1184 : i32 to index
        %swap3A_1209 = arith.constant 16 : index
        %swap3A_1210 = tpu.vector_load %arg8[%swap3A_1207, %swap3A_1208, %swap3A_1209] {strides = array<i32>} : memref<5x128x64xf32, #tpu.memory_space<vmem>>, vector<1x1x16xf32>,
        %swap3A_1211 = vector.shape_cast %swap3A_1210 : vector<1x1x16xf32> to vector<16xf32>
        %swap3A_1212 = vector.shape_cast %add3A_1205 : vector<16xf32> to vector<1x1x16xf32>
        tpu.vector_store %arg8[%swap3A_1207, %swap3A_1208, %swap3A_1209], %swap3A_1212 {strides = array<i32>} : memref<5x128x64xf32, #tpu.memory_space<vmem>>, vector<1x1x16xf32>,
        %get3A_1213 = arith.constant 3 : i32
        %get3A_1214 = arith.index_cast %get3A_1213 : i32 to index
        %get3A_1215 = arith.index_cast %scan3A_1184 : i32 to index
        %get3A_1216 = arith.constant 32 : index
        %get3A_1217 = tpu.vector_load %arg8[%get3A_1214, %get3A_1215, %get3A_1216] {strides = array<i32>} : memref<5x128x64xf32, #tpu.memory_space<vmem>>, vector<1x1x16xf32>,
        %get3A_1218 = vector.shape_cast %get3A_1217 : vector<1x1x16xf32> to vector<16xf32>
        %add3A_1219 = arith.addf %get3A_1218, %get3A_900 : vector<16xf32>
        %swap3A_1220 = arith.constant 3 : i32
        %swap3A_1221 = arith.index_cast %swap3A_1220 : i32 to index
        %swap3A_1222 = arith.index_cast %scan3A_1184 : i32 to index
        %swap3A_1223 = arith.constant 32 : index
        %swap3A_1224 = tpu.vector_load %arg8[%swap3A_1221, %swap3A_1222, %swap3A_1223] {strides = array<i32>} : memref<5x128x64xf32, #tpu.memory_space<vmem>>, vector<1x1x16xf32>,
        %swap3A_1225 = vector.shape_cast %swap3A_1224 : vector<1x1x16xf32> to vector<16xf32>
        %swap3A_1226 = vector.shape_cast %add3A_1219 : vector<16xf32> to vector<1x1x16xf32>
        tpu.vector_store %arg8[%swap3A_1221, %swap3A_1222, %swap3A_1223], %swap3A_1226 {strides = array<i32>} : memref<5x128x64xf32, #tpu.memory_space<vmem>>, vector<1x1x16xf32>,
        %get3A_1227 = arith.constant 3 : i32
        %get3A_1228 = arith.index_cast %get3A_1227 : i32 to index
        %get3A_1229 = arith.index_cast %scan3A_1184 : i32 to index
        %get3A_1230 = arith.constant 48 : index
        %get3A_1231 = tpu.vector_load %arg8[%get3A_1228, %get3A_1229, %get3A_1230] {strides = array<i32>} : memref<5x128x64xf32, #tpu.memory_space<vmem>>, vector<1x1x16xf32>,
        %get3A_1232 = vector.shape_cast %get3A_1231 : vector<1x1x16xf32> to vector<16xf32>
        %add3A_1233 = arith.addf %get3A_1232, %get3A_904 : vector<16xf32>
        %swap3A_1234 = arith.constant 3 : i32
        %swap3A_1235 = arith.index_cast %swap3A_1234 : i32 to index
        %swap3A_1236 = arith.index_cast %scan3A_1184 : i32 to index
        %swap3A_1237 = arith.constant 48 : index
        %swap3A_1238 = tpu.vector_load %arg8[%swap3A_1235, %swap3A_1236, %swap3A_1237] {strides = array<i32>} : memref<5x128x64xf32, #tpu.memory_space<vmem>>, vector<1x1x16xf32>,
        %swap3A_1239 = vector.shape_cast %swap3A_1238 : vector<1x1x16xf32> to vector<16xf32>
        %swap3A_1240 = vector.shape_cast %add3A_1233 : vector<16xf32> to vector<1x1x16xf32>
        tpu.vector_store %arg8[%swap3A_1235, %swap3A_1236, %swap3A_1237], %swap3A_1240 {strides = array<i32>} : memref<5x128x64xf32, #tpu.memory_space<vmem>>, vector<1x1x16xf32>,
        %scan3A_1241 = arith.constant 2 : i32
        %scan3A_1242 = arith.addi %scan3A_1127, %scan3A_1241 : i32
        %get3A_1243 = arith.constant 3 : i32
        %get3A_1244 = arith.index_cast %get3A_1243 : i32 to index
        %get3A_1245 = arith.index_cast %scan3A_1242 : i32 to index
        %get3A_1246 = arith.constant 0 : index
        %get3A_1247 = tpu.vector_load %arg8[%get3A_1244, %get3A_1245, %get3A_1246] {strides = array<i32>} : memref<5x128x64xf32, #tpu.memory_space<vmem>>, vector<1x1x16xf32>,
        %get3A_1248 = vector.shape_cast %get3A_1247 : vector<1x1x16xf32> to vector<16xf32>
        %add3A_1249 = arith.addf %get3A_1248, %get3A_892 : vector<16xf32>
        %swap3A_1250 = arith.constant 3 : i32
        %swap3A_1251 = arith.index_cast %swap3A_1250 : i32 to index
        %swap3A_1252 = arith.index_cast %scan3A_1242 : i32 to index
        %swap3A_1253 = arith.constant 0 : index
        %swap3A_1254 = tpu.vector_load %arg8[%swap3A_1251, %swap3A_1252, %swap3A_1253] {strides = array<i32>} : memref<5x128x64xf32, #tpu.memory_space<vmem>>, vector<1x1x16xf32>,
        %swap3A_1255 = vector.shape_cast %swap3A_1254 : vector<1x1x16xf32> to vector<16xf32>
        %swap3A_1256 = vector.shape_cast %add3A_1249 : vector<16xf32> to vector<1x1x16xf32>
        tpu.vector_store %arg8[%swap3A_1251, %swap3A_1252, %swap3A_1253], %swap3A_1256 {strides = array<i32>} : memref<5x128x64xf32, #tpu.memory_space<vmem>>, vector<1x1x16xf32>,
        %get3A_1257 = arith.constant 3 : i32
        %get3A_1258 = arith.index_cast %get3A_1257 : i32 to index
        %get3A_1259 = arith.index_cast %scan3A_1242 : i32 to index
        %get3A_1260 = arith.constant 16 : index
        %get3A_1261 = tpu.vector_load %arg8[%get3A_1258, %get3A_1259, %get3A_1260] {strides = array<i32>} : memref<5x128x64xf32, #tpu.memory_space<vmem>>, vector<1x1x16xf32>,
        %get3A_1262 = vector.shape_cast %get3A_1261 : vector<1x1x16xf32> to vector<16xf32>
        %add3A_1263 = arith.addf %get3A_1262, %get3A_896 : vector<16xf32>
        %swap3A_1264 = arith.constant 3 : i32
        %swap3A_1265 = arith.index_cast %swap3A_1264 : i32 to index
        %swap3A_1266 = arith.index_cast %scan3A_1242 : i32 to index
        %swap3A_1267 = arith.constant 16 : index
        %swap3A_1268 = tpu.vector_load %arg8[%swap3A_1265, %swap3A_1266, %swap3A_1267] {strides = array<i32>} : memref<5x128x64xf32, #tpu.memory_space<vmem>>, vector<1x1x16xf32>,
        %swap3A_1269 = vector.shape_cast %swap3A_1268 : vector<1x1x16xf32> to vector<16xf32>
        %swap3A_1270 = vector.shape_cast %add3A_1263 : vector<16xf32> to vector<1x1x16xf32>
        tpu.vector_store %arg8[%swap3A_1265, %swap3A_1266, %swap3A_1267], %swap3A_1270 {strides = array<i32>} : memref<5x128x64xf32, #tpu.memory_space<vmem>>, vector<1x1x16xf32>,
        %get3A_1271 = arith.constant 3 : i32
        %get3A_1272 = arith.index_cast %get3A_1271 : i32 to index
        %get3A_1273 = arith.index_cast %scan3A_1242 : i32 to index
        %get3A_1274 = arith.constant 32 : index
        %get3A_1275 = tpu.vector_load %arg8[%get3A_1272, %get3A_1273, %get3A_1274] {strides = array<i32>} : memref<5x128x64xf32, #tpu.memory_space<vmem>>, vector<1x1x16xf32>,
        %get3A_1276 = vector.shape_cast %get3A_1275 : vector<1x1x16xf32> to vector<16xf32>
        %add3A_1277 = arith.addf %get3A_1276, %get3A_900 : vector<16xf32>
        %swap3A_1278 = arith.constant 3 : i32
        %swap3A_1279 = arith.index_cast %swap3A_1278 : i32 to index
        %swap3A_1280 = arith.index_cast %scan3A_1242 : i32 to index
        %swap3A_1281 = arith.constant 32 : index
        %swap3A_1282 = tpu.vector_load %arg8[%swap3A_1279, %swap3A_1280, %swap3A_1281] {strides = array<i32>} : memref<5x128x64xf32, #tpu.memory_space<vmem>>, vector<1x1x16xf32>,
        %swap3A_1283 = vector.shape_cast %swap3A_1282 : vector<1x1x16xf32> to vector<16xf32>
        %swap3A_1284 = vector.shape_cast %add3A_1277 : vector<16xf32> to vector<1x1x16xf32>
        tpu.vector_store %arg8[%swap3A_1279, %swap3A_1280, %swap3A_1281], %swap3A_1284 {strides = array<i32>} : memref<5x128x64xf32, #tpu.memory_space<vmem>>, vector<1x1x16xf32>,
        %get3A_1285 = arith.constant 3 : i32
        %get3A_1286 = arith.index_cast %get3A_1285 : i32 to index
        %get3A_1287 = arith.index_cast %scan3A_1242 : i32 to index
        %get3A_1288 = arith.constant 48 : index
        %get3A_1289 = tpu.vector_load %arg8[%get3A_1286, %get3A_1287, %get3A_1288] {strides = array<i32>} : memref<5x128x64xf32, #tpu.memory_space<vmem>>, vector<1x1x16xf32>,
        %get3A_1290 = vector.shape_cast %get3A_1289 : vector<1x1x16xf32> to vector<16xf32>
        %add3A_1291 = arith.addf %get3A_1290, %get3A_904 : vector<16xf32>
        %swap3A_1292 = arith.constant 3 : i32
        %swap3A_1293 = arith.index_cast %swap3A_1292 : i32 to index
        %swap3A_1294 = arith.index_cast %scan3A_1242 : i32 to index
        %swap3A_1295 = arith.constant 48 : index
        %swap3A_1296 = tpu.vector_load %arg8[%swap3A_1293, %swap3A_1294, %swap3A_1295] {strides = array<i32>} : memref<5x128x64xf32, #tpu.memory_space<vmem>>, vector<1x1x16xf32>,
        %swap3A_1297 = vector.shape_cast %swap3A_1296 : vector<1x1x16xf32> to vector<16xf32>
        %swap3A_1298 = vector.shape_cast %add3A_1291 : vector<16xf32> to vector<1x1x16xf32>
        tpu.vector_store %arg8[%swap3A_1293, %swap3A_1294, %swap3A_1295], %swap3A_1298 {strides = array<i32>} : memref<5x128x64xf32, #tpu.memory_space<vmem>>, vector<1x1x16xf32>,
        %scan3A_1299 = arith.constant 3 : i32
        %scan3A_1300 = arith.addi %scan3A_1127, %scan3A_1299 : i32
        %get3A_1301 = arith.constant 3 : i32
        %get3A_1302 = arith.index_cast %get3A_1301 : i32 to index
        %get3A_1303 = arith.index_cast %scan3A_1300 : i32 to index
        %get3A_1304 = arith.constant 0 : index
        %get3A_1305 = tpu.vector_load %arg8[%get3A_1302, %get3A_1303, %get3A_1304] {strides = array<i32>} : memref<5x128x64xf32, #tpu.memory_space<vmem>>, vector<1x1x16xf32>,
        %get3A_1306 = vector.shape_cast %get3A_1305 : vector<1x1x16xf32> to vector<16xf32>
        %add3A_1307 = arith.addf %get3A_1306, %get3A_892 : vector<16xf32>
        %swap3A_1308 = arith.constant 3 : i32
        %swap3A_1309 = arith.index_cast %swap3A_1308 : i32 to index
        %swap3A_1310 = arith.index_cast %scan3A_1300 : i32 to index
        %swap3A_1311 = arith.constant 0 : index
        %swap3A_1312 = tpu.vector_load %arg8[%swap3A_1309, %swap3A_1310, %swap3A_1311] {strides = array<i32>} : memref<5x128x64xf32, #tpu.memory_space<vmem>>, vector<1x1x16xf32>,
        %swap3A_1313 = vector.shape_cast %swap3A_1312 : vector<1x1x16xf32> to vector<16xf32>
        %swap3A_1314 = vector.shape_cast %add3A_1307 : vector<16xf32> to vector<1x1x16xf32>
        tpu.vector_store %arg8[%swap3A_1309, %swap3A_1310, %swap3A_1311], %swap3A_1314 {strides = array<i32>} : memref<5x128x64xf32, #tpu.memory_space<vmem>>, vector<1x1x16xf32>,
        %get3A_1315 = arith.constant 3 : i32
        %get3A_1316 = arith.index_cast %get3A_1315 : i32 to index
        %get3A_1317 = arith.index_cast %scan3A_1300 : i32 to index
        %get3A_1318 = arith.constant 16 : index
        %get3A_1319 = tpu.vector_load %arg8[%get3A_1316, %get3A_1317, %get3A_1318] {strides = array<i32>} : memref<5x128x64xf32, #tpu.memory_space<vmem>>, vector<1x1x16xf32>,
        %get3A_1320 = vector.shape_cast %get3A_1319 : vector<1x1x16xf32> to vector<16xf32>
        %add3A_1321 = arith.addf %get3A_1320, %get3A_896 : vector<16xf32>
        %swap3A_1322 = arith.constant 3 : i32
        %swap3A_1323 = arith.index_cast %swap3A_1322 : i32 to index
        %swap3A_1324 = arith.index_cast %scan3A_1300 : i32 to index
        %swap3A_1325 = arith.constant 16 : index
        %swap3A_1326 = tpu.vector_load %arg8[%swap3A_1323, %swap3A_1324, %swap3A_1325] {strides = array<i32>} : memref<5x128x64xf32, #tpu.memory_space<vmem>>, vector<1x1x16xf32>,
        %swap3A_1327 = vector.shape_cast %swap3A_1326 : vector<1x1x16xf32> to vector<16xf32>
        %swap3A_1328 = vector.shape_cast %add3A_1321 : vector<16xf32> to vector<1x1x16xf32>
        tpu.vector_store %arg8[%swap3A_1323, %swap3A_1324, %swap3A_1325], %swap3A_1328 {strides = array<i32>} : memref<5x128x64xf32, #tpu.memory_space<vmem>>, vector<1x1x16xf32>,
        %get3A_1329 = arith.constant 3 : i32
        %get3A_1330 = arith.index_cast %get3A_1329 : i32 to index
        %get3A_1331 = arith.index_cast %scan3A_1300 : i32 to index
        %get3A_1332 = arith.constant 32 : index
        %get3A_1333 = tpu.vector_load %arg8[%get3A_1330, %get3A_1331, %get3A_1332] {strides = array<i32>} : memref<5x128x64xf32, #tpu.memory_space<vmem>>, vector<1x1x16xf32>,
        %get3A_1334 = vector.shape_cast %get3A_1333 : vector<1x1x16xf32> to vector<16xf32>
        %add3A_1335 = arith.addf %get3A_1334, %get3A_900 : vector<16xf32>
        %swap3A_1336 = arith.constant 3 : i32
        %swap3A_1337 = arith.index_cast %swap3A_1336 : i32 to index
        %swap3A_1338 = arith.index_cast %scan3A_1300 : i32 to index
        %swap3A_1339 = arith.constant 32 : index
        %swap3A_1340 = tpu.vector_load %arg8[%swap3A_1337, %swap3A_1338, %swap3A_1339] {strides = array<i32>} : memref<5x128x64xf32, #tpu.memory_space<vmem>>, vector<1x1x16xf32>,
        %swap3A_1341 = vector.shape_cast %swap3A_1340 : vector<1x1x16xf32> to vector<16xf32>
        %swap3A_1342 = vector.shape_cast %add3A_1335 : vector<16xf32> to vector<1x1x16xf32>
        tpu.vector_store %arg8[%swap3A_1337, %swap3A_1338, %swap3A_1339], %swap3A_1342 {strides = array<i32>} : memref<5x128x64xf32, #tpu.memory_space<vmem>>, vector<1x1x16xf32>,
        %get3A_1343 = arith.constant 3 : i32
        %get3A_1344 = arith.index_cast %get3A_1343 : i32 to index
        %get3A_1345 = arith.index_cast %scan3A_1300 : i32 to index
        %get3A_1346 = arith.constant 48 : index
        %get3A_1347 = tpu.vector_load %arg8[%get3A_1344, %get3A_1345, %get3A_1346] {strides = array<i32>} : memref<5x128x64xf32, #tpu.memory_space<vmem>>, vector<1x1x16xf32>,
        %get3A_1348 = vector.shape_cast %get3A_1347 : vector<1x1x16xf32> to vector<16xf32>
        %add3A_1349 = arith.addf %get3A_1348, %get3A_904 : vector<16xf32>
        %swap3A_1350 = arith.constant 3 : i32
        %swap3A_1351 = arith.index_cast %swap3A_1350 : i32 to index
        %swap3A_1352 = arith.index_cast %scan3A_1300 : i32 to index
        %swap3A_1353 = arith.constant 48 : index
        %swap3A_1354 = tpu.vector_load %arg8[%swap3A_1351, %swap3A_1352, %swap3A_1353] {strides = array<i32>} : memref<5x128x64xf32, #tpu.memory_space<vmem>>, vector<1x1x16xf32>,
        %swap3A_1355 = vector.shape_cast %swap3A_1354 : vector<1x1x16xf32> to vector<16xf32>
        %swap3A_1356 = vector.shape_cast %add3A_1349 : vector<16xf32> to vector<1x1x16xf32>
        tpu.vector_store %arg8[%swap3A_1351, %swap3A_1352, %swap3A_1353], %swap3A_1356 {strides = array<i32>} : memref<5x128x64xf32, #tpu.memory_space<vmem>>, vector<1x1x16xf32>,
      }
      %scan3A_910 = arith.constant 128 : i32
      %add3A_911 = arith.addi %mul3A_2, %add3A_788 : i32
      %jit3A_912 = arith.constant 8 : i32
      %div3A_913 = arith.divsi %add3A_911, %jit3A_912 : i32
      %sign3A_914 = arith.constant 0 : i32
      %sign3A_915 = arith.cmpi sgt, %add3A_911, %sign3A_914 : i32
      %sign3A_916 = arith.extui %sign3A_915 : i1 to i32
      %sign3A_917 = arith.constant 0 : i32
      %sign3A_918 = arith.cmpi slt, %add3A_911, %sign3A_917 : i32
      %sign3A_919 = arith.extui %sign3A_918 : i1 to i32
      %sign3A_920 = arith.subi %sign3A_916, %sign3A_919 : i32
      %sign3A_921 = arith.constant 0 : i32
      %sign3A_922 = arith.cmpi sgt, %jit3A_912, %sign3A_921 : i32
      %sign3A_923 = arith.extui %sign3A_922 : i1 to i32
      %sign3A_924 = arith.constant 0 : i32
      %sign3A_925 = arith.cmpi slt, %jit3A_912, %sign3A_924 : i32
      %sign3A_926 = arith.extui %sign3A_925 : i1 to i32
      %sign3A_927 = arith.subi %sign3A_923, %sign3A_926 : i32
      %ne3A_928 = arith.cmpi ne, %sign3A_920, %sign3A_927 : i32
      %rem3A_929 = arith.remsi %add3A_911, %jit3A_912 : i32
      %ne3A_930 = arith.constant 0 : i32
      %ne3A_931 = arith.cmpi ne, %rem3A_929, %ne3A_930 : i32
      %and3A_932 = arith.andi %ne3A_928, %ne3A_931 : i1
      %sub3A_933 = arith.constant 1 : i32
      %sub3A_934 = arith.subi %div3A_913, %sub3A_933 : i32
      %select_n3A_935 = arith.select %and3A_932, %sub3A_934, %div3A_913 : i32
      %rem3A_936 = arith.constant 8 : i32
      %rem3A_937 = arith.remsi %add3A_911, %rem3A_936 : i32
      %mul3A_938 = arith.constant 128 : i32
      %mul3A_939 = arith.muli %rem3A_937, %mul3A_938 : i32
      %mul3A_940 = arith.constant 64 : i32
      %mul3A_941 = arith.muli %select_n3A_935, %mul3A_940 : i32
      %dma_start3A_942 = arith.constant 3 : i32
      %dma_start3A_943 = arith.constant 3 : i32
      %dma_start3A_944 = arith.constant 0 : i32
      %dma_start3A_945 = arith.constant 0 : i32
      %dma_start3A_946 = tpu.memref_slice %arg8[%dma_start3A_942, %dma_start3A_944, %dma_start3A_945] : memref<5x128x64xf32, #tpu.memory_space<vmem>> -> memref<1x128x64xf32, #tpu.memory_space<vmem>>
      %dma_start3A_947 = tpu.memref_squeeze %dma_start3A_946 : memref<1x128x64xf32, #tpu.memory_space<vmem>> -> memref<128x64xf32, #tpu.memory_space<vmem>>
      %dma_start3A_948 = tpu.memref_slice %arg5[%mul3A_939, %mul3A_941] : memref<1024x12800xf32, #tpu.memory_space<hbm>> -> memref<128x64xf32, #tpu.memory_space<hbm>>
      %dma_start3A_949 = tpu.memref_slice %arg10[%dma_start3A_943] : memref<5x!tpu.dma_semaphore, #tpu.memory_space<semaphore_mem>> -> memref<1x!tpu.dma_semaphore, #tpu.memory_space<semaphore_mem>>
      %dma_start3A_950 = tpu.memref_squeeze %dma_start3A_949 : memref<1x!tpu.dma_semaphore, #tpu.memory_space<semaphore_mem>> -> memref<!tpu.dma_semaphore, #tpu.memory_space<semaphore_mem>>
      %dma_start3A_951 = tpu.memref_slice %arg5[%mul3A_939, %mul3A_941] : memref<1024x12800xf32, #tpu.memory_space<hbm>> -> memref<128x64xf32, #tpu.memory_space<hbm>>
      %dma_start3A_952 = arith.constant 0 : i32
      %dma_start3A_953 = arith.constant 0 : i32
      %dma_start3A_954 = tpu.memref_slice %arg8[%dma_start3A_942, %dma_start3A_952, %dma_start3A_953] : memref<5x128x64xf32, #tpu.memory_space<vmem>> -> memref<1x128x64xf32, #tpu.memory_space<vmem>>
      %dma_start3A_955 = tpu.memref_squeeze %dma_start3A_954 : memref<1x128x64xf32, #tpu.memory_space<vmem>> -> memref<128x64xf32, #tpu.memory_space<vmem>>
      tpu.enqueue_dma source(%dma_start3A_955 : memref<128x64xf32, #tpu.memory_space<vmem>>) target(%dma_start3A_951 : memref<128x64xf32, #tpu.memory_space<hbm>>) target_semaphore(%dma_start3A_950 : memref<!tpu.dma_semaphore, #tpu.memory_space<semaphore_mem>>)
      %mul3A_956 = arith.constant 5 : i32
      %mul3A_957 = arith.muli %scan3A_275, %mul3A_956 : i32
      %add3A_958 = arith.constant 4 : i32
      %add3A_959 = arith.addi %mul3A_957, %add3A_958 : i32
      %add3A_960 = arith.constant 2 : i32
      %add3A_961 = arith.addi %add3A_959, %add3A_960 : i32
      %lt3A_962 = arith.constant 50 : i32
      %lt3A_963 = arith.cmpi slt, %add3A_961, %lt3A_962 : i32
      %convert_element_type3A_964 = arith.extui %lt3A_963 : i1 to i32
      %cond3A_965 = arith.constant 0 : i32
      %cond3A_966 = arith.cmpi ne, %convert_element_type3A_964, %cond3A_965 : i32
      scf.if %cond3A_966 {
        %ge3A = arith.constant 3 : i32
        %ge3A_1127 = arith.cmpi sge, %add3A_959, %ge3A : i32
        %convert_element_type3A_1128 = arith.extui %ge3A_1127 : i1 to i32
        %cond3A_1129 = arith.constant 0 : i32
        %cond3A_1130 = arith.cmpi ne, %convert_element_type3A_1128, %cond3A_1129 : i32
        scf.if %cond3A_1130 {
          %dma_wait3A_1201 = arith.constant 1 : i32
          %dma_wait3A_1202 = arith.constant 1 : i32
          %dma_wait3A_1203 = arith.constant 0 : i32
          %dma_wait3A_1204 = arith.constant 0 : i32
          %dma_wait3A_1205 = tpu.memref_slice %arg8[%dma_wait3A_1201, %dma_wait3A_1203, %dma_wait3A_1204] : memref<5x128x64xf32, #tpu.memory_space<vmem>> -> memref<1x128x64xf32, #tpu.memory_space<vmem>>
          %dma_wait3A_1206 = tpu.memref_squeeze %dma_wait3A_1205 : memref<1x128x64xf32, #tpu.memory_space<vmem>> -> memref<128x64xf32, #tpu.memory_space<vmem>>
          %dma_wait3A_1207 = arith.constant 0 : i32
          %dma_wait3A_1208 = arith.constant 0 : i32
          %dma_wait3A_1209 = tpu.memref_slice %arg5[%dma_wait3A_1207, %dma_wait3A_1208] : memref<1024x12800xf32, #tpu.memory_space<hbm>> -> memref<128x64xf32, #tpu.memory_space<hbm>>
          %dma_wait3A_1210 = tpu.memref_slice %arg10[%dma_wait3A_1202] : memref<5x!tpu.dma_semaphore, #tpu.memory_space<semaphore_mem>> -> memref<1x!tpu.dma_semaphore, #tpu.memory_space<semaphore_mem>>
          %dma_wait3A_1211 = tpu.memref_squeeze %dma_wait3A_1210 : memref<1x!tpu.dma_semaphore, #tpu.memory_space<semaphore_mem>> -> memref<!tpu.dma_semaphore, #tpu.memory_space<semaphore_mem>>
          %dma_wait3A_1212 = arith.constant 0 : i32
          %dma_wait3A_1213 = arith.constant 0 : i32
          %dma_wait3A_1214 = tpu.memref_slice %arg5[%dma_wait3A_1212, %dma_wait3A_1213] : memref<1024x12800xf32, #tpu.memory_space<hbm>> -> memref<128x64xf32, #tpu.memory_space<hbm>>
          %dma_wait3A_1215 = arith.constant 0 : i32
          %dma_wait3A_1216 = arith.constant 0 : i32
          %dma_wait3A_1217 = tpu.memref_slice %arg8[%dma_wait3A_1201, %dma_wait3A_1215, %dma_wait3A_1216] : memref<5x128x64xf32, #tpu.memory_space<vmem>> -> memref<1x128x64xf32, #tpu.memory_space<vmem>>
          %dma_wait3A_1218 = tpu.memref_squeeze %dma_wait3A_1217 : memref<1x128x64xf32, #tpu.memory_space<vmem>> -> memref<128x64xf32, #tpu.memory_space<vmem>>
          tpu.wait_dma2 semaphore(%dma_wait3A_1211 : memref<!tpu.dma_semaphore, #tpu.memory_space<semaphore_mem>>) src(%dma_wait3A_1218 : memref<128x64xf32, #tpu.memory_space<vmem>>) dst(%dma_wait3A_1214 : memref<128x64xf32, #tpu.memory_space<hbm>>)
        } else {
        }
        %add3A_1131 = arith.constant 2 : i32
        %add3A_1132 = arith.addi %add3A_959, %add3A_1131 : i32
        %add3A_1133 = arith.addi %mul3A_2, %add3A_1132 : i32
        %jit3A_1134 = arith.constant 8 : i32
        %div3A_1135 = arith.divsi %add3A_1133, %jit3A_1134 : i32
        %sign3A_1136 = arith.constant 0 : i32
        %sign3A_1137 = arith.cmpi sgt, %add3A_1133, %sign3A_1136 : i32
        %sign3A_1138 = arith.extui %sign3A_1137 : i1 to i32
        %sign3A_1139 = arith.constant 0 : i32
        %sign3A_1140 = arith.cmpi slt, %add3A_1133, %sign3A_1139 : i32
        %sign3A_1141 = arith.extui %sign3A_1140 : i1 to i32
        %sign3A_1142 = arith.subi %sign3A_1138, %sign3A_1141 : i32
        %sign3A_1143 = arith.constant 0 : i32
        %sign3A_1144 = arith.cmpi sgt, %jit3A_1134, %sign3A_1143 : i32
        %sign3A_1145 = arith.extui %sign3A_1144 : i1 to i32
        %sign3A_1146 = arith.constant 0 : i32
        %sign3A_1147 = arith.cmpi slt, %jit3A_1134, %sign3A_1146 : i32
        %sign3A_1148 = arith.extui %sign3A_1147 : i1 to i32
        %sign3A_1149 = arith.subi %sign3A_1145, %sign3A_1148 : i32
        %ne3A_1150 = arith.cmpi ne, %sign3A_1142, %sign3A_1149 : i32
        %rem3A_1151 = arith.remsi %add3A_1133, %jit3A_1134 : i32
        %ne3A_1152 = arith.constant 0 : i32
        %ne3A_1153 = arith.cmpi ne, %rem3A_1151, %ne3A_1152 : i32
        %and3A_1154 = arith.andi %ne3A_1150, %ne3A_1153 : i1
        %sub3A_1155 = arith.constant 1 : i32
        %sub3A_1156 = arith.subi %div3A_1135, %sub3A_1155 : i32
        %select_n3A_1157 = arith.select %and3A_1154, %sub3A_1156, %div3A_1135 : i32
        %rem3A_1158 = arith.constant 8 : i32
        %rem3A_1159 = arith.remsi %add3A_1133, %rem3A_1158 : i32
        %jit3A_1160 = arith.constant 8 : i32
        %div3A_1161 = arith.divsi %select_n3A_1157, %jit3A_1160 : i32
        %sign3A_1162 = arith.constant 0 : i32
        %sign3A_1163 = arith.cmpi sgt, %select_n3A_1157, %sign3A_1162 : i32
        %sign3A_1164 = arith.extui %sign3A_1163 : i1 to i32
        %sign3A_1165 = arith.constant 0 : i32
        %sign3A_1166 = arith.cmpi slt, %select_n3A_1157, %sign3A_1165 : i32
        %sign3A_1167 = arith.extui %sign3A_1166 : i1 to i32
        %sign3A_1168 = arith.subi %sign3A_1164, %sign3A_1167 : i32
        %sign3A_1169 = arith.constant 0 : i32
        %sign3A_1170 = arith.cmpi sgt, %jit3A_1160, %sign3A_1169 : i32
        %sign3A_1171 = arith.extui %sign3A_1170 : i1 to i32
        %sign3A_1172 = arith.constant 0 : i32
        %sign3A_1173 = arith.cmpi slt, %jit3A_1160, %sign3A_1172 : i32
        %sign3A_1174 = arith.extui %sign3A_1173 : i1 to i32
        %sign3A_1175 = arith.subi %sign3A_1171, %sign3A_1174 : i32
        %ne3A_1176 = arith.cmpi ne, %sign3A_1168, %sign3A_1175 : i32
        %rem3A_1177 = arith.remsi %select_n3A_1157, %jit3A_1160 : i32
        %ne3A_1178 = arith.constant 0 : i32
        %ne3A_1179 = arith.cmpi ne, %rem3A_1177, %ne3A_1178 : i32
        %and3A_1180 = arith.andi %ne3A_1176, %ne3A_1179 : i1
        %sub3A_1181 = arith.constant 1 : i32
        %sub3A_1182 = arith.subi %div3A_1161, %sub3A_1181 : i32
        %select_n3A_1183 = arith.select %and3A_1180, %sub3A_1182, %div3A_1161 : i32
        %sub3A_1184 = arith.subi %select_n3A_1183, %min3A_43 : i32
        %rem3A_1185 = arith.constant 8 : i32
        %rem3A_1186 = arith.remsi %select_n3A_1157, %rem3A_1185 : i32
        %dma_start3A_1187 = arith.constant 1 : i32
        %dma_start3A_1188 = arith.constant 1 : i32
        %dma_start3A_1189 = arith.constant 0 : i32
        %dma_start3A_1190 = arith.constant 0 : i32
        %dma_start3A_1191 = tpu.memref_slice %arg8[%dma_start3A_1187, %dma_start3A_1189, %dma_start3A_1190] : memref<5x128x64xf32, #tpu.memory_space<vmem>> -> memref<1x128x64xf32, #tpu.memory_space<vmem>>
        %dma_start3A_1192 = tpu.memref_squeeze %dma_start3A_1191 : memref<1x128x64xf32, #tpu.memory_space<vmem>> -> memref<128x64xf32, #tpu.memory_space<vmem>>
        %dma_start3A_1193 = arith.constant 0 : i32
        %dma_start3A_1194 = tpu.memref_slice %arg6[%sub3A_1184, %rem3A_1159, %rem3A_1186, %dma_start3A_1193] : memref<2x8x8x128xi32, #tpu.memory_space<vmem>> -> memref<1x1x1x128xi32, #tpu.memory_space<vmem>>
        %dma_start3A_1195 = tpu.memref_squeeze %dma_start3A_1194 : memref<1x1x1x128xi32, #tpu.memory_space<vmem>> -> memref<128xi32, #tpu.memory_space<vmem>>
        %dma_start3A_1196 = arith.constant 0 : i32
        %dma_start3A_1197 = arith.constant 0 : i32
        %dma_start3A_1198 = tpu.memref_slice %arg3[%dma_start3A_1196, %dma_start3A_1197] : memref<1000000x64xf32, #tpu.memory_space<hbm>> -> memref<1000000x64xf32, #tpu.memory_space<hbm>>
        %dma_start3A_1199 = tpu.memref_slice %arg9[%dma_start3A_1188] : memref<5x!tpu.dma_semaphore, #tpu.memory_space<semaphore_mem>> -> memref<1x!tpu.dma_semaphore, #tpu.memory_space<semaphore_mem>>
        %dma_start3A_1200 = tpu.memref_squeeze %dma_start3A_1199 : memref<1x!tpu.dma_semaphore, #tpu.memory_space<semaphore_mem>> -> memref<!tpu.dma_semaphore, #tpu.memory_space<semaphore_mem>>
        tpu.enqueue_indirect_dma source(%dma_start3A_1198 : memref<1000000x64xf32, #tpu.memory_space<hbm>>) target(%dma_start3A_1192 : memref<128x64xf32, #tpu.memory_space<vmem>>) offsets(%dma_start3A_1195 : memref<128xi32, #tpu.memory_space<vmem>>) semaphore(%dma_start3A_1200 : memref<!tpu.dma_semaphore, #tpu.memory_space<semaphore_mem>>)
      } else {
      }
      %add3A_967 = arith.addi %mul3A_2, %add3A_959 : i32
      %jit3A_968 = arith.constant 8 : i32
      %div3A_969 = arith.divsi %add3A_967, %jit3A_968 : i32
      %sign3A_970 = arith.constant 0 : i32
      %sign3A_971 = arith.cmpi sgt, %add3A_967, %sign3A_970 : i32
      %sign3A_972 = arith.extui %sign3A_971 : i1 to i32
      %sign3A_973 = arith.constant 0 : i32
      %sign3A_974 = arith.cmpi slt, %add3A_967, %sign3A_973 : i32
      %sign3A_975 = arith.extui %sign3A_974 : i1 to i32
      %sign3A_976 = arith.subi %sign3A_972, %sign3A_975 : i32
      %sign3A_977 = arith.constant 0 : i32
      %sign3A_978 = arith.cmpi sgt, %jit3A_968, %sign3A_977 : i32
      %sign3A_979 = arith.extui %sign3A_978 : i1 to i32
      %sign3A_980 = arith.constant 0 : i32
      %sign3A_981 = arith.cmpi slt, %jit3A_968, %sign3A_980 : i32
      %sign3A_982 = arith.extui %sign3A_981 : i1 to i32
      %sign3A_983 = arith.subi %sign3A_979, %sign3A_982 : i32
      %ne3A_984 = arith.cmpi ne, %sign3A_976, %sign3A_983 : i32
      %rem3A_985 = arith.remsi %add3A_967, %jit3A_968 : i32
      %ne3A_986 = arith.constant 0 : i32
      %ne3A_987 = arith.cmpi ne, %rem3A_985, %ne3A_986 : i32
      %and3A_988 = arith.andi %ne3A_984, %ne3A_987 : i1
      %sub3A_989 = arith.constant 1 : i32
      %sub3A_990 = arith.subi %div3A_969, %sub3A_989 : i32
      %select_n3A_991 = arith.select %and3A_988, %sub3A_990, %div3A_969 : i32
      %rem3A_992 = arith.constant 8 : i32
      %rem3A_993 = arith.remsi %add3A_967, %rem3A_992 : i32
      %jit3A_994 = arith.constant 8 : i32
      %div3A_995 = arith.divsi %select_n3A_991, %jit3A_994 : i32
      %sign3A_996 = arith.constant 0 : i32
      %sign3A_997 = arith.cmpi sgt, %select_n3A_991, %sign3A_996 : i32
      %sign3A_998 = arith.extui %sign3A_997 : i1 to i32
      %sign3A_999 = arith.constant 0 : i32
      %sign3A_1000 = arith.cmpi slt, %select_n3A_991, %sign3A_999 : i32
      %sign3A_1001 = arith.extui %sign3A_1000 : i1 to i32
      %sign3A_1002 = arith.subi %sign3A_998, %sign3A_1001 : i32
      %sign3A_1003 = arith.constant 0 : i32
      %sign3A_1004 = arith.cmpi sgt, %jit3A_994, %sign3A_1003 : i32
      %sign3A_1005 = arith.extui %sign3A_1004 : i1 to i32
      %sign3A_1006 = arith.constant 0 : i32
      %sign3A_1007 = arith.cmpi slt, %jit3A_994, %sign3A_1006 : i32
      %sign3A_1008 = arith.extui %sign3A_1007 : i1 to i32
      %sign3A_1009 = arith.subi %sign3A_1005, %sign3A_1008 : i32
      %ne3A_1010 = arith.cmpi ne, %sign3A_1002, %sign3A_1009 : i32
      %rem3A_1011 = arith.remsi %select_n3A_991, %jit3A_994 : i32
      %ne3A_1012 = arith.constant 0 : i32
      %ne3A_1013 = arith.cmpi ne, %rem3A_1011, %ne3A_1012 : i32
      %and3A_1014 = arith.andi %ne3A_1010, %ne3A_1013 : i1
      %sub3A_1015 = arith.constant 1 : i32
      %sub3A_1016 = arith.subi %div3A_995, %sub3A_1015 : i32
      %select_n3A_1017 = arith.select %and3A_1014, %sub3A_1016, %div3A_995 : i32
      %sub3A_1018 = arith.subi %select_n3A_1017, %min3A_43 : i32
      %rem3A_1019 = arith.constant 8 : i32
      %rem3A_1020 = arith.remsi %select_n3A_991, %rem3A_1019 : i32
      %dma_wait3A_1021 = arith.constant 4 : i32
      %dma_wait3A_1022 = arith.constant 4 : i32
      %dma_wait3A_1023 = arith.constant 0 : i32
      %dma_wait3A_1024 = arith.constant 0 : i32
      %dma_wait3A_1025 = tpu.memref_slice %arg8[%dma_wait3A_1021, %dma_wait3A_1023, %dma_wait3A_1024] : memref<5x128x64xf32, #tpu.memory_space<vmem>> -> memref<1x128x64xf32, #tpu.memory_space<vmem>>
      %dma_wait3A_1026 = tpu.memref_squeeze %dma_wait3A_1025 : memref<1x128x64xf32, #tpu.memory_space<vmem>> -> memref<128x64xf32, #tpu.memory_space<vmem>>
      %dma_wait3A_1027 = arith.constant 0 : i32
      %dma_wait3A_1028 = tpu.memref_slice %arg6[%sub3A_1018, %rem3A_993, %rem3A_1020, %dma_wait3A_1027] : memref<2x8x8x128xi32, #tpu.memory_space<vmem>> -> memref<1x1x1x128xi32, #tpu.memory_space<vmem>>
      %dma_wait3A_1029 = tpu.memref_squeeze %dma_wait3A_1028 : memref<1x1x1x128xi32, #tpu.memory_space<vmem>> -> memref<128xi32, #tpu.memory_space<vmem>>
      %dma_wait3A_1030 = arith.constant 0 : i32
      %dma_wait3A_1031 = arith.constant 0 : i32
      %dma_wait3A_1032 = tpu.memref_slice %arg3[%dma_wait3A_1030, %dma_wait3A_1031] : memref<1000000x64xf32, #tpu.memory_space<hbm>> -> memref<1000000x64xf32, #tpu.memory_space<hbm>>
      %dma_wait3A_1033 = tpu.memref_slice %arg9[%dma_wait3A_1022] : memref<5x!tpu.dma_semaphore, #tpu.memory_space<semaphore_mem>> -> memref<1x!tpu.dma_semaphore, #tpu.memory_space<semaphore_mem>>
      %dma_wait3A_1034 = tpu.memref_squeeze %dma_wait3A_1033 : memref<1x!tpu.dma_semaphore, #tpu.memory_space<semaphore_mem>> -> memref<!tpu.dma_semaphore, #tpu.memory_space<semaphore_mem>>
      tpu.wait_indirect_dma semaphore(%dma_wait3A_1034 : memref<!tpu.dma_semaphore, #tpu.memory_space<semaphore_mem>>) src(%dma_wait3A_1032 : memref<1000000x64xf32, #tpu.memory_space<hbm>>) dst(%dma_wait3A_1026 : memref<128x64xf32, #tpu.memory_space<vmem>>)
      %add3A_1035 = arith.addi %mul3A_2, %add3A_959 : i32
      %jit3A_1036 = arith.constant 8 : i32
      %div3A_1037 = arith.divsi %add3A_1035, %jit3A_1036 : i32
      %sign3A_1038 = arith.constant 0 : i32
      %sign3A_1039 = arith.cmpi sgt, %add3A_1035, %sign3A_1038 : i32
      %sign3A_1040 = arith.extui %sign3A_1039 : i1 to i32
      %sign3A_1041 = arith.constant 0 : i32
      %sign3A_1042 = arith.cmpi slt, %add3A_1035, %sign3A_1041 : i32
      %sign3A_1043 = arith.extui %sign3A_1042 : i1 to i32
      %sign3A_1044 = arith.subi %sign3A_1040, %sign3A_1043 : i32
      %sign3A_1045 = arith.constant 0 : i32
      %sign3A_1046 = arith.cmpi sgt, %jit3A_1036, %sign3A_1045 : i32
      %sign3A_1047 = arith.extui %sign3A_1046 : i1 to i32
      %sign3A_1048 = arith.constant 0 : i32
      %sign3A_1049 = arith.cmpi slt, %jit3A_1036, %sign3A_1048 : i32
      %sign3A_1050 = arith.extui %sign3A_1049 : i1 to i32
      %sign3A_1051 = arith.subi %sign3A_1047, %sign3A_1050 : i32
      %ne3A_1052 = arith.cmpi ne, %sign3A_1044, %sign3A_1051 : i32
      %rem3A_1053 = arith.remsi %add3A_1035, %jit3A_1036 : i32
      %ne3A_1054 = arith.constant 0 : i32
      %ne3A_1055 = arith.cmpi ne, %rem3A_1053, %ne3A_1054 : i32
      %and3A_1056 = arith.andi %ne3A_1052, %ne3A_1055 : i1
      %sub3A_1057 = arith.constant 1 : i32
      %sub3A_1058 = arith.subi %div3A_1037, %sub3A_1057 : i32
      %select_n3A_1059 = arith.select %and3A_1056, %sub3A_1058, %div3A_1037 : i32
      %get3A_1060 = arith.index_cast %select_n3A_1059 : i32 to index
      %get3A_1061 = arith.constant 0 : index
      %get3A_1062 = tpu.vector_load %arg7[%get3A_1060, %get3A_1061] {strides = array<i32>} : memref<200x64xf32, #tpu.memory_space<vmem>>, vector<1x16xf32>,
      %get3A_1063 = vector.shape_cast %get3A_1062 : vector<1x16xf32> to vector<16xf32>
      %get3A_1064 = arith.index_cast %select_n3A_1059 : i32 to index
      %get3A_1065 = arith.constant 16 : index
      %get3A_1066 = tpu.vector_load %arg7[%get3A_1064, %get3A_1065] {strides = array<i32>} : memref<200x64xf32, #tpu.memory_space<vmem>>, vector<1x16xf32>,
      %get3A_1067 = vector.shape_cast %get3A_1066 : vector<1x16xf32> to vector<16xf32>
      %get3A_1068 = arith.index_cast %select_n3A_1059 : i32 to index
      %get3A_1069 = arith.constant 32 : index
      %get3A_1070 = tpu.vector_load %arg7[%get3A_1068, %get3A_1069] {strides = array<i32>} : memref<200x64xf32, #tpu.memory_space<vmem>>, vector<1x16xf32>,
      %get3A_1071 = vector.shape_cast %get3A_1070 : vector<1x16xf32> to vector<16xf32>
      %get3A_1072 = arith.index_cast %select_n3A_1059 : i32 to index
      %get3A_1073 = arith.constant 48 : index
      %get3A_1074 = tpu.vector_load %arg7[%get3A_1072, %get3A_1073] {strides = array<i32>} : memref<200x64xf32, #tpu.memory_space<vmem>>, vector<1x16xf32>,
      %get3A_1075 = vector.shape_cast %get3A_1074 : vector<1x16xf32> to vector<16xf32>
      %scan3A_1076 = arith.constant 0 : i32
      %scan3A_1077 = arith.constant 0 : i32
      %scan3A_1078 = arith.constant 128 : i32
      %scan3A_1079 = arith.addi %scan3A_1077, %scan3A_1078 : i32
      %scan3A_1080 = arith.constant 4 : i32
      scf.for %scan3A_1127 = %scan3A_1077 to %scan3A_1079 step %scan3A_1080  : i32 {
        %get3A_1128 = arith.constant 4 : i32
        %get3A_1129 = arith.index_cast %get3A_1128 : i32 to index
        %get3A_1130 = arith.index_cast %scan3A_1127 : i32 to index
        %get3A_1131 = arith.constant 0 : index
        %get3A_1132 = tpu.vector_load %arg8[%get3A_1129, %get3A_1130, %get3A_1131] {strides = array<i32>} : memref<5x128x64xf32, #tpu.memory_space<vmem>>, vector<1x1x16xf32>,
        %get3A_1133 = vector.shape_cast %get3A_1132 : vector<1x1x16xf32> to vector<16xf32>
        %add3A_1134 = arith.addf %get3A_1133, %get3A_1063 : vector<16xf32>
        %swap3A = arith.constant 4 : i32
        %swap3A_1135 = arith.index_cast %swap3A : i32 to index
        %swap3A_1136 = arith.index_cast %scan3A_1127 : i32 to index
        %swap3A_1137 = arith.constant 0 : index
        %swap3A_1138 = tpu.vector_load %arg8[%swap3A_1135, %swap3A_1136, %swap3A_1137] {strides = array<i32>} : memref<5x128x64xf32, #tpu.memory_space<vmem>>, vector<1x1x16xf32>,
        %swap3A_1139 = vector.shape_cast %swap3A_1138 : vector<1x1x16xf32> to vector<16xf32>
        %swap3A_1140 = vector.shape_cast %add3A_1134 : vector<16xf32> to vector<1x1x16xf32>
        tpu.vector_store %arg8[%swap3A_1135, %swap3A_1136, %swap3A_1137], %swap3A_1140 {strides = array<i32>} : memref<5x128x64xf32, #tpu.memory_space<vmem>>, vector<1x1x16xf32>,
        %get3A_1141 = arith.constant 4 : i32
        %get3A_1142 = arith.index_cast %get3A_1141 : i32 to index
        %get3A_1143 = arith.index_cast %scan3A_1127 : i32 to index
        %get3A_1144 = arith.constant 16 : index
        %get3A_1145 = tpu.vector_load %arg8[%get3A_1142, %get3A_1143, %get3A_1144] {strides = array<i32>} : memref<5x128x64xf32, #tpu.memory_space<vmem>>, vector<1x1x16xf32>,
        %get3A_1146 = vector.shape_cast %get3A_1145 : vector<1x1x16xf32> to vector<16xf32>
        %add3A_1147 = arith.addf %get3A_1146, %get3A_1067 : vector<16xf32>
        %swap3A_1148 = arith.constant 4 : i32
        %swap3A_1149 = arith.index_cast %swap3A_1148 : i32 to index
        %swap3A_1150 = arith.index_cast %scan3A_1127 : i32 to index
        %swap3A_1151 = arith.constant 16 : index
        %swap3A_1152 = tpu.vector_load %arg8[%swap3A_1149, %swap3A_1150, %swap3A_1151] {strides = array<i32>} : memref<5x128x64xf32, #tpu.memory_space<vmem>>, vector<1x1x16xf32>,
        %swap3A_1153 = vector.shape_cast %swap3A_1152 : vector<1x1x16xf32> to vector<16xf32>
        %swap3A_1154 = vector.shape_cast %add3A_1147 : vector<16xf32> to vector<1x1x16xf32>
        tpu.vector_store %arg8[%swap3A_1149, %swap3A_1150, %swap3A_1151], %swap3A_1154 {strides = array<i32>} : memref<5x128x64xf32, #tpu.memory_space<vmem>>, vector<1x1x16xf32>,
        %get3A_1155 = arith.constant 4 : i32
        %get3A_1156 = arith.index_cast %get3A_1155 : i32 to index
        %get3A_1157 = arith.index_cast %scan3A_1127 : i32 to index
        %get3A_1158 = arith.constant 32 : index
        %get3A_1159 = tpu.vector_load %arg8[%get3A_1156, %get3A_1157, %get3A_1158] {strides = array<i32>} : memref<5x128x64xf32, #tpu.memory_space<vmem>>, vector<1x1x16xf32>,
        %get3A_1160 = vector.shape_cast %get3A_1159 : vector<1x1x16xf32> to vector<16xf32>
        %add3A_1161 = arith.addf %get3A_1160, %get3A_1071 : vector<16xf32>
        %swap3A_1162 = arith.constant 4 : i32
        %swap3A_1163 = arith.index_cast %swap3A_1162 : i32 to index
        %swap3A_1164 = arith.index_cast %scan3A_1127 : i32 to index
        %swap3A_1165 = arith.constant 32 : index
        %swap3A_1166 = tpu.vector_load %arg8[%swap3A_1163, %swap3A_1164, %swap3A_1165] {strides = array<i32>} : memref<5x128x64xf32, #tpu.memory_space<vmem>>, vector<1x1x16xf32>,
        %swap3A_1167 = vector.shape_cast %swap3A_1166 : vector<1x1x16xf32> to vector<16xf32>
        %swap3A_1168 = vector.shape_cast %add3A_1161 : vector<16xf32> to vector<1x1x16xf32>
        tpu.vector_store %arg8[%swap3A_1163, %swap3A_1164, %swap3A_1165], %swap3A_1168 {strides = array<i32>} : memref<5x128x64xf32, #tpu.memory_space<vmem>>, vector<1x1x16xf32>,
        %get3A_1169 = arith.constant 4 : i32
        %get3A_1170 = arith.index_cast %get3A_1169 : i32 to index
        %get3A_1171 = arith.index_cast %scan3A_1127 : i32 to index
        %get3A_1172 = arith.constant 48 : index
        %get3A_1173 = tpu.vector_load %arg8[%get3A_1170, %get3A_1171, %get3A_1172] {strides = array<i32>} : memref<5x128x64xf32, #tpu.memory_space<vmem>>, vector<1x1x16xf32>,
        %get3A_1174 = vector.shape_cast %get3A_1173 : vector<1x1x16xf32> to vector<16xf32>
        %add3A_1175 = arith.addf %get3A_1174, %get3A_1075 : vector<16xf32>
        %swap3A_1176 = arith.constant 4 : i32
        %swap3A_1177 = arith.index_cast %swap3A_1176 : i32 to index
        %swap3A_1178 = arith.index_cast %scan3A_1127 : i32 to index
        %swap3A_1179 = arith.constant 48 : index
        %swap3A_1180 = tpu.vector_load %arg8[%swap3A_1177, %swap3A_1178, %swap3A_1179] {strides = array<i32>} : memref<5x128x64xf32, #tpu.memory_space<vmem>>, vector<1x1x16xf32>,
        %swap3A_1181 = vector.shape_cast %swap3A_1180 : vector<1x1x16xf32> to vector<16xf32>
        %swap3A_1182 = vector.shape_cast %add3A_1175 : vector<16xf32> to vector<1x1x16xf32>
        tpu.vector_store %arg8[%swap3A_1177, %swap3A_1178, %swap3A_1179], %swap3A_1182 {strides = array<i32>} : memref<5x128x64xf32, #tpu.memory_space<vmem>>, vector<1x1x16xf32>,
        %scan3A_1183 = arith.constant 1 : i32
        %scan3A_1184 = arith.addi %scan3A_1127, %scan3A_1183 : i32
        %get3A_1185 = arith.constant 4 : i32
        %get3A_1186 = arith.index_cast %get3A_1185 : i32 to index
        %get3A_1187 = arith.index_cast %scan3A_1184 : i32 to index
        %get3A_1188 = arith.constant 0 : index
        %get3A_1189 = tpu.vector_load %arg8[%get3A_1186, %get3A_1187, %get3A_1188] {strides = array<i32>} : memref<5x128x64xf32, #tpu.memory_space<vmem>>, vector<1x1x16xf32>,
        %get3A_1190 = vector.shape_cast %get3A_1189 : vector<1x1x16xf32> to vector<16xf32>
        %add3A_1191 = arith.addf %get3A_1190, %get3A_1063 : vector<16xf32>
        %swap3A_1192 = arith.constant 4 : i32
        %swap3A_1193 = arith.index_cast %swap3A_1192 : i32 to index
        %swap3A_1194 = arith.index_cast %scan3A_1184 : i32 to index
        %swap3A_1195 = arith.constant 0 : index
        %swap3A_1196 = tpu.vector_load %arg8[%swap3A_1193, %swap3A_1194, %swap3A_1195] {strides = array<i32>} : memref<5x128x64xf32, #tpu.memory_space<vmem>>, vector<1x1x16xf32>,
        %swap3A_1197 = vector.shape_cast %swap3A_1196 : vector<1x1x16xf32> to vector<16xf32>
        %swap3A_1198 = vector.shape_cast %add3A_1191 : vector<16xf32> to vector<1x1x16xf32>
        tpu.vector_store %arg8[%swap3A_1193, %swap3A_1194, %swap3A_1195], %swap3A_1198 {strides = array<i32>} : memref<5x128x64xf32, #tpu.memory_space<vmem>>, vector<1x1x16xf32>,
        %get3A_1199 = arith.constant 4 : i32
        %get3A_1200 = arith.index_cast %get3A_1199 : i32 to index
        %get3A_1201 = arith.index_cast %scan3A_1184 : i32 to index
        %get3A_1202 = arith.constant 16 : index
        %get3A_1203 = tpu.vector_load %arg8[%get3A_1200, %get3A_1201, %get3A_1202] {strides = array<i32>} : memref<5x128x64xf32, #tpu.memory_space<vmem>>, vector<1x1x16xf32>,
        %get3A_1204 = vector.shape_cast %get3A_1203 : vector<1x1x16xf32> to vector<16xf32>
        %add3A_1205 = arith.addf %get3A_1204, %get3A_1067 : vector<16xf32>
        %swap3A_1206 = arith.constant 4 : i32
        %swap3A_1207 = arith.index_cast %swap3A_1206 : i32 to index
        %swap3A_1208 = arith.index_cast %scan3A_1184 : i32 to index
        %swap3A_1209 = arith.constant 16 : index
        %swap3A_1210 = tpu.vector_load %arg8[%swap3A_1207, %swap3A_1208, %swap3A_1209] {strides = array<i32>} : memref<5x128x64xf32, #tpu.memory_space<vmem>>, vector<1x1x16xf32>,
        %swap3A_1211 = vector.shape_cast %swap3A_1210 : vector<1x1x16xf32> to vector<16xf32>
        %swap3A_1212 = vector.shape_cast %add3A_1205 : vector<16xf32> to vector<1x1x16xf32>
        tpu.vector_store %arg8[%swap3A_1207, %swap3A_1208, %swap3A_1209], %swap3A_1212 {strides = array<i32>} : memref<5x128x64xf32, #tpu.memory_space<vmem>>, vector<1x1x16xf32>,
        %get3A_1213 = arith.constant 4 : i32
        %get3A_1214 = arith.index_cast %get3A_1213 : i32 to index
        %get3A_1215 = arith.index_cast %scan3A_1184 : i32 to index
        %get3A_1216 = arith.constant 32 : index
        %get3A_1217 = tpu.vector_load %arg8[%get3A_1214, %get3A_1215, %get3A_1216] {strides = array<i32>} : memref<5x128x64xf32, #tpu.memory_space<vmem>>, vector<1x1x16xf32>,
        %get3A_1218 = vector.shape_cast %get3A_1217 : vector<1x1x16xf32> to vector<16xf32>
        %add3A_1219 = arith.addf %get3A_1218, %get3A_1071 : vector<16xf32>
        %swap3A_1220 = arith.constant 4 : i32
        %swap3A_1221 = arith.index_cast %swap3A_1220 : i32 to index
        %swap3A_1222 = arith.index_cast %scan3A_1184 : i32 to index
        %swap3A_1223 = arith.constant 32 : index
        %swap3A_1224 = tpu.vector_load %arg8[%swap3A_1221, %swap3A_1222, %swap3A_1223] {strides = array<i32>} : memref<5x128x64xf32, #tpu.memory_space<vmem>>, vector<1x1x16xf32>,
        %swap3A_1225 = vector.shape_cast %swap3A_1224 : vector<1x1x16xf32> to vector<16xf32>
        %swap3A_1226 = vector.shape_cast %add3A_1219 : vector<16xf32> to vector<1x1x16xf32>
        tpu.vector_store %arg8[%swap3A_1221, %swap3A_1222, %swap3A_1223], %swap3A_1226 {strides = array<i32>} : memref<5x128x64xf32, #tpu.memory_space<vmem>>, vector<1x1x16xf32>,
        %get3A_1227 = arith.constant 4 : i32
        %get3A_1228 = arith.index_cast %get3A_1227 : i32 to index
        %get3A_1229 = arith.index_cast %scan3A_1184 : i32 to index
        %get3A_1230 = arith.constant 48 : index
        %get3A_1231 = tpu.vector_load %arg8[%get3A_1228, %get3A_1229, %get3A_1230] {strides = array<i32>} : memref<5x128x64xf32, #tpu.memory_space<vmem>>, vector<1x1x16xf32>,
        %get3A_1232 = vector.shape_cast %get3A_1231 : vector<1x1x16xf32> to vector<16xf32>
        %add3A_1233 = arith.addf %get3A_1232, %get3A_1075 : vector<16xf32>
        %swap3A_1234 = arith.constant 4 : i32
        %swap3A_1235 = arith.index_cast %swap3A_1234 : i32 to index
        %swap3A_1236 = arith.index_cast %scan3A_1184 : i32 to index
        %swap3A_1237 = arith.constant 48 : index
        %swap3A_1238 = tpu.vector_load %arg8[%swap3A_1235, %swap3A_1236, %swap3A_1237] {strides = array<i32>} : memref<5x128x64xf32, #tpu.memory_space<vmem>>, vector<1x1x16xf32>,
        %swap3A_1239 = vector.shape_cast %swap3A_1238 : vector<1x1x16xf32> to vector<16xf32>
        %swap3A_1240 = vector.shape_cast %add3A_1233 : vector<16xf32> to vector<1x1x16xf32>
        tpu.vector_store %arg8[%swap3A_1235, %swap3A_1236, %swap3A_1237], %swap3A_1240 {strides = array<i32>} : memref<5x128x64xf32, #tpu.memory_space<vmem>>, vector<1x1x16xf32>,
        %scan3A_1241 = arith.constant 2 : i32
        %scan3A_1242 = arith.addi %scan3A_1127, %scan3A_1241 : i32
        %get3A_1243 = arith.constant 4 : i32
        %get3A_1244 = arith.index_cast %get3A_1243 : i32 to index
        %get3A_1245 = arith.index_cast %scan3A_1242 : i32 to index
        %get3A_1246 = arith.constant 0 : index
        %get3A_1247 = tpu.vector_load %arg8[%get3A_1244, %get3A_1245, %get3A_1246] {strides = array<i32>} : memref<5x128x64xf32, #tpu.memory_space<vmem>>, vector<1x1x16xf32>,
        %get3A_1248 = vector.shape_cast %get3A_1247 : vector<1x1x16xf32> to vector<16xf32>
        %add3A_1249 = arith.addf %get3A_1248, %get3A_1063 : vector<16xf32>
        %swap3A_1250 = arith.constant 4 : i32
        %swap3A_1251 = arith.index_cast %swap3A_1250 : i32 to index
        %swap3A_1252 = arith.index_cast %scan3A_1242 : i32 to index
        %swap3A_1253 = arith.constant 0 : index
        %swap3A_1254 = tpu.vector_load %arg8[%swap3A_1251, %swap3A_1252, %swap3A_1253] {strides = array<i32>} : memref<5x128x64xf32, #tpu.memory_space<vmem>>, vector<1x1x16xf32>,
        %swap3A_1255 = vector.shape_cast %swap3A_1254 : vector<1x1x16xf32> to vector<16xf32>
        %swap3A_1256 = vector.shape_cast %add3A_1249 : vector<16xf32> to vector<1x1x16xf32>
        tpu.vector_store %arg8[%swap3A_1251, %swap3A_1252, %swap3A_1253], %swap3A_1256 {strides = array<i32>} : memref<5x128x64xf32, #tpu.memory_space<vmem>>, vector<1x1x16xf32>,
        %get3A_1257 = arith.constant 4 : i32
        %get3A_1258 = arith.index_cast %get3A_1257 : i32 to index
        %get3A_1259 = arith.index_cast %scan3A_1242 : i32 to index
        %get3A_1260 = arith.constant 16 : index
        %get3A_1261 = tpu.vector_load %arg8[%get3A_1258, %get3A_1259, %get3A_1260] {strides = array<i32>} : memref<5x128x64xf32, #tpu.memory_space<vmem>>, vector<1x1x16xf32>,
        %get3A_1262 = vector.shape_cast %get3A_1261 : vector<1x1x16xf32> to vector<16xf32>
        %add3A_1263 = arith.addf %get3A_1262, %get3A_1067 : vector<16xf32>
        %swap3A_1264 = arith.constant 4 : i32
        %swap3A_1265 = arith.index_cast %swap3A_1264 : i32 to index
        %swap3A_1266 = arith.index_cast %scan3A_1242 : i32 to index
        %swap3A_1267 = arith.constant 16 : index
        %swap3A_1268 = tpu.vector_load %arg8[%swap3A_1265, %swap3A_1266, %swap3A_1267] {strides = array<i32>} : memref<5x128x64xf32, #tpu.memory_space<vmem>>, vector<1x1x16xf32>,
        %swap3A_1269 = vector.shape_cast %swap3A_1268 : vector<1x1x16xf32> to vector<16xf32>
        %swap3A_1270 = vector.shape_cast %add3A_1263 : vector<16xf32> to vector<1x1x16xf32>
        tpu.vector_store %arg8[%swap3A_1265, %swap3A_1266, %swap3A_1267], %swap3A_1270 {strides = array<i32>} : memref<5x128x64xf32, #tpu.memory_space<vmem>>, vector<1x1x16xf32>,
        %get3A_1271 = arith.constant 4 : i32
        %get3A_1272 = arith.index_cast %get3A_1271 : i32 to index
        %get3A_1273 = arith.index_cast %scan3A_1242 : i32 to index
        %get3A_1274 = arith.constant 32 : index
        %get3A_1275 = tpu.vector_load %arg8[%get3A_1272, %get3A_1273, %get3A_1274] {strides = array<i32>} : memref<5x128x64xf32, #tpu.memory_space<vmem>>, vector<1x1x16xf32>,
        %get3A_1276 = vector.shape_cast %get3A_1275 : vector<1x1x16xf32> to vector<16xf32>
        %add3A_1277 = arith.addf %get3A_1276, %get3A_1071 : vector<16xf32>
        %swap3A_1278 = arith.constant 4 : i32
        %swap3A_1279 = arith.index_cast %swap3A_1278 : i32 to index
        %swap3A_1280 = arith.index_cast %scan3A_1242 : i32 to index
        %swap3A_1281 = arith.constant 32 : index
        %swap3A_1282 = tpu.vector_load %arg8[%swap3A_1279, %swap3A_1280, %swap3A_1281] {strides = array<i32>} : memref<5x128x64xf32, #tpu.memory_space<vmem>>, vector<1x1x16xf32>,
        %swap3A_1283 = vector.shape_cast %swap3A_1282 : vector<1x1x16xf32> to vector<16xf32>
        %swap3A_1284 = vector.shape_cast %add3A_1277 : vector<16xf32> to vector<1x1x16xf32>
        tpu.vector_store %arg8[%swap3A_1279, %swap3A_1280, %swap3A_1281], %swap3A_1284 {strides = array<i32>} : memref<5x128x64xf32, #tpu.memory_space<vmem>>, vector<1x1x16xf32>,
        %get3A_1285 = arith.constant 4 : i32
        %get3A_1286 = arith.index_cast %get3A_1285 : i32 to index
        %get3A_1287 = arith.index_cast %scan3A_1242 : i32 to index
        %get3A_1288 = arith.constant 48 : index
        %get3A_1289 = tpu.vector_load %arg8[%get3A_1286, %get3A_1287, %get3A_1288] {strides = array<i32>} : memref<5x128x64xf32, #tpu.memory_space<vmem>>, vector<1x1x16xf32>,
        %get3A_1290 = vector.shape_cast %get3A_1289 : vector<1x1x16xf32> to vector<16xf32>
        %add3A_1291 = arith.addf %get3A_1290, %get3A_1075 : vector<16xf32>
        %swap3A_1292 = arith.constant 4 : i32
        %swap3A_1293 = arith.index_cast %swap3A_1292 : i32 to index
        %swap3A_1294 = arith.index_cast %scan3A_1242 : i32 to index
        %swap3A_1295 = arith.constant 48 : index
        %swap3A_1296 = tpu.vector_load %arg8[%swap3A_1293, %swap3A_1294, %swap3A_1295] {strides = array<i32>} : memref<5x128x64xf32, #tpu.memory_space<vmem>>, vector<1x1x16xf32>,
        %swap3A_1297 = vector.shape_cast %swap3A_1296 : vector<1x1x16xf32> to vector<16xf32>
        %swap3A_1298 = vector.shape_cast %add3A_1291 : vector<16xf32> to vector<1x1x16xf32>
        tpu.vector_store %arg8[%swap3A_1293, %swap3A_1294, %swap3A_1295], %swap3A_1298 {strides = array<i32>} : memref<5x128x64xf32, #tpu.memory_space<vmem>>, vector<1x1x16xf32>,
        %scan3A_1299 = arith.constant 3 : i32
        %scan3A_1300 = arith.addi %scan3A_1127, %scan3A_1299 : i32
        %get3A_1301 = arith.constant 4 : i32
        %get3A_1302 = arith.index_cast %get3A_1301 : i32 to index
        %get3A_1303 = arith.index_cast %scan3A_1300 : i32 to index
        %get3A_1304 = arith.constant 0 : index
        %get3A_1305 = tpu.vector_load %arg8[%get3A_1302, %get3A_1303, %get3A_1304] {strides = array<i32>} : memref<5x128x64xf32, #tpu.memory_space<vmem>>, vector<1x1x16xf32>,
        %get3A_1306 = vector.shape_cast %get3A_1305 : vector<1x1x16xf32> to vector<16xf32>
        %add3A_1307 = arith.addf %get3A_1306, %get3A_1063 : vector<16xf32>
        %swap3A_1308 = arith.constant 4 : i32
        %swap3A_1309 = arith.index_cast %swap3A_1308 : i32 to index
        %swap3A_1310 = arith.index_cast %scan3A_1300 : i32 to index
        %swap3A_1311 = arith.constant 0 : index
        %swap3A_1312 = tpu.vector_load %arg8[%swap3A_1309, %swap3A_1310, %swap3A_1311] {strides = array<i32>} : memref<5x128x64xf32, #tpu.memory_space<vmem>>, vector<1x1x16xf32>,
        %swap3A_1313 = vector.shape_cast %swap3A_1312 : vector<1x1x16xf32> to vector<16xf32>
        %swap3A_1314 = vector.shape_cast %add3A_1307 : vector<16xf32> to vector<1x1x16xf32>
        tpu.vector_store %arg8[%swap3A_1309, %swap3A_1310, %swap3A_1311], %swap3A_1314 {strides = array<i32>} : memref<5x128x64xf32, #tpu.memory_space<vmem>>, vector<1x1x16xf32>,
        %get3A_1315 = arith.constant 4 : i32
        %get3A_1316 = arith.index_cast %get3A_1315 : i32 to index
        %get3A_1317 = arith.index_cast %scan3A_1300 : i32 to index
        %get3A_1318 = arith.constant 16 : index
        %get3A_1319 = tpu.vector_load %arg8[%get3A_1316, %get3A_1317, %get3A_1318] {strides = array<i32>} : memref<5x128x64xf32, #tpu.memory_space<vmem>>, vector<1x1x16xf32>,
        %get3A_1320 = vector.shape_cast %get3A_1319 : vector<1x1x16xf32> to vector<16xf32>
        %add3A_1321 = arith.addf %get3A_1320, %get3A_1067 : vector<16xf32>
        %swap3A_1322 = arith.constant 4 : i32
        %swap3A_1323 = arith.index_cast %swap3A_1322 : i32 to index
        %swap3A_1324 = arith.index_cast %scan3A_1300 : i32 to index
        %swap3A_1325 = arith.constant 16 : index
        %swap3A_1326 = tpu.vector_load %arg8[%swap3A_1323, %swap3A_1324, %swap3A_1325] {strides = array<i32>} : memref<5x128x64xf32, #tpu.memory_space<vmem>>, vector<1x1x16xf32>,
        %swap3A_1327 = vector.shape_cast %swap3A_1326 : vector<1x1x16xf32> to vector<16xf32>
        %swap3A_1328 = vector.shape_cast %add3A_1321 : vector<16xf32> to vector<1x1x16xf32>
        tpu.vector_store %arg8[%swap3A_1323, %swap3A_1324, %swap3A_1325], %swap3A_1328 {strides = array<i32>} : memref<5x128x64xf32, #tpu.memory_space<vmem>>, vector<1x1x16xf32>,
        %get3A_1329 = arith.constant 4 : i32
        %get3A_1330 = arith.index_cast %get3A_1329 : i32 to index
        %get3A_1331 = arith.index_cast %scan3A_1300 : i32 to index
        %get3A_1332 = arith.constant 32 : index
        %get3A_1333 = tpu.vector_load %arg8[%get3A_1330, %get3A_1331, %get3A_1332] {strides = array<i32>} : memref<5x128x64xf32, #tpu.memory_space<vmem>>, vector<1x1x16xf32>,
        %get3A_1334 = vector.shape_cast %get3A_1333 : vector<1x1x16xf32> to vector<16xf32>
        %add3A_1335 = arith.addf %get3A_1334, %get3A_1071 : vector<16xf32>
        %swap3A_1336 = arith.constant 4 : i32
        %swap3A_1337 = arith.index_cast %swap3A_1336 : i32 to index
        %swap3A_1338 = arith.index_cast %scan3A_1300 : i32 to index
        %swap3A_1339 = arith.constant 32 : index
        %swap3A_1340 = tpu.vector_load %arg8[%swap3A_1337, %swap3A_1338, %swap3A_1339] {strides = array<i32>} : memref<5x128x64xf32, #tpu.memory_space<vmem>>, vector<1x1x16xf32>,
        %swap3A_1341 = vector.shape_cast %swap3A_1340 : vector<1x1x16xf32> to vector<16xf32>
        %swap3A_1342 = vector.shape_cast %add3A_1335 : vector<16xf32> to vector<1x1x16xf32>
        tpu.vector_store %arg8[%swap3A_1337, %swap3A_1338, %swap3A_1339], %swap3A_1342 {strides = array<i32>} : memref<5x128x64xf32, #tpu.memory_space<vmem>>, vector<1x1x16xf32>,
        %get3A_1343 = arith.constant 4 : i32
        %get3A_1344 = arith.index_cast %get3A_1343 : i32 to index
        %get3A_1345 = arith.index_cast %scan3A_1300 : i32 to index
        %get3A_1346 = arith.constant 48 : index
        %get3A_1347 = tpu.vector_load %arg8[%get3A_1344, %get3A_1345, %get3A_1346] {strides = array<i32>} : memref<5x128x64xf32, #tpu.memory_space<vmem>>, vector<1x1x16xf32>,
        %get3A_1348 = vector.shape_cast %get3A_1347 : vector<1x1x16xf32> to vector<16xf32>
        %add3A_1349 = arith.addf %get3A_1348, %get3A_1075 : vector<16xf32>
        %swap3A_1350 = arith.constant 4 : i32
        %swap3A_1351 = arith.index_cast %swap3A_1350 : i32 to index
        %swap3A_1352 = arith.index_cast %scan3A_1300 : i32 to index
        %swap3A_1353 = arith.constant 48 : index
        %swap3A_1354 = tpu.vector_load %arg8[%swap3A_1351, %swap3A_1352, %swap3A_1353] {strides = array<i32>} : memref<5x128x64xf32, #tpu.memory_space<vmem>>, vector<1x1x16xf32>,
        %swap3A_1355 = vector.shape_cast %swap3A_1354 : vector<1x1x16xf32> to vector<16xf32>
        %swap3A_1356 = vector.shape_cast %add3A_1349 : vector<16xf32> to vector<1x1x16xf32>
        tpu.vector_store %arg8[%swap3A_1351, %swap3A_1352, %swap3A_1353], %swap3A_1356 {strides = array<i32>} : memref<5x128x64xf32, #tpu.memory_space<vmem>>, vector<1x1x16xf32>,
      }
      %scan3A_1081 = arith.constant 128 : i32
      %add3A_1082 = arith.addi %mul3A_2, %add3A_959 : i32
      %jit3A_1083 = arith.constant 8 : i32
      %div3A_1084 = arith.divsi %add3A_1082, %jit3A_1083 : i32
      %sign3A_1085 = arith.constant 0 : i32
      %sign3A_1086 = arith.cmpi sgt, %add3A_1082, %sign3A_1085 : i32
      %sign3A_1087 = arith.extui %sign3A_1086 : i1 to i32
      %sign3A_1088 = arith.constant 0 : i32
      %sign3A_1089 = arith.cmpi slt, %add3A_1082, %sign3A_1088 : i32
      %sign3A_1090 = arith.extui %sign3A_1089 : i1 to i32
      %sign3A_1091 = arith.subi %sign3A_1087, %sign3A_1090 : i32
      %sign3A_1092 = arith.constant 0 : i32
      %sign3A_1093 = arith.cmpi sgt, %jit3A_1083, %sign3A_1092 : i32
      %sign3A_1094 = arith.extui %sign3A_1093 : i1 to i32
      %sign3A_1095 = arith.constant 0 : i32
      %sign3A_1096 = arith.cmpi slt, %jit3A_1083, %sign3A_1095 : i32
      %sign3A_1097 = arith.extui %sign3A_1096 : i1 to i32
      %sign3A_1098 = arith.subi %sign3A_1094, %sign3A_1097 : i32
      %ne3A_1099 = arith.cmpi ne, %sign3A_1091, %sign3A_1098 : i32
      %rem3A_1100 = arith.remsi %add3A_1082, %jit3A_1083 : i32
      %ne3A_1101 = arith.constant 0 : i32
      %ne3A_1102 = arith.cmpi ne, %rem3A_1100, %ne3A_1101 : i32
      %and3A_1103 = arith.andi %ne3A_1099, %ne3A_1102 : i1
      %sub3A_1104 = arith.constant 1 : i32
      %sub3A_1105 = arith.subi %div3A_1084, %sub3A_1104 : i32
      %select_n3A_1106 = arith.select %and3A_1103, %sub3A_1105, %div3A_1084 : i32
      %rem3A_1107 = arith.constant 8 : i32
      %rem3A_1108 = arith.remsi %add3A_1082, %rem3A_1107 : i32
      %mul3A_1109 = arith.constant 128 : i32
      %mul3A_1110 = arith.muli %rem3A_1108, %mul3A_1109 : i32
      %mul3A_1111 = arith.constant 64 : i32
      %mul3A_1112 = arith.muli %select_n3A_1106, %mul3A_1111 : i32
      %dma_start3A_1113 = arith.constant 4 : i32
      %dma_start3A_1114 = arith.constant 4 : i32
      %dma_start3A_1115 = arith.constant 0 : i32
      %dma_start3A_1116 = arith.constant 0 : i32
      %dma_start3A_1117 = tpu.memref_slice %arg8[%dma_start3A_1113, %dma_start3A_1115, %dma_start3A_1116] : memref<5x128x64xf32, #tpu.memory_space<vmem>> -> memref<1x128x64xf32, #tpu.memory_space<vmem>>
      %dma_start3A_1118 = tpu.memref_squeeze %dma_start3A_1117 : memref<1x128x64xf32, #tpu.memory_space<vmem>> -> memref<128x64xf32, #tpu.memory_space<vmem>>
      %dma_start3A_1119 = tpu.memref_slice %arg5[%mul3A_1110, %mul3A_1112] : memref<1024x12800xf32, #tpu.memory_space<hbm>> -> memref<128x64xf32, #tpu.memory_space<hbm>>
      %dma_start3A_1120 = tpu.memref_slice %arg10[%dma_start3A_1114] : memref<5x!tpu.dma_semaphore, #tpu.memory_space<semaphore_mem>> -> memref<1x!tpu.dma_semaphore, #tpu.memory_space<semaphore_mem>>
      %dma_start3A_1121 = tpu.memref_squeeze %dma_start3A_1120 : memref<1x!tpu.dma_semaphore, #tpu.memory_space<semaphore_mem>> -> memref<!tpu.dma_semaphore, #tpu.memory_space<semaphore_mem>>
      %dma_start3A_1122 = tpu.memref_slice %arg5[%mul3A_1110, %mul3A_1112] : memref<1024x12800xf32, #tpu.memory_space<hbm>> -> memref<128x64xf32, #tpu.memory_space<hbm>>
      %dma_start3A_1123 = arith.constant 0 : i32
      %dma_start3A_1124 = arith.constant 0 : i32
      %dma_start3A_1125 = tpu.memref_slice %arg8[%dma_start3A_1113, %dma_start3A_1123, %dma_start3A_1124] : memref<5x128x64xf32, #tpu.memory_space<vmem>> -> memref<1x128x64xf32, #tpu.memory_space<vmem>>
      %dma_start3A_1126 = tpu.memref_squeeze %dma_start3A_1125 : memref<1x128x64xf32, #tpu.memory_space<vmem>> -> memref<128x64xf32, #tpu.memory_space<vmem>>
      tpu.enqueue_dma source(%dma_start3A_1126 : memref<128x64xf32, #tpu.memory_space<vmem>>) target(%dma_start3A_1122 : memref<128x64xf32, #tpu.memory_space<hbm>>) target_semaphore(%dma_start3A_1121 : memref<!tpu.dma_semaphore, #tpu.memory_space<semaphore_mem>>)
    }
    %scan3A_185 = arith.constant 10 : i32
    %dma_wait3A = arith.constant 0 : i32
    %dma_wait3A_186 = arith.constant 0 : i32
    %dma_wait3A_187 = arith.constant 0 : i32
    %dma_wait3A_188 = arith.constant 0 : i32
    %dma_wait3A_189 = tpu.memref_slice %arg8[%dma_wait3A, %dma_wait3A_187, %dma_wait3A_188] : memref<5x128x64xf32, #tpu.memory_space<vmem>> -> memref<1x128x64xf32, #tpu.memory_space<vmem>>
    %dma_wait3A_190 = tpu.memref_squeeze %dma_wait3A_189 : memref<1x128x64xf32, #tpu.memory_space<vmem>> -> memref<128x64xf32, #tpu.memory_space<vmem>>
    %dma_wait3A_191 = arith.constant 0 : i32
    %dma_wait3A_192 = arith.constant 0 : i32
    %dma_wait3A_193 = tpu.memref_slice %arg5[%dma_wait3A_191, %dma_wait3A_192] : memref<1024x12800xf32, #tpu.memory_space<hbm>> -> memref<128x64xf32, #tpu.memory_space<hbm>>
    %dma_wait3A_194 = tpu.memref_slice %arg10[%dma_wait3A_186] : memref<5x!tpu.dma_semaphore, #tpu.memory_space<semaphore_mem>> -> memref<1x!tpu.dma_semaphore, #tpu.memory_space<semaphore_mem>>
    %dma_wait3A_195 = tpu.memref_squeeze %dma_wait3A_194 : memref<1x!tpu.dma_semaphore, #tpu.memory_space<semaphore_mem>> -> memref<!tpu.dma_semaphore, #tpu.memory_space<semaphore_mem>>
    %dma_wait3A_196 = arith.constant 0 : i32
    %dma_wait3A_197 = arith.constant 0 : i32
    %dma_wait3A_198 = tpu.memref_slice %arg5[%dma_wait3A_196, %dma_wait3A_197] : memref<1024x12800xf32, #tpu.memory_space<hbm>> -> memref<128x64xf32, #tpu.memory_space<hbm>>
    %dma_wait3A_199 = arith.constant 0 : i32
    %dma_wait3A_200 = arith.constant 0 : i32
    %dma_wait3A_201 = tpu.memref_slice %arg8[%dma_wait3A, %dma_wait3A_199, %dma_wait3A_200] : memref<5x128x64xf32, #tpu.memory_space<vmem>> -> memref<1x128x64xf32, #tpu.memory_space<vmem>>
    %dma_wait3A_202 = tpu.memref_squeeze %dma_wait3A_201 : memref<1x128x64xf32, #tpu.memory_space<vmem>> -> memref<128x64xf32, #tpu.memory_space<vmem>>
    tpu.wait_dma2 semaphore(%dma_wait3A_195 : memref<!tpu.dma_semaphore, #tpu.memory_space<semaphore_mem>>) src(%dma_wait3A_202 : memref<128x64xf32, #tpu.memory_space<vmem>>) dst(%dma_wait3A_198 : memref<128x64xf32, #tpu.memory_space<hbm>>)
    %dma_wait3A_203 = arith.constant 1 : i32
    %dma_wait3A_204 = arith.constant 1 : i32
    %dma_wait3A_205 = arith.constant 0 : i32
    %dma_wait3A_206 = arith.constant 0 : i32
    %dma_wait3A_207 = tpu.memref_slice %arg8[%dma_wait3A_203, %dma_wait3A_205, %dma_wait3A_206] : memref<5x128x64xf32, #tpu.memory_space<vmem>> -> memref<1x128x64xf32, #tpu.memory_space<vmem>>
    %dma_wait3A_208 = tpu.memref_squeeze %dma_wait3A_207 : memref<1x128x64xf32, #tpu.memory_space<vmem>> -> memref<128x64xf32, #tpu.memory_space<vmem>>
    %dma_wait3A_209 = arith.constant 0 : i32
    %dma_wait3A_210 = arith.constant 0 : i32
    %dma_wait3A_211 = tpu.memref_slice %arg5[%dma_wait3A_209, %dma_wait3A_210] : memref<1024x12800xf32, #tpu.memory_space<hbm>> -> memref<128x64xf32, #tpu.memory_space<hbm>>
    %dma_wait3A_212 = tpu.memref_slice %arg10[%dma_wait3A_204] : memref<5x!tpu.dma_semaphore, #tpu.memory_space<semaphore_mem>> -> memref<1x!tpu.dma_semaphore, #tpu.memory_space<semaphore_mem>>
    %dma_wait3A_213 = tpu.memref_squeeze %dma_wait3A_212 : memref<1x!tpu.dma_semaphore, #tpu.memory_space<semaphore_mem>> -> memref<!tpu.dma_semaphore, #tpu.memory_space<semaphore_mem>>
    %dma_wait3A_214 = arith.constant 0 : i32
    %dma_wait3A_215 = arith.constant 0 : i32
    %dma_wait3A_216 = tpu.memref_slice %arg5[%dma_wait3A_214, %dma_wait3A_215] : memref<1024x12800xf32, #tpu.memory_space<hbm>> -> memref<128x64xf32, #tpu.memory_space<hbm>>
    %dma_wait3A_217 = arith.constant 0 : i32
    %dma_wait3A_218 = arith.constant 0 : i32
    %dma_wait3A_219 = tpu.memref_slice %arg8[%dma_wait3A_203, %dma_wait3A_217, %dma_wait3A_218] : memref<5x128x64xf32, #tpu.memory_space<vmem>> -> memref<1x128x64xf32, #tpu.memory_space<vmem>>
    %dma_wait3A_220 = tpu.memref_squeeze %dma_wait3A_219 : memref<1x128x64xf32, #tpu.memory_space<vmem>> -> memref<128x64xf32, #tpu.memory_space<vmem>>
    tpu.wait_dma2 semaphore(%dma_wait3A_213 : memref<!tpu.dma_semaphore, #tpu.memory_space<semaphore_mem>>) src(%dma_wait3A_220 : memref<128x64xf32, #tpu.memory_space<vmem>>) dst(%dma_wait3A_216 : memref<128x64xf32, #tpu.memory_space<hbm>>)
    %dma_wait3A_221 = arith.constant 2 : i32
    %dma_wait3A_222 = arith.constant 2 : i32
    %dma_wait3A_223 = arith.constant 0 : i32
    %dma_wait3A_224 = arith.constant 0 : i32
    %dma_wait3A_225 = tpu.memref_slice %arg8[%dma_wait3A_221, %dma_wait3A_223, %dma_wait3A_224] : memref<5x128x64xf32, #tpu.memory_space<vmem>> -> memref<1x128x64xf32, #tpu.memory_space<vmem>>
    %dma_wait3A_226 = tpu.memref_squeeze %dma_wait3A_225 : memref<1x128x64xf32, #tpu.memory_space<vmem>> -> memref<128x64xf32, #tpu.memory_space<vmem>>
    %dma_wait3A_227 = arith.constant 0 : i32
    %dma_wait3A_228 = arith.constant 0 : i32
    %dma_wait3A_229 = tpu.memref_slice %arg5[%dma_wait3A_227, %dma_wait3A_228] : memref<1024x12800xf32, #tpu.memory_space<hbm>> -> memref<128x64xf32, #tpu.memory_space<hbm>>
    %dma_wait3A_230 = tpu.memref_slice %arg10[%dma_wait3A_222] : memref<5x!tpu.dma_semaphore, #tpu.memory_space<semaphore_mem>> -> memref<1x!tpu.dma_semaphore, #tpu.memory_space<semaphore_mem>>
    %dma_wait3A_231 = tpu.memref_squeeze %dma_wait3A_230 : memref<1x!tpu.dma_semaphore, #tpu.memory_space<semaphore_mem>> -> memref<!tpu.dma_semaphore, #tpu.memory_space<semaphore_mem>>
    %dma_wait3A_232 = arith.constant 0 : i32
    %dma_wait3A_233 = arith.constant 0 : i32
    %dma_wait3A_234 = tpu.memref_slice %arg5[%dma_wait3A_232, %dma_wait3A_233] : memref<1024x12800xf32, #tpu.memory_space<hbm>> -> memref<128x64xf32, #tpu.memory_space<hbm>>
    %dma_wait3A_235 = arith.constant 0 : i32
    %dma_wait3A_236 = arith.constant 0 : i32
    %dma_wait3A_237 = tpu.memref_slice %arg8[%dma_wait3A_221, %dma_wait3A_235, %dma_wait3A_236] : memref<5x128x64xf32, #tpu.memory_space<vmem>> -> memref<1x128x64xf32, #tpu.memory_space<vmem>>
    %dma_wait3A_238 = tpu.memref_squeeze %dma_wait3A_237 : memref<1x128x64xf32, #tpu.memory_space<vmem>> -> memref<128x64xf32, #tpu.memory_space<vmem>>
    tpu.wait_dma2 semaphore(%dma_wait3A_231 : memref<!tpu.dma_semaphore, #tpu.memory_space<semaphore_mem>>) src(%dma_wait3A_238 : memref<128x64xf32, #tpu.memory_space<vmem>>) dst(%dma_wait3A_234 : memref<128x64xf32, #tpu.memory_space<hbm>>)
    %dma_wait3A_239 = arith.constant 3 : i32
    %dma_wait3A_240 = arith.constant 3 : i32
    %dma_wait3A_241 = arith.constant 0 : i32
    %dma_wait3A_242 = arith.constant 0 : i32
    %dma_wait3A_243 = tpu.memref_slice %arg8[%dma_wait3A_239, %dma_wait3A_241, %dma_wait3A_242] : memref<5x128x64xf32, #tpu.memory_space<vmem>> -> memref<1x128x64xf32, #tpu.memory_space<vmem>>
    %dma_wait3A_244 = tpu.memref_squeeze %dma_wait3A_243 : memref<1x128x64xf32, #tpu.memory_space<vmem>> -> memref<128x64xf32, #tpu.memory_space<vmem>>
    %dma_wait3A_245 = arith.constant 0 : i32
    %dma_wait3A_246 = arith.constant 0 : i32
    %dma_wait3A_247 = tpu.memref_slice %arg5[%dma_wait3A_245, %dma_wait3A_246] : memref<1024x12800xf32, #tpu.memory_space<hbm>> -> memref<128x64xf32, #tpu.memory_space<hbm>>
    %dma_wait3A_248 = tpu.memref_slice %arg10[%dma_wait3A_240] : memref<5x!tpu.dma_semaphore, #tpu.memory_space<semaphore_mem>> -> memref<1x!tpu.dma_semaphore, #tpu.memory_space<semaphore_mem>>
    %dma_wait3A_249 = tpu.memref_squeeze %dma_wait3A_248 : memref<1x!tpu.dma_semaphore, #tpu.memory_space<semaphore_mem>> -> memref<!tpu.dma_semaphore, #tpu.memory_space<semaphore_mem>>
    %dma_wait3A_250 = arith.constant 0 : i32
    %dma_wait3A_251 = arith.constant 0 : i32
    %dma_wait3A_252 = tpu.memref_slice %arg5[%dma_wait3A_250, %dma_wait3A_251] : memref<1024x12800xf32, #tpu.memory_space<hbm>> -> memref<128x64xf32, #tpu.memory_space<hbm>>
    %dma_wait3A_253 = arith.constant 0 : i32
    %dma_wait3A_254 = arith.constant 0 : i32
    %dma_wait3A_255 = tpu.memref_slice %arg8[%dma_wait3A_239, %dma_wait3A_253, %dma_wait3A_254] : memref<5x128x64xf32, #tpu.memory_space<vmem>> -> memref<1x128x64xf32, #tpu.memory_space<vmem>>
    %dma_wait3A_256 = tpu.memref_squeeze %dma_wait3A_255 : memref<1x128x64xf32, #tpu.memory_space<vmem>> -> memref<128x64xf32, #tpu.memory_space<vmem>>
    tpu.wait_dma2 semaphore(%dma_wait3A_249 : memref<!tpu.dma_semaphore, #tpu.memory_space<semaphore_mem>>) src(%dma_wait3A_256 : memref<128x64xf32, #tpu.memory_space<vmem>>) dst(%dma_wait3A_252 : memref<128x64xf32, #tpu.memory_space<hbm>>)
    %dma_wait3A_257 = arith.constant 4 : i32
    %dma_wait3A_258 = arith.constant 4 : i32
    %dma_wait3A_259 = arith.constant 0 : i32
    %dma_wait3A_260 = arith.constant 0 : i32
    %dma_wait3A_261 = tpu.memref_slice %arg8[%dma_wait3A_257, %dma_wait3A_259, %dma_wait3A_260] : memref<5x128x64xf32, #tpu.memory_space<vmem>> -> memref<1x128x64xf32, #tpu.memory_space<vmem>>
    %dma_wait3A_262 = tpu.memref_squeeze %dma_wait3A_261 : memref<1x128x64xf32, #tpu.memory_space<vmem>> -> memref<128x64xf32, #tpu.memory_space<vmem>>
    %dma_wait3A_263 = arith.constant 0 : i32
    %dma_wait3A_264 = arith.constant 0 : i32
    %dma_wait3A_265 = tpu.memref_slice %arg5[%dma_wait3A_263, %dma_wait3A_264] : memref<1024x12800xf32, #tpu.memory_space<hbm>> -> memref<128x64xf32, #tpu.memory_space<hbm>>
    %dma_wait3A_266 = tpu.memref_slice %arg10[%dma_wait3A_258] : memref<5x!tpu.dma_semaphore, #tpu.memory_space<semaphore_mem>> -> memref<1x!tpu.dma_semaphore, #tpu.memory_space<semaphore_mem>>
    %dma_wait3A_267 = tpu.memref_squeeze %dma_wait3A_266 : memref<1x!tpu.dma_semaphore, #tpu.memory_space<semaphore_mem>> -> memref<!tpu.dma_semaphore, #tpu.memory_space<semaphore_mem>>
    %dma_wait3A_268 = arith.constant 0 : i32
    %dma_wait3A_269 = arith.constant 0 : i32
    %dma_wait3A_270 = tpu.memref_slice %arg5[%dma_wait3A_268, %dma_wait3A_269] : memref<1024x12800xf32, #tpu.memory_space<hbm>> -> memref<128x64xf32, #tpu.memory_space<hbm>>
    %dma_wait3A_271 = arith.constant 0 : i32
    %dma_wait3A_272 = arith.constant 0 : i32
    %dma_wait3A_273 = tpu.memref_slice %arg8[%dma_wait3A_257, %dma_wait3A_271, %dma_wait3A_272] : memref<5x128x64xf32, #tpu.memory_space<vmem>> -> memref<1x128x64xf32, #tpu.memory_space<vmem>>
    %dma_wait3A_274 = tpu.memref_squeeze %dma_wait3A_273 : memref<1x128x64xf32, #tpu.memory_space<vmem>> -> memref<128x64xf32, #tpu.memory_space<vmem>>
    tpu.wait_dma2 semaphore(%dma_wait3A_267 : memref<!tpu.dma_semaphore, #tpu.memory_space<semaphore_mem>>) src(%dma_wait3A_274 : memref<128x64xf32, #tpu.memory_space<vmem>>) dst(%dma_wait3A_270 : memref<128x64xf32, #tpu.memory_space<hbm>>)
    return
  }
}

</mosaic_0001>

<sc_bundles>
// kernel: kernel.3.cloned.1.call-start
scs
__scs_entry_jumppad:
0x0: {  	(pc) =	sbr.rel $0x88, $3  }
0x1: {  	(tag) =	ssettag $0x0;
	lr =	simm.s32 $0x1  }
0x2: {  	[smem:$0x3F9E] =	sst lr;
	_ =	strace $0xD0000000  }
0x3: {  	_ = 	snop  }
0x4: {  	_ = 	snop  }
0x5: {  	_ = 	snop  }
0x6: {  	_ = 	snop  }
0x7: {  	_ = 	snop  }
__scs_overlays_trampoline_lowered:
0x8: {  	[smem:$0x3FAD] =	sst s0  }
0x9: {  	[smem:$0x3FAE] =	sst s1  }
0xa: {  	[smem:$0x3FAF] =	sst s2  }
0xb: {  	[smem:$0x3FB0] =	sst s3  }
0xc: {  	[smem:$0x3FB1] =	sst s4  }
0xd: {  	[smem:$0x3FB2] =	sst s5  }
0xe: {  	[smem:$0x3FB3] =	sst s6  }
0xf: {  	[smem:$0x3FB4] =	sst s7  }
0x10: {  	[smem:$0x3FB5] =	sst s8  }
0x11: {  	[smem:$0x3FB6] =	sst s9;
	s0 =	simm.s32 @!p0 $0x0  }
0x12: {  	s1 =	sld [smem:$0x3F9C];
	s0 =	simm.s32 @p0 $0x1  }
0x13: {  	[smem:$0x3FB7] =	sst s0;
	s0 =	simm.s32 @!p1 $0x0  }
0x14: {  	s2 =	sld [smem:$0x3F9B];
	s0 =	simm.s32 @p1 $0x1  }
0x15: {  	[smem:$0x3FB8] =	sst s0;
	s0 =	simm.s32 @!p2 $0x0  }
0x16: {  	s3 =	sld [smem:$0x3FDB];
	s0 =	simm.s32 @p2 $0x1  }
0x17: {  	s4 =	simm.s32 $0x1BF5;
	[smem:$0x3FBA] =	sst s0  }
0x18: {  	s0 =	sld [smem:$0x3F9D];
	_ =	swait.ge [sflag:s4], $0x0  }
0x19: {  	s7 =	sld [smem:$0x3F9E]  }
0x1a: {  	s8 =	sadd.s32 $0xFFFFE003, lr  }
0x1b: {  	s9 =	sadd.s32 $0xFFFFFEF7, lr;
	s5 =	simm.s32 $0xFFFFFFFF;
	p2 =	slt.u32 s8, $0xFFFFF086  }
0x1c: {  	p1 =	slt.u32 s9, $0xF7A;
	s5 =	simm.s32 @!p2 $0x0  }
0x1d: {  	s5 =	simm.s32 @p1 $0x1;
	p0 =	seq.s32 s7, s2  }
0x1e: {  	s7 =	smul.u32 @!p0 $0xF7A, s2;
	p2 =	seq.s32 @!p0 s5, $0x0  }
0x1f: {  	s9 =	smul.u32 $0xF7A, s1;
	s8 =	simm.s32 @!p0 $0x1BF5;
	p2 =	por !p2, p0  }
0x20: {  	[sflag:s8] =	ssyncset.s32 @!p0 $0xFFFFF086;
	s6 =	sadd.s32 @!p0 s3, s7;
	s7 =	simm.s32 @!p0 $0x108  }
0x21: {  	s3 =	sadd.s32 s3, s9;
	s6 =	sadd.s32 @!p0 $0x88, s6;
	s7 =	simm.s32 @p2 $0x1082  }
0x22: {  	[simem:s7], [sflag:s8] =	dma.local @!p0 [hbm:s6], $0xF7A  }
0x23: {  	s9 =	sor.u32 $0xD0000000, s2;
	s6 =	simm.s32 $0x108;
	_ =	swait.ge @!p0 [sflag:s8], $0x0  }
0x24: {  	s3 =	sadd.s32 $0x88, s3;
	s6 =	simm.s32 @!p1 $0x1082;
	[sflag:s4] =	ssyncset.s32 $0xFFFFF086  }
0x25: {  	[simem:s6], [sflag:s4] =	dma.local [hbm:s3], $0xF7A  }
0x26: {  	[smem:$0x3F9E] =	sst s1;
	(tag) =	ssettag s2;
	_ =	strace s9  }
0x27: {  	s1 =	sld [smem:$0x3FAE]  }
0x28: {  	s2 =	sld [smem:$0x3FAF]  }
0x29: {  	s4 =	sld [smem:$0x3FB1]  }
0x2a: {  	p0 =	seq.s32 s5, $0x0;
	s5 =	sld [smem:$0x3FB2]  }
0x2b: {  	s6 =	sld [smem:$0x3FB3]  }
0x2c: {  	s7 =	sld [smem:$0x3FB4]  }
0x2d: {  	s3 =	simm.s32 $0x108;
	s8 =	sld [smem:$0x3FB5]  }
0x2e: {  	s3 =	simm.s32 @!p0 $0x1082;
	s9 =	sld [smem:$0x3FB6]  }
0x2f: {  	lr =	sadd.s32 s0, s3;
	s0 =	sld [smem:$0x3FAD]  }
0x30: {  	s3 =	sld [smem:$0x3FB0]  }
0x31: {  	[smem:$0x3FB9] =	sst s10  }
0x32: {  	s10 =	sld [smem:$0x3FB7];
	_ =	sdelay $0x3  }
0x33: {  	p0 =	seq.s32 s10, $0x1;
	s10 =	sld [smem:$0x3FB9];
	_ =	sdelay $0x3  }
0x34: {  	[smem:$0x3FB9] =	sst s10  }
0x35: {  	s10 =	sld [smem:$0x3FB8];
	_ =	sdelay $0x3  }
0x36: {  	p1 =	seq.s32 s10, $0x1;
	s10 =	sld [smem:$0x3FB9];
	_ =	sdelay $0x3  }
0x37: {  	[smem:$0x3FB9] =	sst s10  }
0x38: {  	s10 =	sld [smem:$0x3FBA]  }
0x39: {  	_ = 	snop;
	(pc) =	sbr.ind lr, $3  }
0x3a: {  	_ = 	snop  }
0x3b: {  	_ = 	snop  }
0x3c: {  	p2 =	seq.s32 s10, $0x1;
	s10 =	sld [smem:$0x3FB9]  }
0x3d: {  	_ =	shalt  }
0x3e: {  	_ =	shalt  }
0x3f: {  	_ =	shalt  }
0x40: {  	_ =	shalt  }
0x41: {  	_ =	shalt  }
0x42: {  	_ =	shalt  }
0x43: {  	_ =	shalt  }
0x44: {  	_ =	shalt  }
0x45: {  	_ =	shalt  }
0x46: {  	_ =	shalt  }
0x47: {  	_ =	shalt  }
0x48: {  	_ =	shalt  }
0x49: {  	_ =	shalt  }
0x4a: {  	_ =	shalt  }
0x4b: {  	_ =	shalt  }
0x4c: {  	_ =	shalt  }
0x4d: {  	_ =	shalt  }
0x4e: {  	_ =	shalt  }
0x4f: {  	_ =	shalt  }
0x50: {  	_ =	shalt  }
0x51: {  	_ =	shalt  }
0x52: {  	_ =	shalt  }
0x53: {  	_ =	shalt  }
0x54: {  	_ =	shalt  }
0x55: {  	_ =	shalt  }
0x56: {  	_ =	shalt  }
0x57: {  	_ =	shalt  }
0x58: {  	_ =	shalt  }
0x59: {  	_ =	shalt  }
0x5a: {  	_ =	shalt  }
0x5b: {  	_ =	shalt  }
0x5c: {  	_ =	shalt  }
0x5d: {  	_ =	shalt  }
0x5e: {  	_ =	shalt  }
0x5f: {  	_ =	shalt  }
0x60: {  	_ =	shalt  }
0x61: {  	_ =	shalt  }
0x62: {  	_ =	shalt  }
0x63: {  	_ =	shalt  }
0x64: {  	_ =	shalt  }
0x65: {  	_ =	shalt  }
0x66: {  	_ =	shalt  }
0x67: {  	_ =	shalt  }
0x68: {  	_ =	shalt  }
0x69: {  	_ =	shalt  }
0x6a: {  	_ =	shalt  }
0x6b: {  	_ =	shalt  }
0x6c: {  	_ =	shalt  }
0x6d: {  	_ =	shalt  }
0x6e: {  	_ =	shalt  }
0x6f: {  	_ =	shalt  }
0x70: {  	_ =	shalt  }
0x71: {  	_ =	shalt  }
0x72: {  	_ =	shalt  }
0x73: {  	_ =	shalt  }
0x74: {  	_ =	shalt  }
0x75: {  	_ =	shalt  }
0x76: {  	_ =	shalt  }
0x77: {  	_ =	shalt  }
0x78: {  	_ =	shalt  }
0x79: {  	_ =	shalt  }
0x7a: {  	_ =	shalt  }
0x7b: {  	_ =	shalt  }
0x7c: {  	_ =	shalt  }
0x7d: {  	_ =	shalt  }
0x7e: {  	_ =	shalt  }
0x7f: {  	_ =	shalt  }
0x80: {  	_ =	shalt  }
0x81: {  	_ =	shalt  }
0x82: {  	_ =	shalt  }
0x83: {  	_ =	shalt  }
0x84: {  	_ =	shalt  }
0x85: {  	_ =	shalt  }
0x86: {  	_ =	shalt  }
0x87: {  	_ =	shalt  }
.Lfunc_end0:
.L_simem_size_0:
called_computation.1_lowered:
.L_overlay_start_0:
0x88: {  	s2 =	sld [smem:$0x3FD9]  }
0x89: {  	s3 =	sld [smem:$0x3FFE];
	_ =	sdelay $0x1  }
0x8a: {  	s1 =	srdreg.scid  }
0x8b: {  	s0 =	sand.u32 $0x1, s1  }
0x8c: {  	s17 =	sshll.u32 s0, $0xA;
	s2 =	sadd.s32 s3, s2  }
0x8d: {  	s2 =	sadd.s32 s2, s17  }
0x8e: {  	[smem:$0x3FC5] =	sst s2  }
0x8f: {  	_ = 	snop  }
0x90: {  	s2 =	sld [smem:$0x3FC9]  }
0x91: {  	s18 =	sld [smem:$0x3FD0];
	(tm) =	ssettm $0x1  }
0x92: {  	s4 =	sld [smem:$0x3FFB];
	_ =	sdelay $0x3  }
0x93: {  	_ =	strace s4  }
0x94: {  	s4 =	sld [smem:$0x3FFC];
	_ =	sdelay $0x3  }
0x95: {  	_ =	strace s4  }
0x96: {  	s4 =	sld [smem:$0x3FFD];
	_ =	sdelay $0x3  }
0x97: {  	_ =	strace s4  }
0x98: {  	_ =	strace $0x8FFFFFFF  }
0x99: {  	s19 =	sld [smem:$0x3FDB];
	_ =	sdelay $0x1  }
0x9a: {  	s5 =	simm.s32 $_scs_section_size  }
0x9b: {  	s6 =	simm.s32 $_size__tile_overlayer_lowered;
	s7 =	simm.s32 $_tile_overlayer_lowered  }
0x9c: {  	s22 =	simm.s32 $0x1BFF;
	s21 =	sshll.u32 s7, $0x1;
	s4 =	sadd.s32 s5, s19  }
0x9d: {  	s8 =	simm.s32 $0x0;
	s20 =	sshll.u32 s6, $0x1;
	s6 =	sadd.s32 s21, s4  }
0x9e: {  	[timem:s8], [sflag:s22] =	dma.local [hbm:s6], s20  }
0x9f: {  	_ =	swait.ge [sflag:s22], s20  }
0xa0: {  	s5 =	ssub.s32 $0x0, s20;
	[sflag:s22] =	ssyncset.done $0x0  }
0xa1: {  	[sflag:s22] =	ssyncadd.s32 s5;
	_ =	sdelay $0x1  }
0xa2: {  	s23 =	simm.s32 $0x1B8B  }
0xa3: {  	_ =	swait.ge [sflag:s23], $0x1  }
0xa4: {  	[sflag:s23] =	ssyncset.done $0x0  }
0xa5: {  	s25 =	simm.s32 $0x1B8E;
	s24 =	sld [smem:$0x3FFE];
	[sflag:s23] =	ssyncadd.s32 $0xFFFFFFFF  }
0xa6: {  	s26 =	simm.s32 $execute0_lowered;
	[smem:$0x3FD2] =	sst s25  }
0xa7: {  	s6 =	sshll.u32 s26, $0x1;
	_ =	strace $0x80000046;
	[dreg:$0x1] =	wrdreg $0xFFFFFFFF  }
0xa8: {  	s28 =	simm.s32 $_size_execute0_lowered;
	s4 =	sadd.s32 s4, s6;
	[dreg:$0x0] =	wrdreg $0x0  }
0xa9: {  	s6 =	sshll.u32 s28, $0x1;
	[dreg:$0x2] =	wrdreg s4  }
0xaa: {  	[dreg:$0x3] =	wrdreg s6  }
0xab: {  	[dreg:$0x4] =	wrdreg $0xC0  }
0xac: {  	_ =	task [dreg:s8], $0x5FFFF  }
0xad: {  	[dreg:$0x1] =	wrdreg $0xFFFFFFFF  }
0xae: {  	[dreg:$0x0] =	wrdreg $0x60  }
0xaf: {  	[dreg:$0x2] =	wrdreg s2  }
0xb0: {  	[dreg:$0x3] =	wrdreg s24  }
0xb1: {  	[dreg:$0x4] =	wrdreg s18  }
0xb2: {  	[dreg:$0x5] =	wrdreg $0x9  }
0xb3: {  	_ =	task.clear_ibuf [dreg:s8], $0x6FFFF;
	_ =	strace $0x90000046  }
0xb4: {  	s29 =	simm.s32 $0x9;
	_ =	strace $0x80000048  }
0xb5: {  	_ =	swait.ge [sflag:s29], $0x1  }
0xb6: {  	[sflag:s29] =	ssyncadd.s32 $0xFFFFFFFF  }
0xb7: {  	_ =	strace $0x90000048  }
0xb8: {  	_ =	sfence  }
0xb9: {  	s30 =	sld [smem:$0x0];
	_ =	sdelay $0x2  }
0xba: {  	s31 =	sshll.u32 s1, $0xD;
	s1 =	sshrl.u32 s1, $0x2  }
0xbb: {  	s3 =	sand.u32 $0x4000, s31;
	s1 =	sadd.s32 s1, s30  }
0xbc: {  	s0 =	sor.u32 s3, s0;
	s1 =	sshll.u32 s1, $0x11  }
0xbd: {  	s0 =	sor.u32 s1, s0  }
0xbe: {  	s0 =	sadd.s32 $0x8F2B, s0  }
0xbf: {  	[sflag:s0] =	ssyncadd.remote.s32 $0x1  }
0xc0: {  	_ =	sfence.sel $0xFFFF  }
0xc1: {  	[dreg:$0x0] =	wrdreg $0xFFFFFFFF;
	(pc) =	sbr.abs _section_cstart, $3  }
0xc2: {  	[dreg:$0x1] =	wrdreg $0xFFFFFFFF  }
0xc3: {  	_ =	task.clear_ibuf [dreg:s8], $0x2FFFF;
	_ =	strace $0x9FFFFFFF  }
0xc4: {  	(tm) =	ssettm $0x7FFFFFFF  }
0xc5: {  	_ =	shalt  }
tec
execute0_lowered:
.L_overlay_start_1:
0x0: {  	(tag) =	ssettag $0x1  }
0x1: {  	s0 =	srdreg.scid  }
0x2: {  	s2 =	stileid.u32;
	s1 =	rddreg [dreg:$0x0]  }
0x3: {  	s4 =	rddreg [dreg:$0x1];
	s5 =	simm.s32 $0x0;
	s20 =	simm.s32 $0x80  }
0x4: {  	s28 =	simm.s32 $0xD200;
	s29 =	simm.s32 $0x2;
	s30 =	simm.s32 $0xF200  }
0x5: {  	s31 =	simm.s32 $0x3;
	s0 =	sand.u32 $0x1, s0;
	s2 =	sshll.u32 s2, $0x1  }
0x6: {  	[smem:$0x7FF] =	sst s5;
	s5 =	sadd.s32 $0xF43000, s4;
	s4 =	sadd.s32 $0xC00, s4  }
0x7: {  	s7 =	sor.u32 s0, s2;
	s2 =	rddreg [dreg:$0x2];
	_ =	strace $0x80000047  }
0x8: {  	[dreg:$0x4] =	wrdreg s4;
	s0 =	ssub.s32 $0x2, s0;
	s3 =	smul.u32 $0x32, s7  }
0x9: {  	s23 =	smul.u32 $0xC80, s7;
	s7 =	sshll.u32 s7, $0xB;
	s9 =	sshrl.u32 s0, $0x1  }
0xa: {  	s7 =	sand.u32 $0x1800, s7;
	s0 =	ssub.s32 s0, s9;
	s8 =	sshrl.u32 s3, $0x6  }
0xb: {  	s11 =	sadd.s32 $0x2, s3;
	s12 =	sadd.s32 $0x3, s3;
	s13 =	sor.u32 $0x1, s3  }
0xc: {  	s14 =	sadd.s32 $0x4, s3;
	s15 =	sadd.s32 $0x5, s3;
	s0 =	smax.u32 s0, $0x1  }
0xd: {  	s16 =	sadd.s32 $0x6, s3;
	s6 =	smin.u32 s8, $0x17;
	[dreg:$0x8] =	wrdreg s0  }
0xe: {  	s0 =	simm.s32 $0x5;
	s22 =	ssub.s32 s8, s6;
	s8 =	sand.u32 $0xE00, s23  }
0xf: {  	s25 =	sshll.u32 s6, $0xA;
	s23 =	simm.s32 $0xB200;
	s4 =	sshll.u32 s22, $0xF  }
0x10: {  	s24 =	sshrl.u32 s8, $0x2;
	s1 =	sadd.s32 s1, s25;
	s4 =	sshra.s32 s4, $0x2  }
0x11: {  	s22 =	simm.s32 $0x9200;
	s25 =	simm.s32 $0x40;
	s4 =	sor.u32 s7, s4  }
0x12: {  	s8 =	simm.s32 $0x0;
	[dreg:$0x6] =	wrdreg s1;
	s4 =	sor.u32 s24, s4  }
0x13: {  	s1 =	simm.s32 $0x4;
	[dreg:$0x5] =	wrdreg s4;
	s26 =	sor.u32 $0x400, s4  }
0x14: {  	s24 =	simm.s32 $0x1;
	[dreg:$0x7] =	wrdreg s26;
	s26 =	simm.s32 $0x3200  }
.LBB2_1:
0x15: {  	[dreg:$0x9] =	wrdreg s8  }
0x16: {  	s4 =	simm.s32 $0x0;
	s7 =	rddreg [dreg:$0x6];
	s10 =	simm.s32 $0xB  }
0x17: {  	[tilespmem:s4], [sflag:$0xB] =	stream.linear.gather [hbm4b:s7+s4], $0x4000, $0x38;
	[tilespmem:$0x11200] =	vst v63  }
0x18: {  	_ =	swait.ge [sflag:s10], $0x4000  }
0x19: {  	[sflag:s10] =	ssyncset.done $0x0  }
0x1a: {  	s9 =	simm.s32 $0x4000;
	s17 =	rddreg [dreg:$0x4];
	[sflag:s10] =	ssyncadd.s32 $0xFFFFC000  }
0x1b: {  	[tilespmem:s9], [sflag:$0xB] =	stream.linear.gather [hbm4b:s17+s4], $0x3200, $0x38;
	[tilespmem:$0x11200] =	vst v63  }
0x1c: {  	_ =	swait.ge [sflag:s10], $0x3200  }
0x1d: {  	[sflag:s10] =	ssyncset.done $0x0  }
0x1e: {  	s19 =	simm.s32 $0x7200;
	s18 =	rddreg [dreg:$0x5];
	[sflag:s10] =	ssyncadd.s32 $0xFFFFCE00  }
0x1f: {  	[tilespmem:s19], [sflag:$0x1] =	stream.indirect.gather [hbm4b:s5+s20], $0x40, s18, s20, $0xb8;
	[tilespmem:$0x11200] =	vst v63  }
0x20: {  	s8 =	simm.s32 $0x0;
	s21 =	rddreg [dreg:$0x7]  }
0x21: {  	[tilespmem:s22], [sflag:$0x2] =	stream.indirect.gather [hbm4b:s5+s20], $0x40, s21, s20, $0xb8;
	[tilespmem:$0x11200] =	vst v63  }
.LBB2_2:
0x22: {  	s19 =	smul.u32 $0x5, s8;
	_ =	sdelay $0x1  }
0x23: {  	s9 =	sadd.s32 s19, s11  }
0x24: {  	p0 =	seq.s32 s8, $0x0;
	s4 =	sshrl.u32 s9, $0x6  }
0x25: {  	s7 =	simm.s32 @!p0 $0x8;
	s4 =	ssub.s32 s4, s6  }
0x26: {  	_ =	swait.ge @!p0 [sflag:s7], $0x2000;
	s10 =	sshll.u32 s9, $0xA;
	s4 =	sshll.u32 s4, $0xF  }
0x27: {  	s17 =	sshll.u32 s9, $0x4;
	s10 =	sand.u32 $0x1C00, s10;
	s4 =	sshra.s32 s4, $0x2  }
0x28: {  	[sflag:s7] =	ssyncset.done @!p0 $0x0;
	s18 =	sand.u32 $0x380, s17;
	s4 =	sor.u32 s10, s4  }
0x29: {  	[sflag:s7] =	ssyncadd.s32 @!p0 $0xFFFFE000;
	s4 =	sor.u32 s18, s4  }
0x2a: {  	[tilespmem:s23], [sflag:$0x3] =	stream.indirect.gather [hbm4b:s5+s20], $0x40, s4, s20, $0xb8;
	[tilespmem:$0x11200] =	vst v63  }
0x2b: {  	s10 =	sadd.s32 s3, s19;
	_ =	swait.ge [sflag:s24], $0x2000  }
0x2c: {  	s21 =	sshll.u32 s10, $0x3;
	[sflag:s24] =	ssyncset.done $0x0  }
0x2d: {  	s4 =	sand.u32 $0x7FFFFFC0, s21;
	[sflag:s24] =	ssyncadd.s32 $0xFFFFE000  }
0x2e: {  	v3 =	vld [tilespmem:s4+$0x4000]  }
0x2f: {  	v2 =	vld [tilespmem:s4+$0x4010]  }
0x30: {  	v1 =	vld [tilespmem:s4+$0x4020]  }
0x31: {  	s7 =	simm.s32 $0x7280;
	v0 =	vld [tilespmem:s4+$0x4030]  }
0x32: {  	v4 =	vld [tilespmem:s7+$0xFFFFFF80]  }
0x33: {  	v5 =	vld [tilespmem:s7+$0xFFFFFF90]  }
0x34: {  	v6 =	vld [tilespmem:s7+$0xFFFFFFA0]  }
0x35: {  	v7 =	vld [tilespmem:s7+$0xFFFFFFB0]  }
0x36: {  	v8 =	vld [tilespmem:s7+$0xFFFFFFC0]  }
0x37: {  	v9 =	vld [tilespmem:s7+$0xFFFFFFD0];
	v4 =	vadd.f32 v4, v3  }
0x38: {  	v10 =	vld [tilespmem:s7+$0xFFFFFFE0];
	v5 =	vadd.f32 v5, v2  }
0x39: {  	[tilespmem:s7+$0xFFFFFF80] =	vst v4;
	v4 =	vadd.f32 v6, v1;
	v6 =	vld [tilespmem:s7+$0x0]  }
0x3a: {  	[tilespmem:s7+$0xFFFFFF90] =	vst v5;
	v5 =	vadd.f32 v7, v0;
	v7 =	vld [tilespmem:s7+$0x10]  }
0x3b: {  	[tilespmem:s7+$0xFFFFFFA0] =	vst v4;
	v4 =	vadd.f32 v8, v3;
	v8 =	vld [tilespmem:s7+$0x20]  }
0x3c: {  	v11 =	vld [tilespmem:s7+$0x30];
	v9 =	vadd.f32 v9, v2;
	[tilespmem:s7+$0xFFFFFFB0] =	vst v5  }
0x3d: {  	v5 =	vld [tilespmem:s7+$0x40];
	[tilespmem:s7+$0xFFFFFFC0] =	vst v4;
	v4 =	vadd.f32 v10, v1  }
0x3e: {  	[tilespmem:s7+$0xFFFFFFD0] =	vst v9;
	v9 =	vadd.f32 v6, v3;
	v6 =	vld [tilespmem:s7+$0x50]  }
0x3f: {  	v10 =	vadd.f32 v7, v2;
	v7 =	vld [tilespmem:s7+$0x60];
	[tilespmem:s7+$0xFFFFFFE0] =	vst v4  }
0x40: {  	[tilespmem:s7+$0x0] =	vst v9;
	v9 =	vadd.f32 v8, v1;
	v8 =	vld [tilespmem:s7+$0x70]  }
0x41: {  	s17 =	simm.s32 $0x0;
	s18 =	simm.s32 $0x7380;
	v4 =	vld [tilespmem:s7+$0xFFFFFFF0];
	[tilespmem:s7+$0x10] =	vst v10;
	v10 =	vadd.f32 v11, v0  }
.LBB2_3:
0x42: {  	v11 =	vld [tilespmem:s18+$0xFFFFFF80];
	[tilespmem:s7+$0x20] =	vst v9;
	v5 =	vadd.f32 v5, v3  }
0x43: {  	v9 =	vld [tilespmem:s18+$0xFFFFFF90];
	[tilespmem:s7+$0x30] =	vst v10;
	v6 =	vadd.f32 v6, v2  }
0x44: {  	v10 =	vld [tilespmem:s18+$0xFFFFFFA0];
	[tilespmem:s7+$0x40] =	vst v5;
	v5 =	vadd.f32 v7, v1  }
0x45: {  	v7 =	vld [tilespmem:s18+$0xFFFFFFB0];
	[tilespmem:s7+$0x50] =	vst v6;
	v6 =	vadd.f32 v8, v0  }
0x46: {  	v8 =	vld [tilespmem:s18+$0xFFFFFFC0];
	v4 =	vadd.f32 v4, v0;
	[tilespmem:s7+$0x60] =	vst v5  }
0x47: {  	v5 =	vadd.f32 v11, v3;
	v11 =	vld [tilespmem:s18+$0xFFFFFFD0];
	[tilespmem:s7+$0x70] =	vst v6  }
0x48: {  	v6 =	vadd.f32 v9, v2;
	v9 =	vld [tilespmem:s18+$0xFFFFFFE0];
	[tilespmem:s7+$0xFFFFFFF0] =	vst v4;
	s7 =	smov.u32 s18  }
0x49: {  	[tilespmem:s18+$0xFFFFFF80] =	vst v5;
	v4 =	vadd.f32 v10, v1;
	v10 =	vld [tilespmem:s18+$0x0]  }
0x4a: {  	[tilespmem:s18+$0xFFFFFF90] =	vst v6;
	v5 =	vadd.f32 v7, v0;
	v7 =	vld [tilespmem:s18+$0x10]  }
0x4b: {  	s17 =	sadd.s32 $0x4, s17;
	[tilespmem:s18+$0xFFFFFFA0] =	vst v4;
	v4 =	vadd.f32 v8, v3;
	v8 =	vld [tilespmem:s18+$0x20]  }
0x4c: {  	p1 =	slt.u32 s17, $0x7C;
	[tilespmem:s18+$0xFFFFFFB0] =	vst v5;
	v6 =	vadd.f32 v11, v2;
	v11 =	vld [tilespmem:s18+$0x30]  }
.Ltmp0:
0x4d: {  	[tilespmem:s18+$0xFFFFFFC0] =	vst v4;
	v4 =	vadd.f32 v9, v1;
	v5 =	vld [tilespmem:s18+$0x40];
	(pc) =	sbr.rel @p1 .LBB2_3-.Ltmp0, $4  }
0x4e: {  	[tilespmem:s18+$0xFFFFFFD0] =	vst v6;
	v9 =	vadd.f32 v10, v3;
	v6 =	vld [tilespmem:s18+$0x50]  }
0x4f: {  	[tilespmem:s18+$0xFFFFFFE0] =	vst v4;
	v10 =	vadd.f32 v7, v2;
	v7 =	vld [tilespmem:s18+$0x60]  }
0x50: {  	[tilespmem:s18+$0x0] =	vst v9;
	v9 =	vadd.f32 v8, v1;
	v8 =	vld [tilespmem:s18+$0x70]  }
0x51: {  	s18 =	sadd.s32 $0x100, s18;
	v4 =	vld [tilespmem:s7+$0xFFFFFFF0];
	[tilespmem:s7+$0x10] =	vst v10;
	v10 =	vadd.f32 v11, v0  }
0x52: {  	[tilespmem:s7+$0x20] =	vst v9;
	v3 =	vadd.f32 v5, v3  }
0x53: {  	s10 =	sand.u32 $0x7, s10;
	[tilespmem:s7+$0x30] =	vst v10;
	v2 =	vadd.f32 v6, v2  }
0x54: {  	s10 =	smul.u32 $0x190000, s10;
	[tilespmem:s7+$0x40] =	vst v3;
	v1 =	vadd.f32 v7, v1  }
0x55: {  	[tilespmem:s7+$0x50] =	vst v2;
	v2 =	vadd.f32 v8, v0  }
0x56: {  	s4 =	sadd.s32 s4, s10;
	v0 =	vadd.f32 v4, v0;
	[tilespmem:s7+$0x60] =	vst v1  }
0x57: {  	s4 =	sshrl.u32 s4, $0x3;
	[tilespmem:s7+$0x70] =	vst v2  }
0x58: {  	s10 =	simm.s32 $0x7200;
	s4 =	sadd.s32 s2, s4;
	[tilespmem:s7+$0xFFFFFFF0] =	vst v0;
	s7 =	sadd.s32 s19, s12  }
0x59: {  	[hbm4b:s4+s25] =	stream.strided.scatter [tilespmem:s10], [sflag:$0x6], $0x2000, s26, s25, $0x38;
	[tilespmem:$0x11200] =	vst v63  }
0x5a: {  	s17 =	sshrl.u32 s7, $0x6  }
0x5b: {  	s10 =	simm.s32 @!p0 $0x9;
	s4 =	ssub.s32 s17, s6  }
0x5c: {  	s18 =	sshll.u32 s7, $0x4;
	s17 =	sshll.u32 s7, $0xA;
	s4 =	sshll.u32 s4, $0xF  }
0x5d: {  	_ =	swait.ge @!p0 [sflag:s10], $0x2000;
	s17 =	sand.u32 $0x1C00, s17;
	s4 =	sshra.s32 s4, $0x2  }
0x5e: {  	s18 =	sand.u32 $0x380, s18;
	[sflag:s10] =	ssyncset.done @!p0 $0x0;
	s4 =	sor.u32 s17, s4  }
0x5f: {  	[sflag:s10] =	ssyncadd.s32 @!p0 $0xFFFFE000;
	s4 =	sor.u32 s18, s4  }
0x60: {  	[tilespmem:s28], [sflag:$0x4] =	stream.indirect.gather [hbm4b:s5+s20], $0x40, s4, s20, $0xb8;
	[tilespmem:$0x11200] =	vst v63  }
0x61: {  	s18 =	sadd.s32 s19, s13;
	_ =	swait.ge [sflag:s29], $0x2000  }
0x62: {  	s21 =	sshll.u32 s18, $0x3;
	[sflag:s29] =	ssyncset.done $0x0  }
0x63: {  	s4 =	sand.u32 $0x7FFFFFC0, s21;
	[sflag:s29] =	ssyncadd.s32 $0xFFFFE000  }
0x64: {  	v3 =	vld [tilespmem:s4+$0x4000]  }
0x65: {  	v2 =	vld [tilespmem:s4+$0x4010]  }
0x66: {  	v0 =	vld [tilespmem:s4+$0x4020]  }
0x67: {  	s10 =	simm.s32 $0x92F0;
	v1 =	vld [tilespmem:s4+$0x4030]  }
0x68: {  	v4 =	vld [tilespmem:s10+$0xFFFFFF10]  }
0x69: {  	v5 =	vld [tilespmem:s10+$0xFFFFFF20]  }
0x6a: {  	v6 =	vld [tilespmem:s10+$0xFFFFFF30]  }
0x6b: {  	v7 =	vld [tilespmem:s10+$0xFFFFFF40]  }
0x6c: {  	v8 =	vld [tilespmem:s10+$0xFFFFFF50]  }
0x6d: {  	v9 =	vld [tilespmem:s10+$0xFFFFFF60];
	v4 =	vadd.f32 v4, v3  }
0x6e: {  	v10 =	vld [tilespmem:s10+$0xFFFFFF70];
	v5 =	vadd.f32 v5, v2  }
0x6f: {  	[tilespmem:s10+$0xFFFFFF10] =	vst v4;
	v4 =	vadd.f32 v6, v0;
	v6 =	vld [tilespmem:s10+$0xFFFFFF80]  }
0x70: {  	[tilespmem:s10+$0xFFFFFF20] =	vst v5;
	v5 =	vadd.f32 v7, v1;
	v7 =	vld [tilespmem:s10+$0xFFFFFF90]  }
0x71: {  	[tilespmem:s10+$0xFFFFFF30] =	vst v4;
	v4 =	vadd.f32 v8, v3;
	v8 =	vld [tilespmem:s10+$0xFFFFFFA0]  }
0x72: {  	v11 =	vld [tilespmem:s10+$0xFFFFFFB0];
	[tilespmem:s10+$0xFFFFFF40] =	vst v5;
	v5 =	vadd.f32 v9, v2  }
0x73: {  	v9 =	vadd.f32 v10, v0;
	[tilespmem:s10+$0xFFFFFF50] =	vst v4;
	v4 =	vld [tilespmem:s10+$0xFFFFFFC0]  }
0x74: {  	[tilespmem:s10+$0xFFFFFF60] =	vst v5;
	v5 =	vadd.f32 v6, v1;
	v6 =	vld [tilespmem:s10+$0xFFFFFFD0]  }
0x75: {  	[tilespmem:s10+$0xFFFFFF70] =	vst v9;
	v10 =	vadd.f32 v7, v3;
	v7 =	vld [tilespmem:s10+$0xFFFFFFE0]  }
0x76: {  	[tilespmem:s10+$0xFFFFFF80] =	vst v5;
	v5 =	vld [tilespmem:s10+$0x0];
	v9 =	vadd.f32 v8, v2  }
0x77: {  	s17 =	simm.s32 $0x0;
	s21 =	simm.s32 $0x93F0;
	[tilespmem:s10+$0xFFFFFF90] =	vst v10;
	v10 =	vadd.f32 v11, v0;
	v8 =	vld [tilespmem:s10+$0xFFFFFFF0]  }
.LBB2_5:
0x78: {  	v11 =	vld [tilespmem:s21+$0xFFFFFF10];
	[tilespmem:s10+$0xFFFFFFA0] =	vst v9;
	v4 =	vadd.f32 v4, v1  }
0x79: {  	v9 =	vld [tilespmem:s21+$0xFFFFFF20];
	[tilespmem:s10+$0xFFFFFFB0] =	vst v10;
	v6 =	vadd.f32 v6, v3  }
0x7a: {  	v10 =	vld [tilespmem:s21+$0xFFFFFF30];
	[tilespmem:s10+$0xFFFFFFC0] =	vst v4;
	v4 =	vadd.f32 v7, v2  }
0x7b: {  	v7 =	vld [tilespmem:s21+$0xFFFFFF40];
	[tilespmem:s10+$0xFFFFFFD0] =	vst v6;
	v5 =	vadd.f32 v5, v1  }
0x7c: {  	v6 =	vld [tilespmem:s21+$0xFFFFFF50];
	[tilespmem:s10+$0xFFFFFFE0] =	vst v4;
	v4 =	vadd.f32 v8, v0  }
0x7d: {  	v8 =	vadd.f32 v11, v3;
	v11 =	vld [tilespmem:s21+$0xFFFFFF60];
	[tilespmem:s10+$0x0] =	vst v5  }
0x7e: {  	v5 =	vadd.f32 v9, v2;
	v9 =	vld [tilespmem:s21+$0xFFFFFF70];
	[tilespmem:s10+$0xFFFFFFF0] =	vst v4;
	s10 =	smov.u32 s21  }
0x7f: {  	[tilespmem:s21+$0xFFFFFF10] =	vst v8;
	v4 =	vadd.f32 v10, v0;
	v8 =	vld [tilespmem:s21+$0xFFFFFF80]  }
0x80: {  	[tilespmem:s21+$0xFFFFFF20] =	vst v5;
	v5 =	vadd.f32 v7, v1;
	v7 =	vld [tilespmem:s21+$0xFFFFFF90]  }
0x81: {  	s17 =	sadd.s32 $0x4, s17;
	[tilespmem:s21+$0xFFFFFF30] =	vst v4;
	v4 =	vadd.f32 v6, v3;
	v10 =	vld [tilespmem:s21+$0xFFFFFFA0]  }
0x82: {  	p1 =	slt.u32 s17, $0x7C;
	[tilespmem:s21+$0xFFFFFF40] =	vst v5;
	v5 =	vadd.f32 v11, v2;
	v11 =	vld [tilespmem:s21+$0xFFFFFFB0]  }
.Ltmp1:
0x83: {  	[tilespmem:s21+$0xFFFFFF50] =	vst v4;
	v9 =	vadd.f32 v9, v0;
	v4 =	vld [tilespmem:s21+$0xFFFFFFC0];
	(pc) =	sbr.rel @p1 .LBB2_5-.Ltmp1, $4  }
0x84: {  	[tilespmem:s21+$0xFFFFFF60] =	vst v5;
	v5 =	vadd.f32 v8, v1;
	v6 =	vld [tilespmem:s21+$0xFFFFFFD0]  }
0x85: {  	[tilespmem:s21+$0xFFFFFF70] =	vst v9;
	v8 =	vadd.f32 v7, v3;
	v7 =	vld [tilespmem:s21+$0xFFFFFFE0]  }
0x86: {  	[tilespmem:s21+$0xFFFFFF80] =	vst v5;
	v9 =	vadd.f32 v10, v2;
	v5 =	vld [tilespmem:s21+$0x0]  }
0x87: {  	s21 =	sadd.s32 $0x100, s21;
	[tilespmem:s10+$0xFFFFFF90] =	vst v8;
	v10 =	vadd.f32 v11, v0;
	v8 =	vld [tilespmem:s10+$0xFFFFFFF0]  }
0x88: {  	[tilespmem:s10+$0xFFFFFFA0] =	vst v9;
	v4 =	vadd.f32 v4, v1  }
0x89: {  	s17 =	sand.u32 $0x7, s18;
	[tilespmem:s10+$0xFFFFFFB0] =	vst v10;
	v3 =	vadd.f32 v6, v3  }
0x8a: {  	s17 =	smul.u32 $0x190000, s17;
	[tilespmem:s10+$0xFFFFFFC0] =	vst v4;
	v2 =	vadd.f32 v7, v2  }
0x8b: {  	[tilespmem:s10+$0xFFFFFFD0] =	vst v3;
	v1 =	vadd.f32 v5, v1  }
0x8c: {  	s4 =	sadd.s32 s4, s17;
	[tilespmem:s10+$0xFFFFFFE0] =	vst v2;
	v0 =	vadd.f32 v8, v0  }
0x8d: {  	s4 =	sshrl.u32 s4, $0x3;
	[tilespmem:s10+$0x0] =	vst v1  }
0x8e: {  	s4 =	sadd.s32 s2, s4;
	[tilespmem:s10+$0xFFFFFFF0] =	vst v0  }
0x8f: {  	[hbm4b:s4+s25] =	stream.strided.scatter [tilespmem:s22], [sflag:$0x7], $0x2000, s26, s25, $0x38;
	[tilespmem:$0x11200] =	vst v63  }
0x90: {  	s4 =	sadd.s32 s19, s14  }
0x91: {  	s18 =	sshrl.u32 s4, $0x6  }
0x92: {  	s17 =	simm.s32 @!p0 $0xA;
	s10 =	ssub.s32 s18, s6  }
0x93: {  	_ =	swait.ge @!p0 [sflag:s17], $0x2000;
	s21 =	sshll.u32 s4, $0xA;
	s10 =	sshll.u32 s10, $0xF  }
0x94: {  	s18 =	sand.u32 $0x1C00, s21;
	s21 =	sshll.u32 s4, $0x4;
	s10 =	sshra.s32 s10, $0x2  }
0x95: {  	[sflag:s17] =	ssyncset.done @!p0 $0x0;
	s21 =	sand.u32 $0x380, s21;
	s10 =	sor.u32 s18, s10  }
0x96: {  	[sflag:s17] =	ssyncadd.s32 @!p0 $0xFFFFE000;
	s10 =	sor.u32 s21, s10  }
0x97: {  	[tilespmem:s30], [sflag:$0x5] =	stream.indirect.gather [hbm4b:s5+s20], $0x40, s10, s20, $0xb8;
	[tilespmem:$0x11200] =	vst v63  }
0x98: {  	_ =	swait.ge [sflag:s31], $0x2000  }
0x99: {  	s21 =	sshll.u32 s9, $0x3;
	[sflag:s31] =	ssyncset.done $0x0  }
0x9a: {  	s10 =	sand.u32 $0x7FFFFFC0, s21;
	[sflag:s31] =	ssyncadd.s32 $0xFFFFE000  }
0x9b: {  	v2 =	vld [tilespmem:s10+$0x4000]  }
0x9c: {  	v3 =	vld [tilespmem:s10+$0x4010]  }
0x9d: {  	v0 =	vld [tilespmem:s10+$0x4020]  }
0x9e: {  	s18 =	simm.s32 $0xB200;
	v1 =	vld [tilespmem:s10+$0x4030]  }
0x9f: {  	v5 =	vld [tilespmem:s18+$0xA0]  }
0xa0: {  	v6 =	vld [tilespmem:s18+$0x40]  }
0xa1: {  	v7 =	vld [tilespmem:s18+$0xE0]  }
0xa2: {  	v8 =	vld [tilespmem:s18+$0xD0]  }
0xa3: {  	v9 =	vld [tilespmem:s18+$0x20]  }
0xa4: {  	v4 =	vld [tilespmem:s18+$0x90]  }
0xa5: {  	v12 =	vld [tilespmem:s18+$0xC0]  }
0xa6: {  	v11 =	vld [tilespmem:s18+$0x10]  }
0xa7: {  	v13 =	vld [tilespmem:s18+$0x0];
	v5 =	vadd.f32 v5, v0  }
0xa8: {  	v15 =	vld [tilespmem:s18+$0x50];
	v8 =	vadd.f32 v8, v3  }
0xa9: {  	v14 =	vld [tilespmem:s18+$0xB0];
	v16 =	vadd.f32 v9, v0;
	[tilespmem:s18+$0xA0] =	vst v5  }
0xaa: {  	v10 =	vld [tilespmem:s18+$0xF0];
	v17 =	vadd.f32 v12, v2;
	[tilespmem:s18+$0xD0] =	vst v8  }
0xab: {  	v5 =	vadd.f32 v6, v2;
	v8 =	vld [tilespmem:s18+$0x80];
	[tilespmem:s18+$0x20] =	vst v16  }
0xac: {  	v6 =	vadd.f32 v7, v0;
	v7 =	vld [tilespmem:s18+$0x70];
	[tilespmem:s18+$0xC0] =	vst v17  }
0xad: {  	v12 =	vadd.f32 v13, v2;
	v9 =	vld [tilespmem:s18+$0x60];
	v13 =	vadd.f32 v15, v3;
	[tilespmem:s18+$0x40] =	vst v5  }
0xae: {  	s17 =	simm.s32 $0x0;
	s21 =	simm.s32 $0xB300;
	[tilespmem:s18+$0xE0] =	vst v6;
	v5 =	vadd.f32 v11, v3;
	v11 =	vld [tilespmem:s18+$0x30];
	v6 =	vadd.f32 v14, v1  }
.LBB2_7:
0xaf: {  	v14 =	vld [tilespmem:s21+$0xA0];
	s17 =	sadd.s32 $0x4, s17;
	[tilespmem:s18+$0x0] =	vst v12;
	v4 =	vadd.f32 v4, v3;
	v10 =	vadd.f32 v10, v1  }
0xb0: {  	v12 =	vld [tilespmem:s21+$0x40];
	p0 =	slt.u32 s17, $0x7C;
	[tilespmem:s18+$0x50] =	vst v13;
	v8 =	vadd.f32 v8, v2  }
0xb1: {  	v13 =	vld [tilespmem:s21+$0xE0];
	v7 =	vadd.f32 v7, v1;
	[tilespmem:s18+$0xF0] =	vst v10  }
0xb2: {  	v15 =	vld [tilespmem:s21+$0x20];
	v9 =	vadd.f32 v9, v0;
	[tilespmem:s18+$0x80] =	vst v8  }
0xb3: {  	v8 =	vld [tilespmem:s21+$0xD0];
	v10 =	vadd.f32 v11, v1;
	[tilespmem:s18+$0x90] =	vst v4  }
0xb4: {  	v4 =	vld [tilespmem:s21+$0x90];
	v11 =	vadd.f32 v14, v0;
	[tilespmem:s18+$0x10] =	vst v5  }
0xb5: {  	v5 =	vld [tilespmem:s21+$0x10];
	[tilespmem:s18+$0x30] =	vst v10  }
0xb6: {  	v14 =	vld [tilespmem:s21+$0xC0];
	v13 =	vadd.f32 v13, v0;
	[tilespmem:s18+$0xB0] =	vst v6  }
0xb7: {  	v6 =	vld [tilespmem:s21+$0x0];
	[tilespmem:s18+$0x70] =	vst v7  }
0xb8: {  	v16 =	vld [tilespmem:s21+$0xB0];
	v7 =	vadd.f32 v8, v3;
	[tilespmem:s18+$0x60] =	vst v9;
	s18 =	smov.u32 s21  }
0xb9: {  	v17 =	vld [tilespmem:s21+$0x50];
	[tilespmem:s21+$0xA0] =	vst v11  }
.Ltmp2:
0xba: {  	v9 =	vadd.f32 v12, v2;
	[tilespmem:s21+$0xD0] =	vst v7;
	v10 =	vld [tilespmem:s21+$0xF0];
	(pc) =	sbr.rel @p0 .LBB2_7-.Ltmp2, $4  }
0xbb: {  	v8 =	vld [tilespmem:s21+$0x80];
	v11 =	vadd.f32 v14, v2;
	[tilespmem:s21+$0xE0] =	vst v13  }
0xbc: {  	v13 =	vadd.f32 v15, v0;
	[tilespmem:s21+$0x40] =	vst v9;
	v7 =	vld [tilespmem:s21+$0x70]  }
0xbd: {  	v5 =	vadd.f32 v5, v3;
	v12 =	vadd.f32 v6, v2;
	v9 =	vld [tilespmem:s21+$0x60];
	[tilespmem:s21+$0xC0] =	vst v11  }
0xbe: {  	v6 =	vadd.f32 v16, v1;
	s21 =	sadd.s32 $0x100, s21;
	[tilespmem:s18+$0x20] =	vst v13;
	v11 =	vld [tilespmem:s18+$0x30];
	v13 =	vadd.f32 v17, v3  }
0xbf: {  	[tilespmem:s18+$0x0] =	vst v12  }
0xc0: {  	[tilespmem:s18+$0x10] =	vst v5  }
0xc1: {  	v10 =	vadd.f32 v10, v1;
	[tilespmem:s18+$0x50] =	vst v13  }
0xc2: {  	v3 =	vadd.f32 v4, v3;
	[tilespmem:s18+$0xB0] =	vst v6  }
0xc3: {  	s9 =	sand.u32 $0x7, s9;
	v2 =	vadd.f32 v8, v2;
	[tilespmem:s18+$0xF0] =	vst v10  }
0xc4: {  	s9 =	smul.u32 $0x190000, s9;
	[tilespmem:s18+$0x90] =	vst v3;
	v0 =	vadd.f32 v9, v0  }
0xc5: {  	[tilespmem:s18+$0x80] =	vst v2;
	v2 =	vadd.f32 v11, v1  }
0xc6: {  	s9 =	sadd.s32 s10, s9;
	v1 =	vadd.f32 v7, v1;
	[tilespmem:s18+$0x60] =	vst v0  }
0xc7: {  	s9 =	sshrl.u32 s9, $0x3;
	[tilespmem:s18+$0x30] =	vst v2  }
0xc8: {  	p0 =	seq.s32 s8, $0x9;
	s9 =	sadd.s32 s2, s9;
	[tilespmem:s18+$0x70] =	vst v1  }
0xc9: {  	[hbm4b:s9+s25] =	stream.strided.scatter [tilespmem:s23], [sflag:$0x8], $0x2000, s26, s25, $0x38;
	[tilespmem:$0x11200] =	vst v63  }
0xca: {  	s9 =	sadd.s32 @!p0 s19, s15  }
0xcb: {  	s10 =	simm.s32 @!p0 $0x6;
	s17 =	sshrl.u32 @!p0 s9, $0x6  }
0xcc: {  	_ =	swait.ge @!p0 [sflag:s10], $0x2000;
	s17 =	ssub.s32 @!p0 s17, s6  }
0xcd: {  	s18 =	sshll.u32 @!p0 s9, $0xA;
	s9 =	sshll.u32 @!p0 s9, $0x4;
	s17 =	sshll.u32 @!p0 s17, $0xF  }
0xce: {  	[sflag:s10] =	ssyncset.done @!p0 $0x0;
	s18 =	sand.u32 @!p0 $0x1C00, s18;
	s17 =	sshra.s32 @!p0 s17, $0x2  }
0xcf: {  	s9 =	sand.u32 @!p0 $0x380, s9;
	[sflag:s10] =	ssyncadd.s32 @!p0 $0xFFFFE000;
	s10 =	sor.u32 @!p0 s18, s17  }
0xd0: {  	s17 =	simm.s32 @!p0 $0x7200;
	s9 =	sor.u32 @!p0 s9, s10;
	s10 =	simm.s32 @!p0 $0x80  }
0xd1: {  	[tilespmem:s17], [sflag:$0x1] =	stream.indirect.gather @!p0 [hbm4b:s5+s10], $0x40, s9, s10, $0xb8;
	[tilespmem:$0x11200] =	vst v63  }
0xd2: {  	_ =	swait.ge [sflag:s1], $0x2000  }
0xd3: {  	s21 =	sshll.u32 s7, $0x3;
	[sflag:s1] =	ssyncset.done $0x0  }
0xd4: {  	s9 =	sand.u32 $0x7FFFFFC0, s21;
	[sflag:s1] =	ssyncadd.s32 $0xFFFFE000  }
0xd5: {  	v2 =	vld [tilespmem:s9+$0x4000]  }
0xd6: {  	v3 =	vld [tilespmem:s9+$0x4010]  }
0xd7: {  	v0 =	vld [tilespmem:s9+$0x4020]  }
0xd8: {  	s10 =	simm.s32 $0xD200;
	v1 =	vld [tilespmem:s9+$0x4030]  }
0xd9: {  	v5 =	vld [tilespmem:s10+$0xA0]  }
0xda: {  	v6 =	vld [tilespmem:s10+$0x40]  }
0xdb: {  	v7 =	vld [tilespmem:s10+$0xE0]  }
0xdc: {  	v8 =	vld [tilespmem:s10+$0xD0]  }
0xdd: {  	v9 =	vld [tilespmem:s10+$0x20]  }
0xde: {  	v4 =	vld [tilespmem:s10+$0x90]  }
0xdf: {  	v12 =	vld [tilespmem:s10+$0xC0]  }
0xe0: {  	v11 =	vld [tilespmem:s10+$0x10]  }
0xe1: {  	v13 =	vld [tilespmem:s10+$0x0];
	v5 =	vadd.f32 v5, v0  }
0xe2: {  	v15 =	vld [tilespmem:s10+$0x50];
	v8 =	vadd.f32 v8, v3  }
0xe3: {  	v14 =	vld [tilespmem:s10+$0xB0];
	v16 =	vadd.f32 v9, v0;
	[tilespmem:s10+$0xA0] =	vst v5  }
0xe4: {  	v10 =	vld [tilespmem:s10+$0xF0];
	v17 =	vadd.f32 v12, v2;
	[tilespmem:s10+$0xD0] =	vst v8  }
0xe5: {  	v5 =	vadd.f32 v6, v2;
	v8 =	vld [tilespmem:s10+$0x80];
	[tilespmem:s10+$0x20] =	vst v16  }
0xe6: {  	v6 =	vadd.f32 v7, v0;
	v7 =	vld [tilespmem:s10+$0x70];
	[tilespmem:s10+$0xC0] =	vst v17  }
0xe7: {  	v12 =	vadd.f32 v13, v2;
	v9 =	vld [tilespmem:s10+$0x60];
	v13 =	vadd.f32 v15, v3;
	[tilespmem:s10+$0x40] =	vst v5  }
0xe8: {  	s18 =	simm.s32 $0xD300;
	s17 =	simm.s32 $0x0;
	[tilespmem:s10+$0xE0] =	vst v6;
	v5 =	vadd.f32 v11, v3;
	v11 =	vld [tilespmem:s10+$0x30];
	v6 =	vadd.f32 v14, v1  }
.LBB2_9:
0xe9: {  	v14 =	vld [tilespmem:s18+$0xA0];
	s17 =	sadd.s32 $0x4, s17;
	[tilespmem:s10+$0x0] =	vst v12;
	v4 =	vadd.f32 v4, v3;
	v10 =	vadd.f32 v10, v1  }
0xea: {  	v12 =	vld [tilespmem:s18+$0x40];
	p1 =	slt.u32 s17, $0x7C;
	[tilespmem:s10+$0x50] =	vst v13;
	v8 =	vadd.f32 v8, v2  }
0xeb: {  	v13 =	vld [tilespmem:s18+$0xE0];
	v7 =	vadd.f32 v7, v1;
	[tilespmem:s10+$0xF0] =	vst v10  }
0xec: {  	v15 =	vld [tilespmem:s18+$0x20];
	v9 =	vadd.f32 v9, v0;
	[tilespmem:s10+$0x80] =	vst v8  }
0xed: {  	v8 =	vld [tilespmem:s18+$0xD0];
	v10 =	vadd.f32 v11, v1;
	[tilespmem:s10+$0x90] =	vst v4  }
0xee: {  	v4 =	vld [tilespmem:s18+$0x90];
	v11 =	vadd.f32 v14, v0;
	[tilespmem:s10+$0x10] =	vst v5  }
0xef: {  	v5 =	vld [tilespmem:s18+$0x10];
	[tilespmem:s10+$0x30] =	vst v10  }
0xf0: {  	v14 =	vld [tilespmem:s18+$0xC0];
	v13 =	vadd.f32 v13, v0;
	[tilespmem:s10+$0xB0] =	vst v6  }
0xf1: {  	v6 =	vld [tilespmem:s18+$0x0];
	[tilespmem:s10+$0x70] =	vst v7  }
0xf2: {  	v16 =	vld [tilespmem:s18+$0xB0];
	v7 =	vadd.f32 v8, v3;
	[tilespmem:s10+$0x60] =	vst v9;
	s10 =	smov.u32 s18  }
0xf3: {  	v17 =	vld [tilespmem:s18+$0x50];
	[tilespmem:s18+$0xA0] =	vst v11  }
.Ltmp3:
0xf4: {  	v9 =	vadd.f32 v12, v2;
	[tilespmem:s18+$0xD0] =	vst v7;
	v10 =	vld [tilespmem:s18+$0xF0];
	(pc) =	sbr.rel @p1 .LBB2_9-.Ltmp3, $4  }
0xf5: {  	v8 =	vld [tilespmem:s18+$0x80];
	v11 =	vadd.f32 v14, v2;
	[tilespmem:s18+$0xE0] =	vst v13  }
0xf6: {  	v13 =	vadd.f32 v15, v0;
	[tilespmem:s18+$0x40] =	vst v9;
	v7 =	vld [tilespmem:s18+$0x70]  }
0xf7: {  	v5 =	vadd.f32 v5, v3;
	v12 =	vadd.f32 v6, v2;
	v9 =	vld [tilespmem:s18+$0x60];
	[tilespmem:s18+$0xC0] =	vst v11  }
0xf8: {  	v6 =	vadd.f32 v16, v1;
	s18 =	sadd.s32 $0x100, s18;
	[tilespmem:s10+$0x20] =	vst v13;
	v11 =	vld [tilespmem:s10+$0x30];
	v13 =	vadd.f32 v17, v3  }
0xf9: {  	[tilespmem:s10+$0x0] =	vst v12  }
0xfa: {  	[tilespmem:s10+$0x10] =	vst v5  }
0xfb: {  	v10 =	vadd.f32 v10, v1;
	[tilespmem:s10+$0x50] =	vst v13  }
0xfc: {  	v3 =	vadd.f32 v4, v3;
	[tilespmem:s10+$0xB0] =	vst v6  }
0xfd: {  	s7 =	sand.u32 $0x7, s7;
	v2 =	vadd.f32 v8, v2;
	[tilespmem:s10+$0xF0] =	vst v10  }
0xfe: {  	s7 =	smul.u32 $0x190000, s7;
	[tilespmem:s10+$0x90] =	vst v3;
	v0 =	vadd.f32 v9, v0  }
0xff: {  	[tilespmem:s10+$0x80] =	vst v2;
	v2 =	vadd.f32 v11, v1  }
0x100: {  	s7 =	sadd.s32 s9, s7;
	v1 =	vadd.f32 v7, v1;
	[tilespmem:s10+$0x60] =	vst v0  }
0x101: {  	s7 =	sshrl.u32 s7, $0x3;
	[tilespmem:s10+$0x30] =	vst v2  }
0x102: {  	s7 =	sadd.s32 s2, s7;
	[tilespmem:s10+$0x70] =	vst v1  }
0x103: {  	[hbm4b:s7+s25] =	stream.strided.scatter [tilespmem:s28], [sflag:$0x9], $0x2000, s26, s25, $0x38;
	[tilespmem:$0x11200] =	vst v63  }
0x104: {  	s7 =	sadd.s32 @!p0 s19, s16  }
0x105: {  	s9 =	simm.s32 @!p0 $0x7;
	s10 =	sshrl.u32 @!p0 s7, $0x6  }
0x106: {  	_ =	swait.ge @!p0 [sflag:s9], $0x2000;
	s10 =	ssub.s32 @!p0 s10, s6  }
0x107: {  	s17 =	sshll.u32 @!p0 s7, $0xA;
	s7 =	sshll.u32 @!p0 s7, $0x4;
	s10 =	sshll.u32 @!p0 s10, $0xF  }
0x108: {  	[sflag:s9] =	ssyncset.done @!p0 $0x0;
	s17 =	sand.u32 @!p0 $0x1C00, s17;
	s10 =	sshra.s32 @!p0 s10, $0x2  }
0x109: {  	s7 =	sand.u32 @!p0 $0x380, s7;
	[sflag:s9] =	ssyncadd.s32 @!p0 $0xFFFFE000;
	s9 =	sor.u32 @!p0 s17, s10  }
0x10a: {  	s10 =	simm.s32 @!p0 $0x9200;
	s7 =	sor.u32 @!p0 s7, s9;
	s9 =	simm.s32 @!p0 $0x80  }
0x10b: {  	[tilespmem:s10], [sflag:$0x2] =	stream.indirect.gather @!p0 [hbm4b:s5+s9], $0x40, s7, s9, $0xb8;
	[tilespmem:$0x11200] =	vst v63  }
0x10c: {  	_ =	swait.ge [sflag:s0], $0x2000  }
0x10d: {  	s21 =	sshll.u32 s4, $0x3;
	[sflag:s0] =	ssyncset.done $0x0  }
0x10e: {  	s7 =	sand.u32 $0x7FFFFFC0, s21;
	[sflag:s0] =	ssyncadd.s32 $0xFFFFE000  }
0x10f: {  	v2 =	vld [tilespmem:s7+$0x4000]  }
0x110: {  	v3 =	vld [tilespmem:s7+$0x4010]  }
0x111: {  	v0 =	vld [tilespmem:s7+$0x4020]  }
0x112: {  	s9 =	simm.s32 $0xF200;
	v1 =	vld [tilespmem:s7+$0x4030]  }
0x113: {  	v5 =	vld [tilespmem:s9+$0xA0]  }
0x114: {  	v6 =	vld [tilespmem:s9+$0x40]  }
0x115: {  	v7 =	vld [tilespmem:s9+$0xE0]  }
0x116: {  	v8 =	vld [tilespmem:s9+$0xD0]  }
0x117: {  	v9 =	vld [tilespmem:s9+$0x20]  }
0x118: {  	v4 =	vld [tilespmem:s9+$0x90]  }
0x119: {  	v12 =	vld [tilespmem:s9+$0xC0]  }
0x11a: {  	v11 =	vld [tilespmem:s9+$0x10]  }
0x11b: {  	v13 =	vld [tilespmem:s9+$0x0];
	v5 =	vadd.f32 v5, v0  }
0x11c: {  	v15 =	vld [tilespmem:s9+$0x50];
	v8 =	vadd.f32 v8, v3  }
0x11d: {  	v14 =	vld [tilespmem:s9+$0xB0];
	v16 =	vadd.f32 v9, v0;
	[tilespmem:s9+$0xA0] =	vst v5  }
0x11e: {  	v10 =	vld [tilespmem:s9+$0xF0];
	v17 =	vadd.f32 v12, v2;
	[tilespmem:s9+$0xD0] =	vst v8  }
0x11f: {  	v5 =	vadd.f32 v6, v2;
	v8 =	vld [tilespmem:s9+$0x80];
	[tilespmem:s9+$0x20] =	vst v16  }
0x120: {  	v6 =	vadd.f32 v7, v0;
	v7 =	vld [tilespmem:s9+$0x70];
	[tilespmem:s9+$0xC0] =	vst v17  }
0x121: {  	v12 =	vadd.f32 v13, v2;
	v9 =	vld [tilespmem:s9+$0x60];
	v13 =	vadd.f32 v15, v3;
	[tilespmem:s9+$0x40] =	vst v5  }
0x122: {  	s17 =	simm.s32 $0xF300;
	s10 =	simm.s32 $0x0;
	[tilespmem:s9+$0xE0] =	vst v6;
	v5 =	vadd.f32 v11, v3;
	v11 =	vld [tilespmem:s9+$0x30];
	v6 =	vadd.f32 v14, v1  }
.LBB2_11:
0x123: {  	v14 =	vld [tilespmem:s17+$0xA0];
	s10 =	sadd.s32 $0x4, s10;
	[tilespmem:s9+$0x0] =	vst v12;
	v4 =	vadd.f32 v4, v3;
	v10 =	vadd.f32 v10, v1  }
0x124: {  	v12 =	vld [tilespmem:s17+$0x40];
	p0 =	slt.u32 s10, $0x7C;
	[tilespmem:s9+$0x50] =	vst v13;
	v8 =	vadd.f32 v8, v2  }
0x125: {  	v13 =	vld [tilespmem:s17+$0xE0];
	v7 =	vadd.f32 v7, v1;
	[tilespmem:s9+$0xF0] =	vst v10  }
0x126: {  	v15 =	vld [tilespmem:s17+$0x20];
	v9 =	vadd.f32 v9, v0;
	[tilespmem:s9+$0x80] =	vst v8  }
0x127: {  	v8 =	vld [tilespmem:s17+$0xD0];
	v10 =	vadd.f32 v11, v1;
	[tilespmem:s9+$0x90] =	vst v4  }
0x128: {  	v4 =	vld [tilespmem:s17+$0x90];
	v11 =	vadd.f32 v14, v0;
	[tilespmem:s9+$0x10] =	vst v5  }
0x129: {  	v5 =	vld [tilespmem:s17+$0x10];
	[tilespmem:s9+$0x30] =	vst v10  }
0x12a: {  	v14 =	vld [tilespmem:s17+$0xC0];
	v13 =	vadd.f32 v13, v0;
	[tilespmem:s9+$0xB0] =	vst v6  }
0x12b: {  	v6 =	vld [tilespmem:s17+$0x0];
	[tilespmem:s9+$0x70] =	vst v7  }
0x12c: {  	v16 =	vld [tilespmem:s17+$0xB0];
	v7 =	vadd.f32 v8, v3;
	[tilespmem:s9+$0x60] =	vst v9;
	s9 =	smov.u32 s17  }
0x12d: {  	v17 =	vld [tilespmem:s17+$0x50];
	[tilespmem:s17+$0xA0] =	vst v11  }
.Ltmp4:
0x12e: {  	v9 =	vadd.f32 v12, v2;
	[tilespmem:s17+$0xD0] =	vst v7;
	v10 =	vld [tilespmem:s17+$0xF0];
	(pc) =	sbr.rel @p0 .LBB2_11-.Ltmp4, $4  }
0x12f: {  	v8 =	vld [tilespmem:s17+$0x80];
	v11 =	vadd.f32 v14, v2;
	[tilespmem:s17+$0xE0] =	vst v13  }
0x130: {  	v13 =	vadd.f32 v15, v0;
	[tilespmem:s17+$0x40] =	vst v9;
	v7 =	vld [tilespmem:s17+$0x70]  }
0x131: {  	v5 =	vadd.f32 v5, v3;
	v12 =	vadd.f32 v6, v2;
	v9 =	vld [tilespmem:s17+$0x60];
	[tilespmem:s17+$0xC0] =	vst v11  }
0x132: {  	v6 =	vadd.f32 v16, v1;
	s17 =	sadd.s32 $0x100, s17;
	[tilespmem:s9+$0x20] =	vst v13;
	v11 =	vld [tilespmem:s9+$0x30];
	v13 =	vadd.f32 v17, v3  }
0x133: {  	[tilespmem:s9+$0x0] =	vst v12  }
0x134: {  	[tilespmem:s9+$0x10] =	vst v5  }
0x135: {  	v10 =	vadd.f32 v10, v1;
	[tilespmem:s9+$0x50] =	vst v13  }
0x136: {  	v3 =	vadd.f32 v4, v3;
	[tilespmem:s9+$0xB0] =	vst v6  }
0x137: {  	s4 =	sand.u32 $0x7, s4;
	s8 =	sadd.s32 $0x1, s8;
	v2 =	vadd.f32 v8, v2;
	[tilespmem:s9+$0xF0] =	vst v10  }
0x138: {  	s4 =	smul.u32 $0x190000, s4;
	p0 =	sne.s32 s8, $0xA;
	[tilespmem:s9+$0x90] =	vst v3;
	v63 =	vadd.f32 v7, v1  }
.Ltmp5:
0x139: {  	[tilespmem:s9+$0x80] =	vst v2;
	v0 =	vadd.f32 v9, v0;
	(pc) =	sbr.rel @p0 .LBB2_2-.Ltmp5, $4  }
0x13a: {  	s4 =	sadd.s32 s7, s4;
	v62 =	vadd.f32 v11, v1;
	[tilespmem:s9+$0x70] =	vst v63  }
0x13b: {  	s4 =	sshrl.u32 s4, $0x3;
	[tilespmem:s9+$0x60] =	vst v0  }
0x13c: {  	s4 =	sadd.s32 s2, s4;
	[tilespmem:s9+$0x30] =	vst v62  }
0x13d: {  	[hbm4b:s4+s25] =	stream.strided.scatter [tilespmem:s30], [sflag:$0xA], $0x2000, s26, s25, $0x38;
	[tilespmem:$0x11200] =	vst v63  }
0x13e: {  	s4 =	simm.s32 $0x6  }
0x13f: {  	_ =	swait.ge [sflag:s4], $0x2000  }
0x140: {  	[sflag:s4] =	ssyncset.done $0x0  }
0x141: {  	s17 =	simm.s32 $0x7;
	[sflag:s4] =	ssyncadd.s32 $0xFFFFE000  }
0x142: {  	_ =	swait.ge [sflag:s17], $0x2000  }
0x143: {  	[sflag:s17] =	ssyncset.done $0x0  }
0x144: {  	s18 =	simm.s32 $0x8;
	[sflag:s17] =	ssyncadd.s32 $0xFFFFE000  }
0x145: {  	_ =	swait.ge [sflag:s18], $0x2000  }
0x146: {  	[sflag:s18] =	ssyncset.done $0x0  }
0x147: {  	s19 =	simm.s32 $0x9;
	[sflag:s18] =	ssyncadd.s32 $0xFFFFE000  }
0x148: {  	_ =	swait.ge [sflag:s19], $0x2000  }
0x149: {  	[sflag:s19] =	ssyncset.done $0x0  }
0x14a: {  	s7 =	simm.s32 $0xA;
	[sflag:s19] =	ssyncadd.s32 $0xFFFFE000  }
0x14b: {  	_ =	swait.ge [sflag:s7], $0x2000  }
0x14c: {  	s8 =	rddreg [dreg:$0x9]  }
0x14d: {  	s21 =	rddreg [dreg:$0x8];
	s8 =	sadd.s32 $0x1, s8  }
0x14e: {  	p0 =	sne.s32 s8, s21  }
.Ltmp6:
0x14f: {  	_ = 	snop;
	(pc) =	sbr.rel @p0 .LBB2_1-.Ltmp6, $3  }
0x150: {  	_ =	sdelay $0x1  }
0x151: {  	[sflag:s7] =	ssyncset.done $0x0  }
0x152: {  	[sflag:s7] =	ssyncadd.s32 $0xFFFFE000  }
0x153: {  	_ =	sfence.sel $0x180000  }
0x154: {  	[bflag:$0x0] =	sbarrier.arrive $0xFFFF  }
0x155: {  	_ =	strace $0x90000047  }
0x156: {  	s0 =	stileid.u32;
	[bflag:$0x2] =	sbarrier.arrive $0xFFFF  }
0x157: {  	p0 =	sne.s32 s0, $0x0;
	s0 =	rddreg [dreg:$0x3]  }
0x158: {  	s0 =	sadd.s32 @!p0 $0x100000, s0  }
0x159: {  	[sflag:s0] =	ssyncadd.tile.s32 @!p0 $0x1;
	_ =	shalt  }
.Lfunc_end2:
_tile_overlayer_lowered:
.L_overlay_start_2:
0x15a: {  	(tag) =	ssettag $0x2  }
0x15b: {  	s0 =	rddreg [dreg:$0x0];
	s2 =	stileid.u32  }
0x15c: {  	s1 =	rddreg [dreg:$0x1];
	p0 =	sne.s32 s2, $0x0  }
0x15d: {  	s3 =	rddreg [dreg:$0x2];
	[bflag:$0x3] =	sbarrier.arrive $0xFFFF;
	s2 =	simm.s32 @!p0 $0x1C0B  }
0x15e: {  	[timem:s3], [sflag:s2] =	dma.local @!p0 [hbm:s0], s1  }
0x15f: {  	s0 =	simm.s32 @!p0 $0xB  }
0x160: {  	_ =	swait.ge @!p0 [sflag:s0], s1  }
0x161: {  	s1 =	ssub.s32 @!p0 $0x0, s1;
	[sflag:s0] =	ssyncset.done @!p0 $0x0  }
0x162: {  	[sflag:s0] =	ssyncadd.s32 @!p0 s1  }
0x163: {  	[bflag:$0x3] =	sbarrier.arrive $0xFFFF  }
0x164: {  	_ =	shalt  }

// kernel: sparse-core-data-format-call.cloned.1.call-start
scs
called_computation_lowered:
.L_overlay_start_0:
0x0: {  	s2 =	sld [smem:$0x3FD9]  }
0x1: {  	s3 =	sld [smem:$0x3FFE];
	_ =	sdelay $0x1  }
0x2: {  	s1 =	srdreg.scid  }
0x3: {  	s0 =	sand.u32 $0x1, s1  }
0x4: {  	s18 =	sshll.u32 s0, $0xA;
	s2 =	sadd.s32 s3, s2  }
0x5: {  	s2 =	sadd.s32 s2, s18  }
0x6: {  	[smem:$0x3FC5] =	sst s2  }
0x7: {  	_ = 	snop  }
0x8: {  	s2 =	sld [smem:$0x3FD0];
	(tm) =	ssettm $0x1  }
0x9: {  	s19 =	sld [smem:$0x3FFB];
	_ =	sdelay $0x3  }
0xa: {  	_ =	strace s19  }
0xb: {  	s3 =	sld [smem:$0x3FFC];
	_ =	sdelay $0x3  }
0xc: {  	_ =	strace s3  }
0xd: {  	s3 =	sld [smem:$0x3FFD];
	_ =	sdelay $0x3  }
0xe: {  	_ =	strace s3  }
0xf: {  	_ =	strace $0x8FFFFFFF  }
0x10: {  	s20 =	sld [smem:$0x3FDB];
	_ =	sdelay $0x1  }
0x11: {  	s4 =	simm.s32 $_scs_section_size  }
0x12: {  	s5 =	simm.s32 $_size__tile_overlayer_lowered;
	s6 =	simm.s32 $_tile_overlayer_lowered  }
0x13: {  	s23 =	simm.s32 $0x1BFF;
	s22 =	sshll.u32 s6, $0x1;
	s3 =	sadd.s32 s4, s20  }
0x14: {  	s7 =	simm.s32 $0x0;
	s21 =	sshll.u32 s5, $0x1;
	s5 =	sadd.s32 s22, s3  }
0x15: {  	[timem:s7], [sflag:s23] =	dma.local [hbm:s5], s21  }
0x16: {  	_ =	swait.ge [sflag:s23], s21  }
0x17: {  	s4 =	ssub.s32 $0x0, s21;
	[sflag:s23] =	ssyncset.done $0x0  }
0x18: {  	[sflag:s23] =	ssyncadd.s32 s4;
	_ =	sdelay $0x1  }
0x19: {  	s24 =	simm.s32 $0x1B8B  }
0x1a: {  	_ =	swait.ge [sflag:s24], $0x1  }
0x1b: {  	[sflag:s24] =	ssyncset.done $0x0  }
0x1c: {  	s26 =	simm.s32 $0x1B8E;
	s25 =	sld [smem:$0x3FFE];
	[sflag:s24] =	ssyncadd.s32 $0xFFFFFFFF  }
0x1d: {  	s27 =	simm.s32 $execute0_lowered;
	[smem:$0x3FD2] =	sst s26  }
0x1e: {  	s5 =	sshll.u32 s27, $0x1;
	_ =	strace $0x80000049;
	[dreg:$0x1] =	wrdreg $0xFFFFFFFF  }
0x1f: {  	s28 =	simm.s32 $_size_execute0_lowered;
	s3 =	sadd.s32 s3, s5;
	[dreg:$0x0] =	wrdreg $0x0  }
0x20: {  	s5 =	sshll.u32 s28, $0x1;
	[dreg:$0x2] =	wrdreg s3  }
0x21: {  	[dreg:$0x3] =	wrdreg s5  }
0x22: {  	[dreg:$0x4] =	wrdreg $0xC0  }
0x23: {  	_ =	task [dreg:s7], $0x5FFFF  }
0x24: {  	[dreg:$0x1] =	wrdreg $0xFFFFFFFF  }
0x25: {  	[dreg:$0x0] =	wrdreg $0x60  }
0x26: {  	[dreg:$0x2] =	wrdreg s25  }
0x27: {  	[dreg:$0x3] =	wrdreg s2  }
0x28: {  	[dreg:$0x4] =	wrdreg $0x9  }
0x29: {  	_ =	task.clear_ibuf [dreg:s7], $0x5FFFF;
	_ =	strace $0x90000049  }
0x2a: {  	s29 =	simm.s32 $0x9;
	_ =	strace $0x8000004B  }
0x2b: {  	_ =	swait.ge [sflag:s29], $0x1  }
0x2c: {  	[sflag:s29] =	ssyncadd.s32 $0xFFFFFFFF  }
0x2d: {  	_ =	strace $0x9000004B  }
0x2e: {  	_ =	sfence  }
0x2f: {  	s30 =	sld [smem:$0x0];
	_ =	sdelay $0x2  }
0x30: {  	s31 =	sshll.u32 s1, $0xD;
	s1 =	sshrl.u32 s1, $0x2  }
0x31: {  	s3 =	sand.u32 $0x4000, s31;
	s1 =	sadd.s32 s1, s30  }
0x32: {  	s0 =	sor.u32 s3, s0;
	s1 =	sshll.u32 s1, $0x11  }
0x33: {  	s0 =	sor.u32 s1, s0  }
0x34: {  	s0 =	sadd.s32 $0x8F2B, s0  }
0x35: {  	[sflag:s0] =	ssyncadd.remote.s32 $0x1  }
0x36: {  	_ =	sfence.sel $0xFFFF  }
0x37: {  	[dreg:$0x0] =	wrdreg $0xFFFFFFFF;
	(pc) =	sbr.abs _section_cstart, $3  }
0x38: {  	[dreg:$0x1] =	wrdreg $0xFFFFFFFF  }
0x39: {  	_ =	task.clear_ibuf [dreg:s7], $0x2FFFF;
	_ =	strace $0x9FFFFFFF  }
0x3a: {  	(tm) =	ssettm $0x7FFFFFFF  }
0x3b: {  	_ =	shalt  }
tec
execute0_lowered:
.L_overlay_start_1:
0x0: {  	(tag) =	ssettag $0x1  }
0x1: {  	s7 =	rddreg [dreg:$0x0];
	s0 =	stileid.u32  }
0x2: {  	s1 =	srdreg.scid;
	s2 =	rddreg [dreg:$0x1];
	s31 =	simm.s32 $0x2  }
0x3: {  	s14 =	simm.s32 $0x0;
	s13 =	simm.s32 $0x0;
	s12 =	simm.s32 $0x0  }
0x4: {  	s3 =	sshll.u32 s0, $0x7;
	s4 =	sshll.u32 s0, $0x4;
	s1 =	sshll.u32 s1, $0x8  }
0x5: {  	s3 =	sand.u32 $0x380, s3;
	s4 =	sor.u32 s4, s1;
	s1 =	rddreg [dreg:$0x2]  }
0x6: {  	_ =	strace $0x8000004A;
	s4 =	sand.u32 $0x180, s4;
	s5 =	ssub.s32 $0x400, s3  }
0x7: {  	s6 =	sand.u32 $0x380, s5;
	s8 =	ssub.s32 $0x3200, s4;
	s10 =	sshrl.u32 s5, $0xA  }
0x8: {  	p0 =	sne.s32 s6, $0x0;
	s6 =	simm.s32 $0x1;
	s9 =	sand.u32 $0x180, s8  }
0x9: {  	s6 =	simm.s32 @!p0 $0x0;
	p0 =	sne.s32 s9, $0x0;
	s9 =	simm.s32 $0x1  }
.Ltmp0:
0xa: {  	s8 =	sshrl.u32 s8, $0x9;
	s9 =	simm.s32 @!p0 $0x0;
	(pc) =	sbr.rel .LBB1_1-.Ltmp0, $4  }
0xb: {  	s5 =	simm.s32 $0x1;
	s6 =	sadd.s32 s6, s10;
	s8 =	sadd.s32 s9, s8  }
0xc: {  	s7 =	sadd.s32 $0xC00, s7;
	[sflag:s5] =	ssyncpa.u1 $0x0;
	s6 =	smul.u32 s6, s8  }
0xd: {  	s11 =	smov.u32 s3;
	[sflag:s31] =	ssyncpa.u1 $0x0;
	p0 =	por $0x0, $0x0  }
0xe: {  	s10 =	smov.u32 s4;
	s9 =	simm.s32 $0x2000;
	s8 =	sadd.s32 $0x1, s6  }
.LBB1_4:
0xf: {  	v5 =	vld [tilespmem:s18+$0xFFFFFFD0];
	[tilespmem:s17+$0x2040 ss:$0x81] =	vst.msk $0xffff, v4;
	s20 =	sshll.u32 s14, $0xA;
	s21 =	sshll.u32 s13, $0x3  }
0x10: {  	v58 =	vld [tilespmem:s18+$0xFFFFFFE0];
	[tilespmem:s17+$0x2850 ss:$0x81] =	vst.msk $0xffff, v3;
	s20 =	sand.u32 $0xFFFFE000, s20;
	s21 =	sand.u32 $0xFFFFFC00, s21  }
0x11: {  	s19 =	sshra.s32 s19, $0x2;
	v59 =	vld [tilespmem:s18+$0xFFFFFFF0];
	[tilespmem:s17+$0x3060 ss:$0x81] =	vst.msk $0xffff, v2;
	s20 =	sadd.s32 s21, s20  }
0x12: {  	v60 =	vld [tilespmem:s18+$0x0];
	[tilespmem:s17+$0x0 ss:$0x81] =	vst.msk $0xffff, v0;
	s16 =	sadd.s32 s19, s16;
	s26 =	sshrl.u32 s20, $0xA  }
0x13: {  	v61 =	vld [tilespmem:s18+$0x10];
	[tilespmem:s16+$0x3870 ss:$0x81] =	vst.msk $0xffff, v1;
	s27 =	smulhi.u32 $0x28F5C3, s26  }
0x14: {  	v62 =	vld [tilespmem:s18+$0x20];
	[tilespmem:s16+$0x810 ss:$0x81] =	vst.msk $0xffff, v5  }
0x15: {  	v63 =	vld [tilespmem:s18+$0xFFFFFFC0];
	s28 =	sshll.u32 s14, $0x7;
	[tilespmem:s16+$0x1020 ss:$0x81] =	vst.msk $0xffff, v58;
	s29 =	sshrl.u32 s27, $0x3  }
0x16: {  	s30 =	sand.u32 $0x78, s13;
	s14 =	sand.u32 $0x380, s28;
	[tilespmem:s16+$0x1830 ss:$0x81] =	vst.msk $0xffff, v59;
	s18 =	smul.u32 $0x3200, s29  }
0x17: {  	s14 =	sor.u32 s30, s14;
	[tilespmem:s16+$0x2040 ss:$0x81] =	vst.msk $0xffff, v60  }
0x18: {  	s31 =	sand.u32 $0x7, s13;
	s14 =	sshrl.u32 s14, $0x3;
	[tilespmem:s16+$0x2850 ss:$0x81] =	vst.msk $0xffff, v61;
	s17 =	ssub.s32 s26, s18  }
0x19: {  	s13 =	sshll.u32 s31, $0x12;
	s14 =	sadd.s32 s2, s14;
	[tilespmem:s16+$0x3060 ss:$0x81] =	vst.msk $0xffff, v62;
	s17 =	sshll.u32 s17, $0x7  }
0x1a: {  	s13 =	sor.u32 $0x400, s13;
	[tilespmem:s16+$0x0 ss:$0x81] =	vst.msk $0xffff, v63;
	s14 =	sadd.s32 s17, s14  }
0x1b: {  	[hbm4b:s14+s13] =	stream.strided.scatter [tilespmem:s15], [sflag:$0x2], $0x4000, s9, s13, $0x20;
	[tilespmem:$0x10100] =	vst v63  }
.LBB1_5:
0x1c: {  	s15 =	sadd.s32 $0x200, s10  }
0x1d: {  	s13 =	sadd.s32 $0x400, s11;
	s17 =	smov.u32 s11;
	p2 =	sgt.s32 s15, $0x31FF  }
0x1e: {  	s17 =	smov.u32 @p2 s13  }
0x1f: {  	s15 =	smov.u32 @p2 s4;
	p2 =	sgt.s32 s17, $0x3FF  }
0x20: {  	s17 =	smov.u32 @p2 s3;
	p2 =	sne.s32 s12, s8  }
.Ltmp1:
0x21: {  	p1 =	slt.u32 s12, $0x2;
	(pc) =	sbr.rel @!p2 .LBB1_6-.Ltmp1, $4  }
0x22: {  	s16 =	simm.s32 @!p1 $0x2  }
0x23: {  	s14 =	smov.u32 s10;
	p0 =	por !p0, !p0;
	_ =	swait.ge @!p1 [sflag:s16], $0x4000  }
0x24: {  	s13 =	smov.u32 s11;
	[sflag:s16] =	ssyncset.done @!p1 $0x0;
	s10 =	smov.u32 s15  }
0x25: {  	s12 =	sadd.s32 $0x1, s12;
	[sflag:s16] =	ssyncadd.s32 @!p1 $0xFFFFC000;
	s11 =	smov.u32 s17  }
.LBB1_1:
0x26: {  	p1 =	sge.u32 s12, s6  }
0x27: {  	s15 =	sshrl.u32 @!p1 s11, $0x3  }
0x28: {  	s16 =	sshll.u32 @!p1 s10, $0x3;
	s15 =	smul.u32 @!p1 $0x19000, s15  }
0x29: {  	s17 =	sshll.u32 @!p1 s11, $0x7;
	s16 =	sand.u32 @!p1 $0xFFFFFC00, s16  }
0x2a: {  	s15 =	sadd.s32 @!p1 s15, s16;
	s16 =	sand.u32 @!p1 $0x380, s17  }
0x2b: {  	s17 =	sand.u32 @!p1 $0x7F, s10;
	s15 =	sor.u32 @!p1 s16, s15  }
0x2c: {  	s16 =	sor.u32 @!p1 s17, s15  }
0x2d: {  	s17 =	smulhi.u32 @!p1 $0x51EB851F, s16;
	_ =	sdelay $0x1  }
0x2e: {  	s15 =	smulhi.u32 @!p1 $0x51EB851F, s15;
	s17 =	sshrl.u32 @!p1 s17, $0xC  }
0x2f: {  	s17 =	smul.u32 @!p1 $0x3200, s17  }
0x30: {  	s31 =	sadd.s32 $0xFFFFFFFF, s12;
	s18 =	sxor.u32 @!p1 $0xFFFFFFFF, s12;
	s15 =	sshrl.u32 @!p1 s15, $0xC  }
0x31: {  	s18 =	sshll.u32 @!p1 s18, $0xE;
	s15 =	sand.u32 @!p1 $0x3FF, s15;
	s16 =	ssub.s32 @!p1 s16, s17  }
0x32: {  	s15 =	smul.u32 @!p1 $0x640, s15;
	s17 =	sshrl.u32 @!p1 s16, $0x3;
	s16 =	sand.u32 @!p1 $0x7, s16  }
0x33: {  	s18 =	sand.u32 @!p1 $0x4000, s18;
	s17 =	sadd.s32 @!p1 s7, s17;
	s16 =	sshll.u32 @!p1 s16, $0x12  }
0x34: {  	s15 =	sadd.s32 @!p1 s15, s17;
	s16 =	sor.u32 @!p1 $0x400, s16;
	s17 =	simm.s32 @!p1 $0x19000  }
0x35: {  	[tilespmem:s18], [sflag:$0x1] =	stream.strided.gather @!p1 [hbm4b:s15+s16], $0x4000, s17, s16, $0x38;
	[tilespmem:$0x10100] =	vst v63  }
0x36: {  	p1 =	sge.u32 s31, s6  }
.Ltmp2:
0x37: {  	_ = 	snop;
	(pc) =	sbr.rel @p1 .LBB1_5-.Ltmp2, $1  }
0x38: {  	_ =	sdelay $0x3  }
0x39: {  	s15 =	simm.s32 $0x1  }
0x3a: {  	_ =	swait.ge [sflag:s5], $0x4000;
	s15 =	simm.s32 @!p0 $0x0  }
0x3b: {  	[sflag:s5] =	ssyncset.done $0x0;
	s16 =	sshll.u32 s15, $0xE  }
0x3c: {  	[sflag:s5] =	ssyncadd.s32 $0xFFFFC000;
	s18 =	sor.u32 $0x40, s16  }
0x3d: {  	s15 =	smul.u32 $0x10200, s15;
	v0 =	vld [tilespmem:s18+$0x30]  }
0x3e: {  	v1 =	vld [tilespmem:s18+$0xFFFFFFD0]  }
0x3f: {  	s15 =	sshrl.u32 s15, $0x2;
	v5 =	vld [tilespmem:s18+$0xFFFFFFE0]  }
0x40: {  	v6 =	vld [tilespmem:s18+$0xFFFFFFF0];
	s16 =	sor.u32 $0x8000, s15  }
0x41: {  	s31 =	sand.u32 $0x1, s12;
	v4 =	vld [tilespmem:s18+$0x0];
	s17 =	sadd.s32 $0x0, s16  }
0x42: {  	v3 =	vld [tilespmem:s18+$0x10];
	s15 =	smul.u32 $0x10200, s31;
	[tilespmem:s17+$0x3870 ss:$0x81] =	vst.msk $0xffff, v0  }
0x43: {  	v2 =	vld [tilespmem:s18+$0x20];
	[tilespmem:s17+$0x810 ss:$0x81] =	vst.msk $0xffff, v1  }
0x44: {  	s15 =	sshrl.u32 s15, $0x2;
	v0 =	vld [tilespmem:s18+$0xFFFFFFC0];
	[tilespmem:s17+$0x1020 ss:$0x81] =	vst.msk $0xffff, v5;
	s18 =	sadd.s32 $0x80, s18  }
0x45: {  	s19 =	simm.s32 $0x4;
	s20 =	simm.s32 $0x8;
	s15 =	sor.u32 $0x8000, s15;
	[tilespmem:s17+$0x1830 ss:$0x81] =	vst.msk $0xffff, v6;
	v1 =	vld [tilespmem:s18+$0x30]  }
.LBB1_3:
0x46: {  	p1 =	sne.s32 s20, $0x1FC;
	v5 =	vld [tilespmem:s18+$0xFFFFFFD0];
	[tilespmem:s17+$0x2040 ss:$0x81] =	vst.msk $0xffff, v4  }
0x47: {  	v6 =	vld [tilespmem:s18+$0xFFFFFFE0];
	[tilespmem:s17+$0x2850 ss:$0x81] =	vst.msk $0xffff, v3  }
0x48: {  	s21 =	sshra.s32 s19, $0x2;
	s19 =	smov.u32 s20;
	v7 =	vld [tilespmem:s18+$0xFFFFFFF0];
	[tilespmem:s17+$0x3060 ss:$0x81] =	vst.msk $0xffff, v2  }
.Ltmp3:
0x49: {  	v4 =	vld [tilespmem:s18+$0x0];
	[tilespmem:s17+$0x0 ss:$0x81] =	vst.msk $0xffff, v0;
	s17 =	sadd.s32 s21, s16;
	(pc) =	sbr.rel @p1 .LBB1_3-.Ltmp3, $4  }
0x4a: {  	v3 =	vld [tilespmem:s18+$0x10];
	[tilespmem:s17+$0x3870 ss:$0x81] =	vst.msk $0xffff, v1  }
0x4b: {  	[tilespmem:s17+$0x810 ss:$0x81] =	vst.msk $0xffff, v5;
	v2 =	vld [tilespmem:s18+$0x20]  }
0x4c: {  	v0 =	vld [tilespmem:s18+$0xFFFFFFC0];
	[tilespmem:s17+$0x1020 ss:$0x81] =	vst.msk $0xffff, v6;
	s18 =	sadd.s32 $0x80, s18  }
0x4d: {  	s20 =	sadd.s32 $0x4, s20;
	v1 =	vld [tilespmem:s18+$0x30];
	[tilespmem:s17+$0x1830 ss:$0x81] =	vst.msk $0xffff, v7  }
.Ltmp4:
0x4e: {  	_ = 	snop;
	(pc) =	sbr.rel .LBB1_4-.Ltmp4, $1  }
0x4f: {  	_ =	sdelay $0x3  }
.LBB1_6:
0x50: {  	_ =	sfence.sel $0x180000  }
0x51: {  	s2 =	simm.s32 $0x1;
	[bflag:$0x0] =	sbarrier.arrive $0xFFFF  }
0x52: {  	s31 =	simm.s32 $0x2;
	[sflag:s2] =	ssyncpa.u1 $0x1  }
0x53: {  	[sflag:s31] =	ssyncpa.u1 $0x1  }
0x54: {  	p0 =	sne.s32 s0, $0x0;
	_ =	strace $0x9000004A  }
0x55: {  	s0 =	sadd.s32 @!p0 $0x100000, s1;
	[bflag:$0x2] =	sbarrier.arrive $0xFFFF  }
0x56: {  	[sflag:s0] =	ssyncadd.tile.s32 @!p0 $0x1;
	_ =	shalt  }
.Lfunc_end1:
_tile_overlayer_lowered:
.L_overlay_start_2:
0x57: {  	(tag) =	ssettag $0x2  }
0x58: {  	s0 =	rddreg [dreg:$0x0];
	s2 =	stileid.u32  }
0x59: {  	s1 =	rddreg [dreg:$0x1];
	p0 =	sne.s32 s2, $0x0  }
0x5a: {  	s3 =	rddreg [dreg:$0x2];
	[bflag:$0x3] =	sbarrier.arrive $0xFFFF;
	s2 =	simm.s32 @!p0 $0x1C01  }
0x5b: {  	[timem:s3], [sflag:s2] =	dma.local @!p0 [hbm:s0], s1  }
0x5c: {  	s0 =	simm.s32 @!p0 $0x1  }
0x5d: {  	_ =	swait.ge @!p0 [sflag:s0], s1  }
0x5e: {  	s1 =	ssub.s32 @!p0 $0x0, s1;
	[sflag:s0] =	ssyncset.done @!p0 $0x0  }
0x5f: {  	[sflag:s0] =	ssyncadd.s32 @!p0 s1  }
0x60: {  	[bflag:$0x3] =	sbarrier.arrive $0xFFFF  }
0x61: {  	_ =	shalt  }

</sc_bundles>
